<compile_context>
chip_gen: v7x
topology: tpu7x:2x2x1
jax: 0.10.2.dev20260603
libtpu: 0.0.44.dev20260713+nightly
codegen_flags: <defaults>
</compile_context>

<pallas_src>
import functools
import jax
import jax.numpy as jnp
from jax import lax
from jax.experimental import pallas as pl
from jax.experimental.pallas import tpu as pltpu
from jax.experimental.pallas import tpu_sc as plsc

NC = 2
NS = 16
L = 16
NW = NC * NS
CHR = 125
CH2 = 128
GB = 2
GB2 = 8
IB = 8


def _mesh():
    return plsc.VectorSubcoreMesh(
        core_axis_name="c", subcore_axis_name="s", num_cores=NC, num_subcores=NS
    )


CC = 128


def _worker_range(wid, nch):
    bpw = nch // NW
    rem = nch % NW
    lo = wid * bpw + jnp.minimum(wid, rem)
    cnt = bpw + (wid < rem).astype(jnp.int32)
    return lo, cnt


def _sc_degree(ei, ones_hbm, npad, nch):
    ept = npad // NS

    @functools.partial(
        pl.kernel,
        out_type=jax.ShapeDtypeStruct((NC, npad), jnp.float32),
        mesh=_mesh(),
        scratch_types=[
            pltpu.VMEM((2, CC), jnp.int32),
            pltpu.VMEM((CC,), jnp.float32),
            pltpu.VMEM((ept,), jnp.float32),
            pltpu.VMEM_SHARED((npad,), jnp.float32),
            pltpu.SemaphoreType.DMA,
            pltpu.SemaphoreType.DMA,
        ],
    )
    def deg_kernel(ei_hbm, ones_hbm_ref, deg_out, idx_v, ones_v, buf_v, acc,
                   ssem0, ssem1):
        cid = lax.axis_index("c")
        sid = lax.axis_index("s")
        wid = cid * NS + sid
        base = sid * ept
        lo, cnt = _worker_range(wid, nch)
        ssems = [ssem0, ssem1]
        pltpu.sync_copy(ones_hbm_ref.at[pl.ds(0, CC)], ones_v)
        pltpu.sync_copy(ones_hbm_ref.at[pl.ds(base, ept)], buf_v)
        pltpu.sync_copy(buf_v, acc.at[pl.ds(base, ept)])
        plsc.subcore_barrier()

        def body(j, _):
            for b in range(2):
                @pl.when(lax.rem(j, 2) == b)
                def _step():
                    @pl.when(j >= 2)
                    def _drain():
                        pltpu.make_async_copy(
                            ones_v, acc.at[idx_v.at[b]], ssems[b]
                        ).wait()
                    pltpu.sync_copy(
                        ei_hbm.at[1, pl.ds((lo + j) * CC, CC)], idx_v.at[b]
                    )
                    pltpu.async_copy(
                        ones_v, acc.at[idx_v.at[b]], ssems[b], add=True
                    )
            return _

        lax.fori_loop(0, cnt, body, None)
        for b in range(2):
            @pl.when(cnt >= 1 + b)
            def _fin():
                pltpu.make_async_copy(
                    ones_v, acc.at[idx_v.at[b]], ssems[b]
                ).wait()
        plsc.subcore_barrier()
        pltpu.sync_copy(acc.at[pl.ds(base, ept)], buf_v)
        pltpu.sync_copy(buf_v, deg_out.at[cid, pl.ds(base, ept)])

    return deg_kernel(ei, ones_hbm)


def _sc_aggregate_rows(ei, y, npad, nch):
    width = y.shape[1]
    rows_pt = npad // NS
    wchunk = 64

    @functools.partial(
        pl.kernel,
        out_type=jax.ShapeDtypeStruct((NC, npad, width), jnp.float32),
        mesh=_mesh(),
        scratch_types=[
            pltpu.VMEM((2, 2, CC), jnp.int32),
            pltpu.VMEM((2, CC, width), jnp.float32),
            pltpu.VMEM_SHARED((npad, width), jnp.float32),
            pltpu.SemaphoreType.DMA,
            pltpu.SemaphoreType.DMA,
            pltpu.SemaphoreType.DMA,
            pltpu.SemaphoreType.DMA,
        ],
    )
    def agg_kernel(ei_hbm, y_hbm, z_out, exy_v, gbuf, acc,
                   gsem0, gsem1, ssem0, ssem1):
        cid = lax.axis_index("c")
        sid = lax.axis_index("s")
        wid = cid * NS + sid
        base = sid * rows_pt
        lo, cnt = _worker_range(wid, nch)
        gsems = [gsem0, gsem1]
        ssems = [ssem0, ssem1]

        def init_body(k, _):
            pltpu.sync_copy(y_hbm.at[pl.ds(base + k * wchunk, wchunk)],
                            gbuf.at[0, pl.ds(0, wchunk)])
            pltpu.sync_copy(gbuf.at[0, pl.ds(0, wchunk)],
                            acc.at[pl.ds(base + k * wchunk, wchunk)])
            return _

        lax.fori_loop(0, rows_pt // wchunk, init_body, None)
        plsc.subcore_barrier()

        def stage_and_gather(g, b):
            pltpu.sync_copy(
                ei_hbm.at[pl.ds(0, 2), pl.ds((lo + g) * CC, CC)], exy_v.at[b]
            )
            pltpu.async_copy(
                y_hbm.at[exy_v.at[b, 0]], gbuf.at[b], gsems[b]
            )

        @pl.when(cnt >= 1)
        def _pro():
            stage_and_gather(0, 0)

        def body(g, _):
            for b in range(2):
                nb = 1 - b

                @pl.when(lax.rem(g, 2) == b)
                def _step():
                    @pl.when(g + 1 < cnt)
                    def _ahead():
                        @pl.when(g >= 1)
                        def _drain():
                            pltpu.make_async_copy(
                                gbuf.at[nb], acc.at[exy_v.at[nb, 1]], ssems[nb]
                            ).wait()
                        stage_and_gather(g + 1, nb)
                    pltpu.make_async_copy(
                        y_hbm.at[exy_v.at[b, 0]], gbuf.at[b], gsems[b]
                    ).wait()
                    pltpu.async_copy(
                        gbuf.at[b], acc.at[exy_v.at[b, 1]], ssems[b], add=True
                    )
            return _

        lax.fori_loop(0, cnt, body, None)
        for b in range(2):
            @pl.when(cnt >= 1 + b)
            def _fin():
                pltpu.make_async_copy(
                    gbuf.at[b], acc.at[exy_v.at[b, 1]], ssems[b]
                ).wait()
        plsc.subcore_barrier()

        def out_body(k, _):
            pltpu.sync_copy(acc.at[pl.ds(base + k * wchunk, wchunk)],
                            gbuf.at[0, pl.ds(0, wchunk)])
            pltpu.sync_copy(gbuf.at[0, pl.ds(0, wchunk)],
                            z_out.at[cid, pl.ds(base + k * wchunk, wchunk)])
            return _

        lax.fori_loop(0, rows_pt // wchunk, out_body, None)

    return agg_kernel(ei, y)


def _sc_aggregate_elems(gidx, sidx, y2f, nelem, kch2):
    ept = nelem // NS

    @functools.partial(
        pl.kernel,
        out_type=jax.ShapeDtypeStruct((NC, nelem), jnp.float32),
        mesh=_mesh(),
        scratch_types=[
            pltpu.VMEM((2, GB2, CH2), jnp.int32),
            pltpu.VMEM((2, GB2, CH2), jnp.int32),
            pltpu.VMEM((GB2, CH2), jnp.float32),
            pltpu.VMEM((ept,), jnp.float32),
            pltpu.VMEM_SHARED((nelem,), jnp.float32),
            pltpu.VMEM_SHARED((nelem,), jnp.float32),
            [pltpu.SemaphoreType.DMA] * GB2,
            [pltpu.SemaphoreType.DMA] * GB2,
        ],
    )
    def agg2_kernel(g_hbm, s_hbm, y_hbm, z_out, g_v, s_v, gbuf, ybuf, ytab, acc,
                    gsems, ssems):
        cid = lax.axis_index("c")
        sid = lax.axis_index("s")
        wid = cid * NS + sid
        base = sid * ept
        pltpu.sync_copy(y_hbm.at[pl.ds(base, ept)], ybuf)
        pltpu.sync_copy(ybuf, ytab.at[pl.ds(base, ept)])
        pltpu.sync_copy(ybuf, acc.at[pl.ds(base, ept)])
        plsc.subcore_barrier()

        def body(g, _):
            p = lax.rem(g, 2)
            pltpu.sync_copy(g_hbm.at[wid, pl.ds(g * GB2, GB2)], g_v.at[p])
            pltpu.sync_copy(s_hbm.at[wid, pl.ds(g * GB2, GB2)], s_v.at[p])
            for u in range(GB2):
                @pl.when(g >= 1)
                def _wait_prev():
                    pltpu.make_async_copy(
                        gbuf.at[u], acc.at[s_v.at[p, u]], ssems[u]
                    ).wait()
                pltpu.async_copy(ytab.at[g_v.at[p, u]], gbuf.at[u], gsems[u])
            for u in range(GB2):
                pltpu.make_async_copy(
                    ytab.at[g_v.at[p, u]], gbuf.at[u], gsems[u]
                ).wait()
                pltpu.async_copy(
                    gbuf.at[u], acc.at[s_v.at[p, u]], ssems[u], add=True
                )
            return _

        lax.fori_loop(0, kch2 // GB2, body, None)
        for u in range(GB2):
            pltpu.make_async_copy(
                gbuf.at[u], acc.at[s_v.at[0, u]], ssems[u]
            ).wait()
        plsc.subcore_barrier()
        pltpu.sync_copy(acc.at[pl.ds(base, ept)], ybuf)
        pltpu.sync_copy(ybuf, z_out.at[cid, pl.ds(base, ept)])

    return agg2_kernel(gidx, sidx, y2f)


_BR = 1024


def _tc1(xp, W1, d0, d1):
    npad, d_in = xp.shape

    def body(x_ref, w_ref, d0_ref, d1_ref, y_ref):
        dinv = lax.rsqrt(d0_ref[...] + d1_ref[...] - 1.0)
        xw = jnp.dot(x_ref[...], w_ref[...], preferred_element_type=jnp.float32)
        y_ref[...] = xw * dinv

    return pl.pallas_call(
        body,
        grid=(npad // _BR,),
        in_specs=[
            pl.BlockSpec((_BR, d_in), lambda i: (i, 0)),
            pl.BlockSpec((d_in, d_in), lambda i: (0, 0)),
            pl.BlockSpec((_BR, 1), lambda i: (i, 0)),
            pl.BlockSpec((_BR, 1), lambda i: (i, 0)),
        ],
        out_specs=pl.BlockSpec((_BR, d_in), lambda i: (i, 0)),
        out_shape=jax.ShapeDtypeStruct((npad, d_in), jnp.float32),
    )(xp, W1, d0, d1)


def _tc2(z, y, d0, d1, W2p, b1row):
    npad, d_in = y.shape

    def body(z0_ref, z1_ref, y_ref, d0_ref, d1_ref, w_ref, b_ref, y2_ref):
        dinv = lax.rsqrt(d0_ref[...] + d1_ref[...] - 1.0)
        h = jnp.maximum(
            (z0_ref[0] + z1_ref[0] - y_ref[...]) * dinv + b_ref[...], 0.0
        )
        y2_ref[...] = (
            jnp.dot(h, w_ref[...], preferred_element_type=jnp.float32) * dinv
        )

    return pl.pallas_call(
        body,
        grid=(npad // _BR,),
        in_specs=[
            pl.BlockSpec((1, _BR, d_in), lambda i: (0, i, 0)),
            pl.BlockSpec((1, _BR, d_in), lambda i: (1, i, 0)),
            pl.BlockSpec((_BR, d_in), lambda i: (i, 0)),
            pl.BlockSpec((_BR, 1), lambda i: (i, 0)),
            pl.BlockSpec((_BR, 1), lambda i: (i, 0)),
            pl.BlockSpec((d_in, L), lambda i: (0, 0)),
            pl.BlockSpec((1, d_in), lambda i: (0, 0)),
        ],
        out_specs=pl.BlockSpec((_BR, L), lambda i: (i, 0)),
        out_shape=jax.ShapeDtypeStruct((npad, L), jnp.float32),
    )(z, z, y, d0, d1, W2p, b1row)


def _tc3(z20f, z21f, y2f, d0f, d1f, b2f):
    rows = z20f.shape[0] // 128

    def v(a):
        return a.reshape(rows, 128)

    def body(z0_ref, z1_ref, y2_ref, d0_ref, d1_ref, b_ref, o_ref):
        dinv = lax.rsqrt(d0_ref[...] + d1_ref[...] - 1.0)
        o_ref[...] = (z0_ref[...] + z1_ref[...] - y2_ref[...]) * dinv + b_ref[...]

    return pl.pallas_call(
        body,
        out_shape=jax.ShapeDtypeStruct((rows, 128), jnp.float32),
    )(v(z20f), v(z21f), v(y2f), v(d0f), v(d1f), v(b2f))


def kernel(x, edge_index, W1, b1, W2, b2):
    n, d_in = x.shape
    e = edge_index.shape[1]
    d_out = W2.shape[1]
    align = 2048
    npad = ((n + align - 1) // align) * align
    jrows = npad - n

    epw = -(-e // NW)
    if e % CC == 0:
        ei2 = edge_index
    else:
        e_pad = CC - e % CC
        padidx = (n + (jnp.arange(e_pad, dtype=jnp.int32) % jrows)).astype(
            jnp.int32)
        ei2 = jnp.concatenate(
            [edge_index, jnp.stack([padidx, padidx])], axis=1)
    nch = ei2.shape[1] // CC

    xp = jnp.pad(x, ((0, jrows), (0, 0)))
    src = edge_index[0]
    dst = edge_index[1]
    ones1d = jnp.ones((npad,), jnp.float32)
    W2p = jnp.pad(W2, ((0, 0), (0, L - d_out)))
    b1row = b1.reshape(1, -1)

    ecc = CH2 // d_out
    kch2 = -(-(-(-epw // ecc)) // GB2) * GB2
    e_pad2 = NW * kch2 * ecc - e
    padidx2 = (n + (jnp.arange(e_pad2, dtype=jnp.int32) % jrows)).astype(jnp.int32)
    src2 = jnp.concatenate([src, padidx2])
    dst2 = jnp.concatenate([dst, padidx2])
    col = jnp.arange(d_out, dtype=jnp.int32)[None, :]
    gidx = (src2[:, None] * d_out + col).reshape(NW, kch2, CH2)
    sidx = (dst2[:, None] * d_out + col).reshape(NW, kch2, CH2)

    deg = _sc_degree(ei2, ones1d, npad, nch)
    d0 = deg[0].reshape(npad, 1)
    d1 = deg[1].reshape(npad, 1)
    d0f = jnp.repeat(deg[0], d_out)
    d1f = jnp.repeat(deg[1], d_out)
    b2f = jnp.tile(b2, npad)
    y = _tc1(xp, W1, d0, d1)
    z = _sc_aggregate_rows(ei2, y, npad, nch)
    y2 = _tc2(z, y, d0, d1, W2p, b1row)
    y2f = y2[:, :d_out].reshape(npad * d_out)
    z2 = _sc_aggregate_elems(gidx, sidx, y2f, npad * d_out, kch2)
    outf = _tc3(z2[0], z2[1], y2f, d0f, d1f, b2f)
    return outf.reshape(npad, d_out)[:n]

# --- scband reference (transcript-rebuilt; emitter-appended) ---
"""Pipeline reference for scband-gnn-85152021611161 (READ-ONLY COPY).

The authoritative reference and input builder live on the scoring server;
editing this copy changes nothing except your own understanding.
"""

import jax, jax.numpy as jnp
import numpy as np

N = 10000
E = 320000
D_IN = 128
D_HID = 128
D_OUT = 2


def gcn_conv(x, edge_index, W, b):
    # Faithful GCNConv: add self-loops, symmetric normalization, linear transform, scatter-add aggregation.
    n = x.shape[0]
    xw = x @ W
    loop = jnp.arange(n, dtype=edge_index.dtype)
    src = jnp.concatenate([edge_index[0], loop])
    dst = jnp.concatenate([edge_index[1], loop])
    deg = jnp.zeros((n,), dtype=x.dtype).at[dst].add(1.0)
    dinv = jnp.where(deg > 0, jax.lax.rsqrt(deg), 0.0)
    norm = dinv[src] * dinv[dst]
    msg = xw[src] * norm[:, None]
    out = jnp.zeros((n, xw.shape[1]), dtype=x.dtype).at[dst].add(msg)
    return out + b


def setup_inputs(seed: int = 0):
    key = jax.random.key(seed)
    k1, k2, k3, k4 = jax.random.split(key, 4)
    x = jax.random.normal(k1, (N, D_IN), dtype=jnp.float32)
    edge_index = jax.random.randint(k2, (2, E), 0, N, dtype=jnp.int32)
    W1 = jax.random.normal(k3, (D_IN, D_HID), dtype=jnp.float32) * (1.0 / np.sqrt(D_IN))
    b1 = jnp.zeros((D_HID,), dtype=jnp.float32)
    W2 = jax.random.normal(k4, (D_HID, D_OUT), dtype=jnp.float32) * (1.0 / np.sqrt(D_HID))
    b2 = jnp.zeros((D_OUT,), dtype=jnp.float32)
    return {"x": x, "edge_index": edge_index, "W1": W1, "b1": b1, "W2": W2, "b2": b2}


def reference(x, edge_index, W1, b1, W2, b2):
    h = jax.nn.relu(gcn_conv(x, edge_index, W1, b1))
    out = gcn_conv(h, edge_index, W2, b2)
    return out

if __name__ == "__main__":
    import jax
    _d = setup_inputs()
    print(jax.jit(kernel)(*tuple(_d.values())))

</pallas_src>

<mosaic_0001>
#map = affine_map<(d0, d1) -> (0, 0, 0)>
#map1 = affine_map<(d0, d1) -> (0)>
#map2 = affine_map<(d0, d1) -> (0, 0)>
module attributes {stable_mosaic.version = 14 : i64} {
  func.func @agg2_kernel(%arg0: i32, %arg1: i32, %arg2: memref<32x160x128xi32, #tpu.memory_space<hbm>>, %arg3: memref<32x160x128xi32, #tpu.memory_space<hbm>>, %arg4: memref<20480xf32, #tpu.memory_space<hbm>>, %arg5: memref<2x20480xf32, #tpu.memory_space<hbm>>, %arg6: memref<2x8x128xi32, #tpu.memory_space<vmem>>, %arg7: memref<2x8x128xi32, #tpu.memory_space<vmem>>, %arg8: memref<8x128xf32, #tpu.memory_space<vmem>>, %arg9: memref<1280xf32, #tpu.memory_space<vmem>>, %arg10: memref<20480xf32, #tpu.memory_space<vmem_shared>>, %arg11: memref<20480xf32, #tpu.memory_space<vmem_shared>>, %arg12: memref<!tpu.dma_semaphore, #tpu.memory_space<semaphore_mem>>, %arg13: memref<!tpu.dma_semaphore, #tpu.memory_space<semaphore_mem>>, %arg14: memref<!tpu.dma_semaphore, #tpu.memory_space<semaphore_mem>>, %arg15: memref<!tpu.dma_semaphore, #tpu.memory_space<semaphore_mem>>, %arg16: memref<!tpu.dma_semaphore, #tpu.memory_space<semaphore_mem>>, %arg17: memref<!tpu.dma_semaphore, #tpu.memory_space<semaphore_mem>>, %arg18: memref<!tpu.dma_semaphore, #tpu.memory_space<semaphore_mem>>, %arg19: memref<!tpu.dma_semaphore, #tpu.memory_space<semaphore_mem>>, %arg20: memref<!tpu.dma_semaphore, #tpu.memory_space<semaphore_mem>>, %arg21: memref<!tpu.dma_semaphore, #tpu.memory_space<semaphore_mem>>, %arg22: memref<!tpu.dma_semaphore, #tpu.memory_space<semaphore_mem>>, %arg23: memref<!tpu.dma_semaphore, #tpu.memory_space<semaphore_mem>>, %arg24: memref<!tpu.dma_semaphore, #tpu.memory_space<semaphore_mem>>, %arg25: memref<!tpu.dma_semaphore, #tpu.memory_space<semaphore_mem>>, %arg26: memref<!tpu.dma_semaphore, #tpu.memory_space<semaphore_mem>>, %arg27: memref<!tpu.dma_semaphore, #tpu.memory_space<semaphore_mem>>) attributes {dimension_semantics = [#tpu.dimension_semantics<core_parallel>, #tpu.dimension_semantics<subcore_parallel>], iteration_bounds = array<i64: 2, 16>, scalar_prefetch = 0 : i64, scratch_operands = 22 : i64, tpu.core_type = #tpu.core_type<sc_vector_subcore>, window_params = [{transform_indices = #map}, {transform_indices = #map}, {transform_indices = #map1}, {transform_indices = #map2}]} {
    %mul3A = arith.constant 16 : i32
    %mul3A_0 = arith.muli %arg0, %mul3A : i32
    %add3A = arith.addi %mul3A_0, %arg1 : i32
    %mul3A_1 = arith.constant 1280 : i32
    %mul3A_2 = arith.muli %arg1, %mul3A_1 : i32
    "tpu.region"() ({
      %run_scoped3A = tpu.sem_alloc : memref<!tpu.dma_semaphore, #tpu.memory_space<semaphore_mem>>
      %dma_start3A = tpu.memref_slice %arg4[%mul3A_2] : memref<20480xf32, #tpu.memory_space<hbm>> -> memref<1280xf32, #tpu.memory_space<hbm>>
      %dma_start3A_95 = tpu.memref_slice %arg4[%mul3A_2] : memref<20480xf32, #tpu.memory_space<hbm>> -> memref<1280xf32, #tpu.memory_space<hbm>>
      tpu.enqueue_dma source(%dma_start3A_95 : memref<1280xf32, #tpu.memory_space<hbm>>) target(%arg9 : memref<1280xf32, #tpu.memory_space<vmem>>) target_semaphore(%run_scoped3A : memref<!tpu.dma_semaphore, #tpu.memory_space<semaphore_mem>>)
      %dma_wait3A_96 = tpu.memref_slice %arg4[%mul3A_2] : memref<20480xf32, #tpu.memory_space<hbm>> -> memref<1280xf32, #tpu.memory_space<hbm>>
      %dma_wait3A_97 = tpu.memref_slice %arg4[%mul3A_2] : memref<20480xf32, #tpu.memory_space<hbm>> -> memref<1280xf32, #tpu.memory_space<hbm>>
      tpu.wait_dma2 semaphore(%run_scoped3A : memref<!tpu.dma_semaphore, #tpu.memory_space<semaphore_mem>>) src(%dma_wait3A_97 : memref<1280xf32, #tpu.memory_space<hbm>>) dst(%arg9 : memref<1280xf32, #tpu.memory_space<vmem>>)
      tpu.yield
    }) : () -> ()
    "tpu.region"() ({
      %run_scoped3A = tpu.sem_alloc : memref<!tpu.dma_semaphore, #tpu.memory_space<semaphore_mem>>
      %dma_start3A = tpu.memref_slice %arg10[%mul3A_2] : memref<20480xf32, #tpu.memory_space<vmem_shared>> -> memref<1280xf32, #tpu.memory_space<vmem_shared>>
      %dma_start3A_95 = tpu.memref_slice %arg10[%mul3A_2] : memref<20480xf32, #tpu.memory_space<vmem_shared>> -> memref<1280xf32, #tpu.memory_space<vmem_shared>>
      tpu.enqueue_dma source(%arg9 : memref<1280xf32, #tpu.memory_space<vmem>>) target(%dma_start3A_95 : memref<1280xf32, #tpu.memory_space<vmem_shared>>) target_semaphore(%run_scoped3A : memref<!tpu.dma_semaphore, #tpu.memory_space<semaphore_mem>>)
      %dma_wait3A_96 = tpu.memref_slice %arg10[%mul3A_2] : memref<20480xf32, #tpu.memory_space<vmem_shared>> -> memref<1280xf32, #tpu.memory_space<vmem_shared>>
      %dma_wait3A_97 = tpu.memref_slice %arg10[%mul3A_2] : memref<20480xf32, #tpu.memory_space<vmem_shared>> -> memref<1280xf32, #tpu.memory_space<vmem_shared>>
      tpu.wait_dma2 semaphore(%run_scoped3A : memref<!tpu.dma_semaphore, #tpu.memory_space<semaphore_mem>>) src(%arg9 : memref<1280xf32, #tpu.memory_space<vmem>>) dst(%dma_wait3A_97 : memref<1280xf32, #tpu.memory_space<vmem_shared>>)
      tpu.yield
    }) : () -> ()
    "tpu.region"() ({
      %run_scoped3A = tpu.sem_alloc : memref<!tpu.dma_semaphore, #tpu.memory_space<semaphore_mem>>
      %dma_start3A = tpu.memref_slice %arg11[%mul3A_2] : memref<20480xf32, #tpu.memory_space<vmem_shared>> -> memref<1280xf32, #tpu.memory_space<vmem_shared>>
      %dma_start3A_95 = tpu.memref_slice %arg11[%mul3A_2] : memref<20480xf32, #tpu.memory_space<vmem_shared>> -> memref<1280xf32, #tpu.memory_space<vmem_shared>>
      tpu.enqueue_dma source(%arg9 : memref<1280xf32, #tpu.memory_space<vmem>>) target(%dma_start3A_95 : memref<1280xf32, #tpu.memory_space<vmem_shared>>) target_semaphore(%run_scoped3A : memref<!tpu.dma_semaphore, #tpu.memory_space<semaphore_mem>>)
      %dma_wait3A_96 = tpu.memref_slice %arg11[%mul3A_2] : memref<20480xf32, #tpu.memory_space<vmem_shared>> -> memref<1280xf32, #tpu.memory_space<vmem_shared>>
      %dma_wait3A_97 = tpu.memref_slice %arg11[%mul3A_2] : memref<20480xf32, #tpu.memory_space<vmem_shared>> -> memref<1280xf32, #tpu.memory_space<vmem_shared>>
      tpu.wait_dma2 semaphore(%run_scoped3A : memref<!tpu.dma_semaphore, #tpu.memory_space<semaphore_mem>>) src(%arg9 : memref<1280xf32, #tpu.memory_space<vmem>>) dst(%dma_wait3A_97 : memref<1280xf32, #tpu.memory_space<vmem_shared>>)
      tpu.yield
    }) : () -> ()
    %barrier3A = arith.constant 0 : index
    tpu.barrier barrier_id(%barrier3A)
    %scan3A = arith.constant 0 : i32
    %scan3A_3 = arith.constant 20 : i32
    %scan3A_4 = arith.addi %scan3A, %scan3A_3 : i32
    %scan3A_5 = arith.constant 1 : i32
    scf.for %scan3A_95 = %scan3A to %scan3A_4 step %scan3A_5  : i32 {
      %rem3A = arith.constant 2 : i32
      %rem3A_96 = arith.remsi %scan3A_95, %rem3A : i32
      %mul3A_97 = arith.constant 8 : i32
      %mul3A_98 = arith.muli %scan3A_95, %mul3A_97 : i32
      "tpu.region"() ({
        %run_scoped3A = tpu.sem_alloc : memref<!tpu.dma_semaphore, #tpu.memory_space<semaphore_mem>>
        %dma_start3A_377 = arith.constant 0 : i32
        %dma_start3A_378 = arith.constant 0 : i32
        %dma_start3A_379 = tpu.memref_slice %arg6[%rem3A_96, %dma_start3A_377, %dma_start3A_378] : memref<2x8x128xi32, #tpu.memory_space<vmem>> -> memref<1x8x128xi32, #tpu.memory_space<vmem>>
        %dma_start3A_380 = tpu.memref_squeeze %dma_start3A_379 : memref<1x8x128xi32, #tpu.memory_space<vmem>> -> memref<8x128xi32, #tpu.memory_space<vmem>>
        %dma_start3A_381 = arith.constant 0 : i32
        %dma_start3A_382 = tpu.memref_slice %arg2[%add3A, %mul3A_98, %dma_start3A_381] : memref<32x160x128xi32, #tpu.memory_space<hbm>> -> memref<1x8x128xi32, #tpu.memory_space<hbm>>
        %dma_start3A_383 = tpu.memref_squeeze %dma_start3A_382 : memref<1x8x128xi32, #tpu.memory_space<hbm>> -> memref<8x128xi32, #tpu.memory_space<hbm>>
        %dma_start3A_384 = arith.constant 0 : i32
        %dma_start3A_385 = arith.constant 0 : i32
        %dma_start3A_386 = tpu.memref_slice %arg6[%rem3A_96, %dma_start3A_384, %dma_start3A_385] : memref<2x8x128xi32, #tpu.memory_space<vmem>> -> memref<1x8x128xi32, #tpu.memory_space<vmem>>
        %dma_start3A_387 = tpu.memref_squeeze %dma_start3A_386 : memref<1x8x128xi32, #tpu.memory_space<vmem>> -> memref<8x128xi32, #tpu.memory_space<vmem>>
        %dma_start3A_388 = arith.constant 0 : i32
        %dma_start3A_389 = tpu.memref_slice %arg2[%add3A, %mul3A_98, %dma_start3A_388] : memref<32x160x128xi32, #tpu.memory_space<hbm>> -> memref<1x8x128xi32, #tpu.memory_space<hbm>>
        %dma_start3A_390 = tpu.memref_squeeze %dma_start3A_389 : memref<1x8x128xi32, #tpu.memory_space<hbm>> -> memref<8x128xi32, #tpu.memory_space<hbm>>
        tpu.enqueue_dma source(%dma_start3A_390 : memref<8x128xi32, #tpu.memory_space<hbm>>) target(%dma_start3A_387 : memref<8x128xi32, #tpu.memory_space<vmem>>) target_semaphore(%run_scoped3A : memref<!tpu.dma_semaphore, #tpu.memory_space<semaphore_mem>>)
        %dma_wait3A_391 = arith.constant 0 : i32
        %dma_wait3A_392 = arith.constant 0 : i32
        %dma_wait3A_393 = tpu.memref_slice %arg6[%rem3A_96, %dma_wait3A_391, %dma_wait3A_392] : memref<2x8x128xi32, #tpu.memory_space<vmem>> -> memref<1x8x128xi32, #tpu.memory_space<vmem>>
        %dma_wait3A_394 = tpu.memref_squeeze %dma_wait3A_393 : memref<1x8x128xi32, #tpu.memory_space<vmem>> -> memref<8x128xi32, #tpu.memory_space<vmem>>
        %dma_wait3A_395 = arith.constant 0 : i32
        %dma_wait3A_396 = tpu.memref_slice %arg2[%add3A, %mul3A_98, %dma_wait3A_395] : memref<32x160x128xi32, #tpu.memory_space<hbm>> -> memref<1x8x128xi32, #tpu.memory_space<hbm>>
        %dma_wait3A_397 = tpu.memref_squeeze %dma_wait3A_396 : memref<1x8x128xi32, #tpu.memory_space<hbm>> -> memref<8x128xi32, #tpu.memory_space<hbm>>
        %dma_wait3A_398 = arith.constant 0 : i32
        %dma_wait3A_399 = arith.constant 0 : i32
        %dma_wait3A_400 = tpu.memref_slice %arg6[%rem3A_96, %dma_wait3A_398, %dma_wait3A_399] : memref<2x8x128xi32, #tpu.memory_space<vmem>> -> memref<1x8x128xi32, #tpu.memory_space<vmem>>
        %dma_wait3A_401 = tpu.memref_squeeze %dma_wait3A_400 : memref<1x8x128xi32, #tpu.memory_space<vmem>> -> memref<8x128xi32, #tpu.memory_space<vmem>>
        %dma_wait3A_402 = arith.constant 0 : i32
        %dma_wait3A_403 = tpu.memref_slice %arg2[%add3A, %mul3A_98, %dma_wait3A_402] : memref<32x160x128xi32, #tpu.memory_space<hbm>> -> memref<1x8x128xi32, #tpu.memory_space<hbm>>
        %dma_wait3A_404 = tpu.memref_squeeze %dma_wait3A_403 : memref<1x8x128xi32, #tpu.memory_space<hbm>> -> memref<8x128xi32, #tpu.memory_space<hbm>>
        tpu.wait_dma2 semaphore(%run_scoped3A : memref<!tpu.dma_semaphore, #tpu.memory_space<semaphore_mem>>) src(%dma_wait3A_404 : memref<8x128xi32, #tpu.memory_space<hbm>>) dst(%dma_wait3A_401 : memref<8x128xi32, #tpu.memory_space<vmem>>)
        tpu.yield
      }) : () -> ()
      %mul3A_99 = arith.constant 8 : i32
      %mul3A_100 = arith.muli %scan3A_95, %mul3A_99 : i32
      "tpu.region"() ({
        %run_scoped3A = tpu.sem_alloc : memref<!tpu.dma_semaphore, #tpu.memory_space<semaphore_mem>>
        %dma_start3A_377 = arith.constant 0 : i32
        %dma_start3A_378 = arith.constant 0 : i32
        %dma_start3A_379 = tpu.memref_slice %arg7[%rem3A_96, %dma_start3A_377, %dma_start3A_378] : memref<2x8x128xi32, #tpu.memory_space<vmem>> -> memref<1x8x128xi32, #tpu.memory_space<vmem>>
        %dma_start3A_380 = tpu.memref_squeeze %dma_start3A_379 : memref<1x8x128xi32, #tpu.memory_space<vmem>> -> memref<8x128xi32, #tpu.memory_space<vmem>>
        %dma_start3A_381 = arith.constant 0 : i32
        %dma_start3A_382 = tpu.memref_slice %arg3[%add3A, %mul3A_100, %dma_start3A_381] : memref<32x160x128xi32, #tpu.memory_space<hbm>> -> memref<1x8x128xi32, #tpu.memory_space<hbm>>
        %dma_start3A_383 = tpu.memref_squeeze %dma_start3A_382 : memref<1x8x128xi32, #tpu.memory_space<hbm>> -> memref<8x128xi32, #tpu.memory_space<hbm>>
        %dma_start3A_384 = arith.constant 0 : i32
        %dma_start3A_385 = arith.constant 0 : i32
        %dma_start3A_386 = tpu.memref_slice %arg7[%rem3A_96, %dma_start3A_384, %dma_start3A_385] : memref<2x8x128xi32, #tpu.memory_space<vmem>> -> memref<1x8x128xi32, #tpu.memory_space<vmem>>
        %dma_start3A_387 = tpu.memref_squeeze %dma_start3A_386 : memref<1x8x128xi32, #tpu.memory_space<vmem>> -> memref<8x128xi32, #tpu.memory_space<vmem>>
        %dma_start3A_388 = arith.constant 0 : i32
        %dma_start3A_389 = tpu.memref_slice %arg3[%add3A, %mul3A_100, %dma_start3A_388] : memref<32x160x128xi32, #tpu.memory_space<hbm>> -> memref<1x8x128xi32, #tpu.memory_space<hbm>>
        %dma_start3A_390 = tpu.memref_squeeze %dma_start3A_389 : memref<1x8x128xi32, #tpu.memory_space<hbm>> -> memref<8x128xi32, #tpu.memory_space<hbm>>
        tpu.enqueue_dma source(%dma_start3A_390 : memref<8x128xi32, #tpu.memory_space<hbm>>) target(%dma_start3A_387 : memref<8x128xi32, #tpu.memory_space<vmem>>) target_semaphore(%run_scoped3A : memref<!tpu.dma_semaphore, #tpu.memory_space<semaphore_mem>>)
        %dma_wait3A_391 = arith.constant 0 : i32
        %dma_wait3A_392 = arith.constant 0 : i32
        %dma_wait3A_393 = tpu.memref_slice %arg7[%rem3A_96, %dma_wait3A_391, %dma_wait3A_392] : memref<2x8x128xi32, #tpu.memory_space<vmem>> -> memref<1x8x128xi32, #tpu.memory_space<vmem>>
        %dma_wait3A_394 = tpu.memref_squeeze %dma_wait3A_393 : memref<1x8x128xi32, #tpu.memory_space<vmem>> -> memref<8x128xi32, #tpu.memory_space<vmem>>
        %dma_wait3A_395 = arith.constant 0 : i32
        %dma_wait3A_396 = tpu.memref_slice %arg3[%add3A, %mul3A_100, %dma_wait3A_395] : memref<32x160x128xi32, #tpu.memory_space<hbm>> -> memref<1x8x128xi32, #tpu.memory_space<hbm>>
        %dma_wait3A_397 = tpu.memref_squeeze %dma_wait3A_396 : memref<1x8x128xi32, #tpu.memory_space<hbm>> -> memref<8x128xi32, #tpu.memory_space<hbm>>
        %dma_wait3A_398 = arith.constant 0 : i32
        %dma_wait3A_399 = arith.constant 0 : i32
        %dma_wait3A_400 = tpu.memref_slice %arg7[%rem3A_96, %dma_wait3A_398, %dma_wait3A_399] : memref<2x8x128xi32, #tpu.memory_space<vmem>> -> memref<1x8x128xi32, #tpu.memory_space<vmem>>
        %dma_wait3A_401 = tpu.memref_squeeze %dma_wait3A_400 : memref<1x8x128xi32, #tpu.memory_space<vmem>> -> memref<8x128xi32, #tpu.memory_space<vmem>>
        %dma_wait3A_402 = arith.constant 0 : i32
        %dma_wait3A_403 = tpu.memref_slice %arg3[%add3A, %mul3A_100, %dma_wait3A_402] : memref<32x160x128xi32, #tpu.memory_space<hbm>> -> memref<1x8x128xi32, #tpu.memory_space<hbm>>
        %dma_wait3A_404 = tpu.memref_squeeze %dma_wait3A_403 : memref<1x8x128xi32, #tpu.memory_space<hbm>> -> memref<8x128xi32, #tpu.memory_space<hbm>>
        tpu.wait_dma2 semaphore(%run_scoped3A : memref<!tpu.dma_semaphore, #tpu.memory_space<semaphore_mem>>) src(%dma_wait3A_404 : memref<8x128xi32, #tpu.memory_space<hbm>>) dst(%dma_wait3A_401 : memref<8x128xi32, #tpu.memory_space<vmem>>)
        tpu.yield
      }) : () -> ()
      %ge3A = arith.constant 1 : i32
      %ge3A_101 = arith.cmpi sge, %scan3A_95, %ge3A : i32
      %convert_element_type3A = arith.extui %ge3A_101 : i1 to i32
      %cond3A = arith.constant 0 : i32
      %cond3A_102 = arith.cmpi ne, %convert_element_type3A, %cond3A : i32
      scf.if %cond3A_102 {
        %dma_wait3A_377 = arith.constant 0 : i32
        %dma_wait3A_378 = arith.constant 0 : i32
        %dma_wait3A_379 = arith.constant 0 : i32
        %dma_wait3A_380 = tpu.memref_slice %arg8[%dma_wait3A_377, %dma_wait3A_379] : memref<8x128xf32, #tpu.memory_space<vmem>> -> memref<1x128xf32, #tpu.memory_space<vmem>>
        %dma_wait3A_381 = tpu.memref_squeeze %dma_wait3A_380 : memref<1x128xf32, #tpu.memory_space<vmem>> -> memref<128xf32, #tpu.memory_space<vmem>>
        %dma_wait3A_382 = arith.constant 0 : i32
        %dma_wait3A_383 = tpu.memref_slice %arg7[%rem3A_96, %dma_wait3A_378, %dma_wait3A_382] : memref<2x8x128xi32, #tpu.memory_space<vmem>> -> memref<1x1x128xi32, #tpu.memory_space<vmem>>
        %dma_wait3A_384 = tpu.memref_squeeze %dma_wait3A_383 : memref<1x1x128xi32, #tpu.memory_space<vmem>> -> memref<128xi32, #tpu.memory_space<vmem>>
        %dma_wait3A_385 = arith.constant 0 : i32
        %dma_wait3A_386 = tpu.memref_slice %arg11[%dma_wait3A_385] : memref<20480xf32, #tpu.memory_space<vmem_shared>> -> memref<20480xf32, #tpu.memory_space<vmem_shared>>
        tpu.wait_indirect_dma semaphore(%arg20 : memref<!tpu.dma_semaphore, #tpu.memory_space<semaphore_mem>>) src(%dma_wait3A_381 : memref<128xf32, #tpu.memory_space<vmem>>) dst(%dma_wait3A_386 : memref<20480xf32, #tpu.memory_space<vmem_shared>>)
      } else {
      }
      %dma_start3A = arith.constant 0 : i32
      %dma_start3A_103 = arith.constant 0 : i32
      %dma_start3A_104 = arith.constant 0 : i32
      %dma_start3A_105 = tpu.memref_slice %arg8[%dma_start3A_103, %dma_start3A_104] : memref<8x128xf32, #tpu.memory_space<vmem>> -> memref<1x128xf32, #tpu.memory_space<vmem>>
      %dma_start3A_106 = tpu.memref_squeeze %dma_start3A_105 : memref<1x128xf32, #tpu.memory_space<vmem>> -> memref<128xf32, #tpu.memory_space<vmem>>
      %dma_start3A_107 = arith.constant 0 : i32
      %dma_start3A_108 = tpu.memref_slice %arg6[%rem3A_96, %dma_start3A, %dma_start3A_107] : memref<2x8x128xi32, #tpu.memory_space<vmem>> -> memref<1x1x128xi32, #tpu.memory_space<vmem>>
      %dma_start3A_109 = tpu.memref_squeeze %dma_start3A_108 : memref<1x1x128xi32, #tpu.memory_space<vmem>> -> memref<128xi32, #tpu.memory_space<vmem>>
      %dma_start3A_110 = arith.constant 0 : i32
      %dma_start3A_111 = tpu.memref_slice %arg10[%dma_start3A_110] : memref<20480xf32, #tpu.memory_space<vmem_shared>> -> memref<20480xf32, #tpu.memory_space<vmem_shared>>
      tpu.enqueue_indirect_dma source(%dma_start3A_111 : memref<20480xf32, #tpu.memory_space<vmem_shared>>) target(%dma_start3A_106 : memref<128xf32, #tpu.memory_space<vmem>>) offsets(%dma_start3A_109 : memref<128xi32, #tpu.memory_space<vmem>>) semaphore(%arg12 : memref<!tpu.dma_semaphore, #tpu.memory_space<semaphore_mem>>)
      %ge3A_112 = arith.constant 1 : i32
      %ge3A_113 = arith.cmpi sge, %scan3A_95, %ge3A_112 : i32
      %convert_element_type3A_114 = arith.extui %ge3A_113 : i1 to i32
      %cond3A_115 = arith.constant 0 : i32
      %cond3A_116 = arith.cmpi ne, %convert_element_type3A_114, %cond3A_115 : i32
      scf.if %cond3A_116 {
        %dma_wait3A_377 = arith.constant 1 : i32
        %dma_wait3A_378 = arith.constant 1 : i32
        %dma_wait3A_379 = arith.constant 0 : i32
        %dma_wait3A_380 = tpu.memref_slice %arg8[%dma_wait3A_377, %dma_wait3A_379] : memref<8x128xf32, #tpu.memory_space<vmem>> -> memref<1x128xf32, #tpu.memory_space<vmem>>
        %dma_wait3A_381 = tpu.memref_squeeze %dma_wait3A_380 : memref<1x128xf32, #tpu.memory_space<vmem>> -> memref<128xf32, #tpu.memory_space<vmem>>
        %dma_wait3A_382 = arith.constant 0 : i32
        %dma_wait3A_383 = tpu.memref_slice %arg7[%rem3A_96, %dma_wait3A_378, %dma_wait3A_382] : memref<2x8x128xi32, #tpu.memory_space<vmem>> -> memref<1x1x128xi32, #tpu.memory_space<vmem>>
        %dma_wait3A_384 = tpu.memref_squeeze %dma_wait3A_383 : memref<1x1x128xi32, #tpu.memory_space<vmem>> -> memref<128xi32, #tpu.memory_space<vmem>>
        %dma_wait3A_385 = arith.constant 0 : i32
        %dma_wait3A_386 = tpu.memref_slice %arg11[%dma_wait3A_385] : memref<20480xf32, #tpu.memory_space<vmem_shared>> -> memref<20480xf32, #tpu.memory_space<vmem_shared>>
        tpu.wait_indirect_dma semaphore(%arg21 : memref<!tpu.dma_semaphore, #tpu.memory_space<semaphore_mem>>) src(%dma_wait3A_381 : memref<128xf32, #tpu.memory_space<vmem>>) dst(%dma_wait3A_386 : memref<20480xf32, #tpu.memory_space<vmem_shared>>)
      } else {
      }
      %dma_start3A_117 = arith.constant 1 : i32
      %dma_start3A_118 = arith.constant 1 : i32
      %dma_start3A_119 = arith.constant 0 : i32
      %dma_start3A_120 = tpu.memref_slice %arg8[%dma_start3A_118, %dma_start3A_119] : memref<8x128xf32, #tpu.memory_space<vmem>> -> memref<1x128xf32, #tpu.memory_space<vmem>>
      %dma_start3A_121 = tpu.memref_squeeze %dma_start3A_120 : memref<1x128xf32, #tpu.memory_space<vmem>> -> memref<128xf32, #tpu.memory_space<vmem>>
      %dma_start3A_122 = arith.constant 0 : i32
      %dma_start3A_123 = tpu.memref_slice %arg6[%rem3A_96, %dma_start3A_117, %dma_start3A_122] : memref<2x8x128xi32, #tpu.memory_space<vmem>> -> memref<1x1x128xi32, #tpu.memory_space<vmem>>
      %dma_start3A_124 = tpu.memref_squeeze %dma_start3A_123 : memref<1x1x128xi32, #tpu.memory_space<vmem>> -> memref<128xi32, #tpu.memory_space<vmem>>
      %dma_start3A_125 = arith.constant 0 : i32
      %dma_start3A_126 = tpu.memref_slice %arg10[%dma_start3A_125] : memref<20480xf32, #tpu.memory_space<vmem_shared>> -> memref<20480xf32, #tpu.memory_space<vmem_shared>>
      tpu.enqueue_indirect_dma source(%dma_start3A_126 : memref<20480xf32, #tpu.memory_space<vmem_shared>>) target(%dma_start3A_121 : memref<128xf32, #tpu.memory_space<vmem>>) offsets(%dma_start3A_124 : memref<128xi32, #tpu.memory_space<vmem>>) semaphore(%arg13 : memref<!tpu.dma_semaphore, #tpu.memory_space<semaphore_mem>>)
      %ge3A_127 = arith.constant 1 : i32
      %ge3A_128 = arith.cmpi sge, %scan3A_95, %ge3A_127 : i32
      %convert_element_type3A_129 = arith.extui %ge3A_128 : i1 to i32
      %cond3A_130 = arith.constant 0 : i32
      %cond3A_131 = arith.cmpi ne, %convert_element_type3A_129, %cond3A_130 : i32
      scf.if %cond3A_131 {
        %dma_wait3A_377 = arith.constant 2 : i32
        %dma_wait3A_378 = arith.constant 2 : i32
        %dma_wait3A_379 = arith.constant 0 : i32
        %dma_wait3A_380 = tpu.memref_slice %arg8[%dma_wait3A_377, %dma_wait3A_379] : memref<8x128xf32, #tpu.memory_space<vmem>> -> memref<1x128xf32, #tpu.memory_space<vmem>>
        %dma_wait3A_381 = tpu.memref_squeeze %dma_wait3A_380 : memref<1x128xf32, #tpu.memory_space<vmem>> -> memref<128xf32, #tpu.memory_space<vmem>>
        %dma_wait3A_382 = arith.constant 0 : i32
        %dma_wait3A_383 = tpu.memref_slice %arg7[%rem3A_96, %dma_wait3A_378, %dma_wait3A_382] : memref<2x8x128xi32, #tpu.memory_space<vmem>> -> memref<1x1x128xi32, #tpu.memory_space<vmem>>
        %dma_wait3A_384 = tpu.memref_squeeze %dma_wait3A_383 : memref<1x1x128xi32, #tpu.memory_space<vmem>> -> memref<128xi32, #tpu.memory_space<vmem>>
        %dma_wait3A_385 = arith.constant 0 : i32
        %dma_wait3A_386 = tpu.memref_slice %arg11[%dma_wait3A_385] : memref<20480xf32, #tpu.memory_space<vmem_shared>> -> memref<20480xf32, #tpu.memory_space<vmem_shared>>
        tpu.wait_indirect_dma semaphore(%arg22 : memref<!tpu.dma_semaphore, #tpu.memory_space<semaphore_mem>>) src(%dma_wait3A_381 : memref<128xf32, #tpu.memory_space<vmem>>) dst(%dma_wait3A_386 : memref<20480xf32, #tpu.memory_space<vmem_shared>>)
      } else {
      }
      %dma_start3A_132 = arith.constant 2 : i32
      %dma_start3A_133 = arith.constant 2 : i32
      %dma_start3A_134 = arith.constant 0 : i32
      %dma_start3A_135 = tpu.memref_slice %arg8[%dma_start3A_133, %dma_start3A_134] : memref<8x128xf32, #tpu.memory_space<vmem>> -> memref<1x128xf32, #tpu.memory_space<vmem>>
      %dma_start3A_136 = tpu.memref_squeeze %dma_start3A_135 : memref<1x128xf32, #tpu.memory_space<vmem>> -> memref<128xf32, #tpu.memory_space<vmem>>
      %dma_start3A_137 = arith.constant 0 : i32
      %dma_start3A_138 = tpu.memref_slice %arg6[%rem3A_96, %dma_start3A_132, %dma_start3A_137] : memref<2x8x128xi32, #tpu.memory_space<vmem>> -> memref<1x1x128xi32, #tpu.memory_space<vmem>>
      %dma_start3A_139 = tpu.memref_squeeze %dma_start3A_138 : memref<1x1x128xi32, #tpu.memory_space<vmem>> -> memref<128xi32, #tpu.memory_space<vmem>>
      %dma_start3A_140 = arith.constant 0 : i32
      %dma_start3A_141 = tpu.memref_slice %arg10[%dma_start3A_140] : memref<20480xf32, #tpu.memory_space<vmem_shared>> -> memref<20480xf32, #tpu.memory_space<vmem_shared>>
      tpu.enqueue_indirect_dma source(%dma_start3A_141 : memref<20480xf32, #tpu.memory_space<vmem_shared>>) target(%dma_start3A_136 : memref<128xf32, #tpu.memory_space<vmem>>) offsets(%dma_start3A_139 : memref<128xi32, #tpu.memory_space<vmem>>) semaphore(%arg14 : memref<!tpu.dma_semaphore, #tpu.memory_space<semaphore_mem>>)
      %ge3A_142 = arith.constant 1 : i32
      %ge3A_143 = arith.cmpi sge, %scan3A_95, %ge3A_142 : i32
      %convert_element_type3A_144 = arith.extui %ge3A_143 : i1 to i32
      %cond3A_145 = arith.constant 0 : i32
      %cond3A_146 = arith.cmpi ne, %convert_element_type3A_144, %cond3A_145 : i32
      scf.if %cond3A_146 {
        %dma_wait3A_377 = arith.constant 3 : i32
        %dma_wait3A_378 = arith.constant 3 : i32
        %dma_wait3A_379 = arith.constant 0 : i32
        %dma_wait3A_380 = tpu.memref_slice %arg8[%dma_wait3A_377, %dma_wait3A_379] : memref<8x128xf32, #tpu.memory_space<vmem>> -> memref<1x128xf32, #tpu.memory_space<vmem>>
        %dma_wait3A_381 = tpu.memref_squeeze %dma_wait3A_380 : memref<1x128xf32, #tpu.memory_space<vmem>> -> memref<128xf32, #tpu.memory_space<vmem>>
        %dma_wait3A_382 = arith.constant 0 : i32
        %dma_wait3A_383 = tpu.memref_slice %arg7[%rem3A_96, %dma_wait3A_378, %dma_wait3A_382] : memref<2x8x128xi32, #tpu.memory_space<vmem>> -> memref<1x1x128xi32, #tpu.memory_space<vmem>>
        %dma_wait3A_384 = tpu.memref_squeeze %dma_wait3A_383 : memref<1x1x128xi32, #tpu.memory_space<vmem>> -> memref<128xi32, #tpu.memory_space<vmem>>
        %dma_wait3A_385 = arith.constant 0 : i32
        %dma_wait3A_386 = tpu.memref_slice %arg11[%dma_wait3A_385] : memref<20480xf32, #tpu.memory_space<vmem_shared>> -> memref<20480xf32, #tpu.memory_space<vmem_shared>>
        tpu.wait_indirect_dma semaphore(%arg23 : memref<!tpu.dma_semaphore, #tpu.memory_space<semaphore_mem>>) src(%dma_wait3A_381 : memref<128xf32, #tpu.memory_space<vmem>>) dst(%dma_wait3A_386 : memref<20480xf32, #tpu.memory_space<vmem_shared>>)
      } else {
      }
      %dma_start3A_147 = arith.constant 3 : i32
      %dma_start3A_148 = arith.constant 3 : i32
      %dma_start3A_149 = arith.constant 0 : i32
      %dma_start3A_150 = tpu.memref_slice %arg8[%dma_start3A_148, %dma_start3A_149] : memref<8x128xf32, #tpu.memory_space<vmem>> -> memref<1x128xf32, #tpu.memory_space<vmem>>
      %dma_start3A_151 = tpu.memref_squeeze %dma_start3A_150 : memref<1x128xf32, #tpu.memory_space<vmem>> -> memref<128xf32, #tpu.memory_space<vmem>>
      %dma_start3A_152 = arith.constant 0 : i32
      %dma_start3A_153 = tpu.memref_slice %arg6[%rem3A_96, %dma_start3A_147, %dma_start3A_152] : memref<2x8x128xi32, #tpu.memory_space<vmem>> -> memref<1x1x128xi32, #tpu.memory_space<vmem>>
      %dma_start3A_154 = tpu.memref_squeeze %dma_start3A_153 : memref<1x1x128xi32, #tpu.memory_space<vmem>> -> memref<128xi32, #tpu.memory_space<vmem>>
      %dma_start3A_155 = arith.constant 0 : i32
      %dma_start3A_156 = tpu.memref_slice %arg10[%dma_start3A_155] : memref<20480xf32, #tpu.memory_space<vmem_shared>> -> memref<20480xf32, #tpu.memory_space<vmem_shared>>
      tpu.enqueue_indirect_dma source(%dma_start3A_156 : memref<20480xf32, #tpu.memory_space<vmem_shared>>) target(%dma_start3A_151 : memref<128xf32, #tpu.memory_space<vmem>>) offsets(%dma_start3A_154 : memref<128xi32, #tpu.memory_space<vmem>>) semaphore(%arg15 : memref<!tpu.dma_semaphore, #tpu.memory_space<semaphore_mem>>)
      %ge3A_157 = arith.constant 1 : i32
      %ge3A_158 = arith.cmpi sge, %scan3A_95, %ge3A_157 : i32
      %convert_element_type3A_159 = arith.extui %ge3A_158 : i1 to i32
      %cond3A_160 = arith.constant 0 : i32
      %cond3A_161 = arith.cmpi ne, %convert_element_type3A_159, %cond3A_160 : i32
      scf.if %cond3A_161 {
        %dma_wait3A_377 = arith.constant 4 : i32
        %dma_wait3A_378 = arith.constant 4 : i32
        %dma_wait3A_379 = arith.constant 0 : i32
        %dma_wait3A_380 = tpu.memref_slice %arg8[%dma_wait3A_377, %dma_wait3A_379] : memref<8x128xf32, #tpu.memory_space<vmem>> -> memref<1x128xf32, #tpu.memory_space<vmem>>
        %dma_wait3A_381 = tpu.memref_squeeze %dma_wait3A_380 : memref<1x128xf32, #tpu.memory_space<vmem>> -> memref<128xf32, #tpu.memory_space<vmem>>
        %dma_wait3A_382 = arith.constant 0 : i32
        %dma_wait3A_383 = tpu.memref_slice %arg7[%rem3A_96, %dma_wait3A_378, %dma_wait3A_382] : memref<2x8x128xi32, #tpu.memory_space<vmem>> -> memref<1x1x128xi32, #tpu.memory_space<vmem>>
        %dma_wait3A_384 = tpu.memref_squeeze %dma_wait3A_383 : memref<1x1x128xi32, #tpu.memory_space<vmem>> -> memref<128xi32, #tpu.memory_space<vmem>>
        %dma_wait3A_385 = arith.constant 0 : i32
        %dma_wait3A_386 = tpu.memref_slice %arg11[%dma_wait3A_385] : memref<20480xf32, #tpu.memory_space<vmem_shared>> -> memref<20480xf32, #tpu.memory_space<vmem_shared>>
        tpu.wait_indirect_dma semaphore(%arg24 : memref<!tpu.dma_semaphore, #tpu.memory_space<semaphore_mem>>) src(%dma_wait3A_381 : memref<128xf32, #tpu.memory_space<vmem>>) dst(%dma_wait3A_386 : memref<20480xf32, #tpu.memory_space<vmem_shared>>)
      } else {
      }
      %dma_start3A_162 = arith.constant 4 : i32
      %dma_start3A_163 = arith.constant 4 : i32
      %dma_start3A_164 = arith.constant 0 : i32
      %dma_start3A_165 = tpu.memref_slice %arg8[%dma_start3A_163, %dma_start3A_164] : memref<8x128xf32, #tpu.memory_space<vmem>> -> memref<1x128xf32, #tpu.memory_space<vmem>>
      %dma_start3A_166 = tpu.memref_squeeze %dma_start3A_165 : memref<1x128xf32, #tpu.memory_space<vmem>> -> memref<128xf32, #tpu.memory_space<vmem>>
      %dma_start3A_167 = arith.constant 0 : i32
      %dma_start3A_168 = tpu.memref_slice %arg6[%rem3A_96, %dma_start3A_162, %dma_start3A_167] : memref<2x8x128xi32, #tpu.memory_space<vmem>> -> memref<1x1x128xi32, #tpu.memory_space<vmem>>
      %dma_start3A_169 = tpu.memref_squeeze %dma_start3A_168 : memref<1x1x128xi32, #tpu.memory_space<vmem>> -> memref<128xi32, #tpu.memory_space<vmem>>
      %dma_start3A_170 = arith.constant 0 : i32
      %dma_start3A_171 = tpu.memref_slice %arg10[%dma_start3A_170] : memref<20480xf32, #tpu.memory_space<vmem_shared>> -> memref<20480xf32, #tpu.memory_space<vmem_shared>>
      tpu.enqueue_indirect_dma source(%dma_start3A_171 : memref<20480xf32, #tpu.memory_space<vmem_shared>>) target(%dma_start3A_166 : memref<128xf32, #tpu.memory_space<vmem>>) offsets(%dma_start3A_169 : memref<128xi32, #tpu.memory_space<vmem>>) semaphore(%arg16 : memref<!tpu.dma_semaphore, #tpu.memory_space<semaphore_mem>>)
      %ge3A_172 = arith.constant 1 : i32
      %ge3A_173 = arith.cmpi sge, %scan3A_95, %ge3A_172 : i32
      %convert_element_type3A_174 = arith.extui %ge3A_173 : i1 to i32
      %cond3A_175 = arith.constant 0 : i32
      %cond3A_176 = arith.cmpi ne, %convert_element_type3A_174, %cond3A_175 : i32
      scf.if %cond3A_176 {
        %dma_wait3A_377 = arith.constant 5 : i32
        %dma_wait3A_378 = arith.constant 5 : i32
        %dma_wait3A_379 = arith.constant 0 : i32
        %dma_wait3A_380 = tpu.memref_slice %arg8[%dma_wait3A_377, %dma_wait3A_379] : memref<8x128xf32, #tpu.memory_space<vmem>> -> memref<1x128xf32, #tpu.memory_space<vmem>>
        %dma_wait3A_381 = tpu.memref_squeeze %dma_wait3A_380 : memref<1x128xf32, #tpu.memory_space<vmem>> -> memref<128xf32, #tpu.memory_space<vmem>>
        %dma_wait3A_382 = arith.constant 0 : i32
        %dma_wait3A_383 = tpu.memref_slice %arg7[%rem3A_96, %dma_wait3A_378, %dma_wait3A_382] : memref<2x8x128xi32, #tpu.memory_space<vmem>> -> memref<1x1x128xi32, #tpu.memory_space<vmem>>
        %dma_wait3A_384 = tpu.memref_squeeze %dma_wait3A_383 : memref<1x1x128xi32, #tpu.memory_space<vmem>> -> memref<128xi32, #tpu.memory_space<vmem>>
        %dma_wait3A_385 = arith.constant 0 : i32
        %dma_wait3A_386 = tpu.memref_slice %arg11[%dma_wait3A_385] : memref<20480xf32, #tpu.memory_space<vmem_shared>> -> memref<20480xf32, #tpu.memory_space<vmem_shared>>
        tpu.wait_indirect_dma semaphore(%arg25 : memref<!tpu.dma_semaphore, #tpu.memory_space<semaphore_mem>>) src(%dma_wait3A_381 : memref<128xf32, #tpu.memory_space<vmem>>) dst(%dma_wait3A_386 : memref<20480xf32, #tpu.memory_space<vmem_shared>>)
      } else {
      }
      %dma_start3A_177 = arith.constant 5 : i32
      %dma_start3A_178 = arith.constant 5 : i32
      %dma_start3A_179 = arith.constant 0 : i32
      %dma_start3A_180 = tpu.memref_slice %arg8[%dma_start3A_178, %dma_start3A_179] : memref<8x128xf32, #tpu.memory_space<vmem>> -> memref<1x128xf32, #tpu.memory_space<vmem>>
      %dma_start3A_181 = tpu.memref_squeeze %dma_start3A_180 : memref<1x128xf32, #tpu.memory_space<vmem>> -> memref<128xf32, #tpu.memory_space<vmem>>
      %dma_start3A_182 = arith.constant 0 : i32
      %dma_start3A_183 = tpu.memref_slice %arg6[%rem3A_96, %dma_start3A_177, %dma_start3A_182] : memref<2x8x128xi32, #tpu.memory_space<vmem>> -> memref<1x1x128xi32, #tpu.memory_space<vmem>>
      %dma_start3A_184 = tpu.memref_squeeze %dma_start3A_183 : memref<1x1x128xi32, #tpu.memory_space<vmem>> -> memref<128xi32, #tpu.memory_space<vmem>>
      %dma_start3A_185 = arith.constant 0 : i32
      %dma_start3A_186 = tpu.memref_slice %arg10[%dma_start3A_185] : memref<20480xf32, #tpu.memory_space<vmem_shared>> -> memref<20480xf32, #tpu.memory_space<vmem_shared>>
      tpu.enqueue_indirect_dma source(%dma_start3A_186 : memref<20480xf32, #tpu.memory_space<vmem_shared>>) target(%dma_start3A_181 : memref<128xf32, #tpu.memory_space<vmem>>) offsets(%dma_start3A_184 : memref<128xi32, #tpu.memory_space<vmem>>) semaphore(%arg17 : memref<!tpu.dma_semaphore, #tpu.memory_space<semaphore_mem>>)
      %ge3A_187 = arith.constant 1 : i32
      %ge3A_188 = arith.cmpi sge, %scan3A_95, %ge3A_187 : i32
      %convert_element_type3A_189 = arith.extui %ge3A_188 : i1 to i32
      %cond3A_190 = arith.constant 0 : i32
      %cond3A_191 = arith.cmpi ne, %convert_element_type3A_189, %cond3A_190 : i32
      scf.if %cond3A_191 {
        %dma_wait3A_377 = arith.constant 6 : i32
        %dma_wait3A_378 = arith.constant 6 : i32
        %dma_wait3A_379 = arith.constant 0 : i32
        %dma_wait3A_380 = tpu.memref_slice %arg8[%dma_wait3A_377, %dma_wait3A_379] : memref<8x128xf32, #tpu.memory_space<vmem>> -> memref<1x128xf32, #tpu.memory_space<vmem>>
        %dma_wait3A_381 = tpu.memref_squeeze %dma_wait3A_380 : memref<1x128xf32, #tpu.memory_space<vmem>> -> memref<128xf32, #tpu.memory_space<vmem>>
        %dma_wait3A_382 = arith.constant 0 : i32
        %dma_wait3A_383 = tpu.memref_slice %arg7[%rem3A_96, %dma_wait3A_378, %dma_wait3A_382] : memref<2x8x128xi32, #tpu.memory_space<vmem>> -> memref<1x1x128xi32, #tpu.memory_space<vmem>>
        %dma_wait3A_384 = tpu.memref_squeeze %dma_wait3A_383 : memref<1x1x128xi32, #tpu.memory_space<vmem>> -> memref<128xi32, #tpu.memory_space<vmem>>
        %dma_wait3A_385 = arith.constant 0 : i32
        %dma_wait3A_386 = tpu.memref_slice %arg11[%dma_wait3A_385] : memref<20480xf32, #tpu.memory_space<vmem_shared>> -> memref<20480xf32, #tpu.memory_space<vmem_shared>>
        tpu.wait_indirect_dma semaphore(%arg26 : memref<!tpu.dma_semaphore, #tpu.memory_space<semaphore_mem>>) src(%dma_wait3A_381 : memref<128xf32, #tpu.memory_space<vmem>>) dst(%dma_wait3A_386 : memref<20480xf32, #tpu.memory_space<vmem_shared>>)
      } else {
      }
      %dma_start3A_192 = arith.constant 6 : i32
      %dma_start3A_193 = arith.constant 6 : i32
      %dma_start3A_194 = arith.constant 0 : i32
      %dma_start3A_195 = tpu.memref_slice %arg8[%dma_start3A_193, %dma_start3A_194] : memref<8x128xf32, #tpu.memory_space<vmem>> -> memref<1x128xf32, #tpu.memory_space<vmem>>
      %dma_start3A_196 = tpu.memref_squeeze %dma_start3A_195 : memref<1x128xf32, #tpu.memory_space<vmem>> -> memref<128xf32, #tpu.memory_space<vmem>>
      %dma_start3A_197 = arith.constant 0 : i32
      %dma_start3A_198 = tpu.memref_slice %arg6[%rem3A_96, %dma_start3A_192, %dma_start3A_197] : memref<2x8x128xi32, #tpu.memory_space<vmem>> -> memref<1x1x128xi32, #tpu.memory_space<vmem>>
      %dma_start3A_199 = tpu.memref_squeeze %dma_start3A_198 : memref<1x1x128xi32, #tpu.memory_space<vmem>> -> memref<128xi32, #tpu.memory_space<vmem>>
      %dma_start3A_200 = arith.constant 0 : i32
      %dma_start3A_201 = tpu.memref_slice %arg10[%dma_start3A_200] : memref<20480xf32, #tpu.memory_space<vmem_shared>> -> memref<20480xf32, #tpu.memory_space<vmem_shared>>
      tpu.enqueue_indirect_dma source(%dma_start3A_201 : memref<20480xf32, #tpu.memory_space<vmem_shared>>) target(%dma_start3A_196 : memref<128xf32, #tpu.memory_space<vmem>>) offsets(%dma_start3A_199 : memref<128xi32, #tpu.memory_space<vmem>>) semaphore(%arg18 : memref<!tpu.dma_semaphore, #tpu.memory_space<semaphore_mem>>)
      %ge3A_202 = arith.constant 1 : i32
      %ge3A_203 = arith.cmpi sge, %scan3A_95, %ge3A_202 : i32
      %convert_element_type3A_204 = arith.extui %ge3A_203 : i1 to i32
      %cond3A_205 = arith.constant 0 : i32
      %cond3A_206 = arith.cmpi ne, %convert_element_type3A_204, %cond3A_205 : i32
      scf.if %cond3A_206 {
        %dma_wait3A_377 = arith.constant 7 : i32
        %dma_wait3A_378 = arith.constant 7 : i32
        %dma_wait3A_379 = arith.constant 0 : i32
        %dma_wait3A_380 = tpu.memref_slice %arg8[%dma_wait3A_377, %dma_wait3A_379] : memref<8x128xf32, #tpu.memory_space<vmem>> -> memref<1x128xf32, #tpu.memory_space<vmem>>
        %dma_wait3A_381 = tpu.memref_squeeze %dma_wait3A_380 : memref<1x128xf32, #tpu.memory_space<vmem>> -> memref<128xf32, #tpu.memory_space<vmem>>
        %dma_wait3A_382 = arith.constant 0 : i32
        %dma_wait3A_383 = tpu.memref_slice %arg7[%rem3A_96, %dma_wait3A_378, %dma_wait3A_382] : memref<2x8x128xi32, #tpu.memory_space<vmem>> -> memref<1x1x128xi32, #tpu.memory_space<vmem>>
        %dma_wait3A_384 = tpu.memref_squeeze %dma_wait3A_383 : memref<1x1x128xi32, #tpu.memory_space<vmem>> -> memref<128xi32, #tpu.memory_space<vmem>>
        %dma_wait3A_385 = arith.constant 0 : i32
        %dma_wait3A_386 = tpu.memref_slice %arg11[%dma_wait3A_385] : memref<20480xf32, #tpu.memory_space<vmem_shared>> -> memref<20480xf32, #tpu.memory_space<vmem_shared>>
        tpu.wait_indirect_dma semaphore(%arg27 : memref<!tpu.dma_semaphore, #tpu.memory_space<semaphore_mem>>) src(%dma_wait3A_381 : memref<128xf32, #tpu.memory_space<vmem>>) dst(%dma_wait3A_386 : memref<20480xf32, #tpu.memory_space<vmem_shared>>)
      } else {
      }
      %dma_start3A_207 = arith.constant 7 : i32
      %dma_start3A_208 = arith.constant 7 : i32
      %dma_start3A_209 = arith.constant 0 : i32
      %dma_start3A_210 = tpu.memref_slice %arg8[%dma_start3A_208, %dma_start3A_209] : memref<8x128xf32, #tpu.memory_space<vmem>> -> memref<1x128xf32, #tpu.memory_space<vmem>>
      %dma_start3A_211 = tpu.memref_squeeze %dma_start3A_210 : memref<1x128xf32, #tpu.memory_space<vmem>> -> memref<128xf32, #tpu.memory_space<vmem>>
      %dma_start3A_212 = arith.constant 0 : i32
      %dma_start3A_213 = tpu.memref_slice %arg6[%rem3A_96, %dma_start3A_207, %dma_start3A_212] : memref<2x8x128xi32, #tpu.memory_space<vmem>> -> memref<1x1x128xi32, #tpu.memory_space<vmem>>
      %dma_start3A_214 = tpu.memref_squeeze %dma_start3A_213 : memref<1x1x128xi32, #tpu.memory_space<vmem>> -> memref<128xi32, #tpu.memory_space<vmem>>
      %dma_start3A_215 = arith.constant 0 : i32
      %dma_start3A_216 = tpu.memref_slice %arg10[%dma_start3A_215] : memref<20480xf32, #tpu.memory_space<vmem_shared>> -> memref<20480xf32, #tpu.memory_space<vmem_shared>>
      tpu.enqueue_indirect_dma source(%dma_start3A_216 : memref<20480xf32, #tpu.memory_space<vmem_shared>>) target(%dma_start3A_211 : memref<128xf32, #tpu.memory_space<vmem>>) offsets(%dma_start3A_214 : memref<128xi32, #tpu.memory_space<vmem>>) semaphore(%arg19 : memref<!tpu.dma_semaphore, #tpu.memory_space<semaphore_mem>>)
      %dma_wait3A_217 = arith.constant 0 : i32
      %dma_wait3A_218 = arith.constant 0 : i32
      %dma_wait3A_219 = arith.constant 0 : i32
      %dma_wait3A_220 = tpu.memref_slice %arg8[%dma_wait3A_218, %dma_wait3A_219] : memref<8x128xf32, #tpu.memory_space<vmem>> -> memref<1x128xf32, #tpu.memory_space<vmem>>
      %dma_wait3A_221 = tpu.memref_squeeze %dma_wait3A_220 : memref<1x128xf32, #tpu.memory_space<vmem>> -> memref<128xf32, #tpu.memory_space<vmem>>
      %dma_wait3A_222 = arith.constant 0 : i32
      %dma_wait3A_223 = tpu.memref_slice %arg6[%rem3A_96, %dma_wait3A_217, %dma_wait3A_222] : memref<2x8x128xi32, #tpu.memory_space<vmem>> -> memref<1x1x128xi32, #tpu.memory_space<vmem>>
      %dma_wait3A_224 = tpu.memref_squeeze %dma_wait3A_223 : memref<1x1x128xi32, #tpu.memory_space<vmem>> -> memref<128xi32, #tpu.memory_space<vmem>>
      %dma_wait3A_225 = arith.constant 0 : i32
      %dma_wait3A_226 = tpu.memref_slice %arg10[%dma_wait3A_225] : memref<20480xf32, #tpu.memory_space<vmem_shared>> -> memref<20480xf32, #tpu.memory_space<vmem_shared>>
      tpu.wait_indirect_dma semaphore(%arg12 : memref<!tpu.dma_semaphore, #tpu.memory_space<semaphore_mem>>) src(%dma_wait3A_226 : memref<20480xf32, #tpu.memory_space<vmem_shared>>) dst(%dma_wait3A_221 : memref<128xf32, #tpu.memory_space<vmem>>)
      %dma_start3A_227 = arith.constant 0 : i32
      %dma_start3A_228 = arith.constant 0 : i32
      %dma_start3A_229 = arith.constant 0 : i32
      %dma_start3A_230 = tpu.memref_slice %arg8[%dma_start3A_227, %dma_start3A_229] : memref<8x128xf32, #tpu.memory_space<vmem>> -> memref<1x128xf32, #tpu.memory_space<vmem>>
      %dma_start3A_231 = tpu.memref_squeeze %dma_start3A_230 : memref<1x128xf32, #tpu.memory_space<vmem>> -> memref<128xf32, #tpu.memory_space<vmem>>
      %dma_start3A_232 = arith.constant 0 : i32
      %dma_start3A_233 = tpu.memref_slice %arg7[%rem3A_96, %dma_start3A_228, %dma_start3A_232] : memref<2x8x128xi32, #tpu.memory_space<vmem>> -> memref<1x1x128xi32, #tpu.memory_space<vmem>>
      %dma_start3A_234 = tpu.memref_squeeze %dma_start3A_233 : memref<1x1x128xi32, #tpu.memory_space<vmem>> -> memref<128xi32, #tpu.memory_space<vmem>>
      %dma_start3A_235 = arith.constant 0 : i32
      %dma_start3A_236 = tpu.memref_slice %arg11[%dma_start3A_235] : memref<20480xf32, #tpu.memory_space<vmem_shared>> -> memref<20480xf32, #tpu.memory_space<vmem_shared>>
      tpu.enqueue_indirect_dma source(%dma_start3A_231 : memref<128xf32, #tpu.memory_space<vmem>>) target(%dma_start3A_236 : memref<20480xf32, #tpu.memory_space<vmem_shared>>) offsets(%dma_start3A_234 : memref<128xi32, #tpu.memory_space<vmem>>) semaphore(%arg20 : memref<!tpu.dma_semaphore, #tpu.memory_space<semaphore_mem>>) {add = true}
      %dma_wait3A_237 = arith.constant 1 : i32
      %dma_wait3A_238 = arith.constant 1 : i32
      %dma_wait3A_239 = arith.constant 0 : i32
      %dma_wait3A_240 = tpu.memref_slice %arg8[%dma_wait3A_238, %dma_wait3A_239] : memref<8x128xf32, #tpu.memory_space<vmem>> -> memref<1x128xf32, #tpu.memory_space<vmem>>
      %dma_wait3A_241 = tpu.memref_squeeze %dma_wait3A_240 : memref<1x128xf32, #tpu.memory_space<vmem>> -> memref<128xf32, #tpu.memory_space<vmem>>
      %dma_wait3A_242 = arith.constant 0 : i32
      %dma_wait3A_243 = tpu.memref_slice %arg6[%rem3A_96, %dma_wait3A_237, %dma_wait3A_242] : memref<2x8x128xi32, #tpu.memory_space<vmem>> -> memref<1x1x128xi32, #tpu.memory_space<vmem>>
      %dma_wait3A_244 = tpu.memref_squeeze %dma_wait3A_243 : memref<1x1x128xi32, #tpu.memory_space<vmem>> -> memref<128xi32, #tpu.memory_space<vmem>>
      %dma_wait3A_245 = arith.constant 0 : i32
      %dma_wait3A_246 = tpu.memref_slice %arg10[%dma_wait3A_245] : memref<20480xf32, #tpu.memory_space<vmem_shared>> -> memref<20480xf32, #tpu.memory_space<vmem_shared>>
      tpu.wait_indirect_dma semaphore(%arg13 : memref<!tpu.dma_semaphore, #tpu.memory_space<semaphore_mem>>) src(%dma_wait3A_246 : memref<20480xf32, #tpu.memory_space<vmem_shared>>) dst(%dma_wait3A_241 : memref<128xf32, #tpu.memory_space<vmem>>)
      %dma_start3A_247 = arith.constant 1 : i32
      %dma_start3A_248 = arith.constant 1 : i32
      %dma_start3A_249 = arith.constant 0 : i32
      %dma_start3A_250 = tpu.memref_slice %arg8[%dma_start3A_247, %dma_start3A_249] : memref<8x128xf32, #tpu.memory_space<vmem>> -> memref<1x128xf32, #tpu.memory_space<vmem>>
      %dma_start3A_251 = tpu.memref_squeeze %dma_start3A_250 : memref<1x128xf32, #tpu.memory_space<vmem>> -> memref<128xf32, #tpu.memory_space<vmem>>
      %dma_start3A_252 = arith.constant 0 : i32
      %dma_start3A_253 = tpu.memref_slice %arg7[%rem3A_96, %dma_start3A_248, %dma_start3A_252] : memref<2x8x128xi32, #tpu.memory_space<vmem>> -> memref<1x1x128xi32, #tpu.memory_space<vmem>>
      %dma_start3A_254 = tpu.memref_squeeze %dma_start3A_253 : memref<1x1x128xi32, #tpu.memory_space<vmem>> -> memref<128xi32, #tpu.memory_space<vmem>>
      %dma_start3A_255 = arith.constant 0 : i32
      %dma_start3A_256 = tpu.memref_slice %arg11[%dma_start3A_255] : memref<20480xf32, #tpu.memory_space<vmem_shared>> -> memref<20480xf32, #tpu.memory_space<vmem_shared>>
      tpu.enqueue_indirect_dma source(%dma_start3A_251 : memref<128xf32, #tpu.memory_space<vmem>>) target(%dma_start3A_256 : memref<20480xf32, #tpu.memory_space<vmem_shared>>) offsets(%dma_start3A_254 : memref<128xi32, #tpu.memory_space<vmem>>) semaphore(%arg21 : memref<!tpu.dma_semaphore, #tpu.memory_space<semaphore_mem>>) {add = true}
      %dma_wait3A_257 = arith.constant 2 : i32
      %dma_wait3A_258 = arith.constant 2 : i32
      %dma_wait3A_259 = arith.constant 0 : i32
      %dma_wait3A_260 = tpu.memref_slice %arg8[%dma_wait3A_258, %dma_wait3A_259] : memref<8x128xf32, #tpu.memory_space<vmem>> -> memref<1x128xf32, #tpu.memory_space<vmem>>
      %dma_wait3A_261 = tpu.memref_squeeze %dma_wait3A_260 : memref<1x128xf32, #tpu.memory_space<vmem>> -> memref<128xf32, #tpu.memory_space<vmem>>
      %dma_wait3A_262 = arith.constant 0 : i32
      %dma_wait3A_263 = tpu.memref_slice %arg6[%rem3A_96, %dma_wait3A_257, %dma_wait3A_262] : memref<2x8x128xi32, #tpu.memory_space<vmem>> -> memref<1x1x128xi32, #tpu.memory_space<vmem>>
      %dma_wait3A_264 = tpu.memref_squeeze %dma_wait3A_263 : memref<1x1x128xi32, #tpu.memory_space<vmem>> -> memref<128xi32, #tpu.memory_space<vmem>>
      %dma_wait3A_265 = arith.constant 0 : i32
      %dma_wait3A_266 = tpu.memref_slice %arg10[%dma_wait3A_265] : memref<20480xf32, #tpu.memory_space<vmem_shared>> -> memref<20480xf32, #tpu.memory_space<vmem_shared>>
      tpu.wait_indirect_dma semaphore(%arg14 : memref<!tpu.dma_semaphore, #tpu.memory_space<semaphore_mem>>) src(%dma_wait3A_266 : memref<20480xf32, #tpu.memory_space<vmem_shared>>) dst(%dma_wait3A_261 : memref<128xf32, #tpu.memory_space<vmem>>)
      %dma_start3A_267 = arith.constant 2 : i32
      %dma_start3A_268 = arith.constant 2 : i32
      %dma_start3A_269 = arith.constant 0 : i32
      %dma_start3A_270 = tpu.memref_slice %arg8[%dma_start3A_267, %dma_start3A_269] : memref<8x128xf32, #tpu.memory_space<vmem>> -> memref<1x128xf32, #tpu.memory_space<vmem>>
      %dma_start3A_271 = tpu.memref_squeeze %dma_start3A_270 : memref<1x128xf32, #tpu.memory_space<vmem>> -> memref<128xf32, #tpu.memory_space<vmem>>
      %dma_start3A_272 = arith.constant 0 : i32
      %dma_start3A_273 = tpu.memref_slice %arg7[%rem3A_96, %dma_start3A_268, %dma_start3A_272] : memref<2x8x128xi32, #tpu.memory_space<vmem>> -> memref<1x1x128xi32, #tpu.memory_space<vmem>>
      %dma_start3A_274 = tpu.memref_squeeze %dma_start3A_273 : memref<1x1x128xi32, #tpu.memory_space<vmem>> -> memref<128xi32, #tpu.memory_space<vmem>>
      %dma_start3A_275 = arith.constant 0 : i32
      %dma_start3A_276 = tpu.memref_slice %arg11[%dma_start3A_275] : memref<20480xf32, #tpu.memory_space<vmem_shared>> -> memref<20480xf32, #tpu.memory_space<vmem_shared>>
      tpu.enqueue_indirect_dma source(%dma_start3A_271 : memref<128xf32, #tpu.memory_space<vmem>>) target(%dma_start3A_276 : memref<20480xf32, #tpu.memory_space<vmem_shared>>) offsets(%dma_start3A_274 : memref<128xi32, #tpu.memory_space<vmem>>) semaphore(%arg22 : memref<!tpu.dma_semaphore, #tpu.memory_space<semaphore_mem>>) {add = true}
      %dma_wait3A_277 = arith.constant 3 : i32
      %dma_wait3A_278 = arith.constant 3 : i32
      %dma_wait3A_279 = arith.constant 0 : i32
      %dma_wait3A_280 = tpu.memref_slice %arg8[%dma_wait3A_278, %dma_wait3A_279] : memref<8x128xf32, #tpu.memory_space<vmem>> -> memref<1x128xf32, #tpu.memory_space<vmem>>
      %dma_wait3A_281 = tpu.memref_squeeze %dma_wait3A_280 : memref<1x128xf32, #tpu.memory_space<vmem>> -> memref<128xf32, #tpu.memory_space<vmem>>
      %dma_wait3A_282 = arith.constant 0 : i32
      %dma_wait3A_283 = tpu.memref_slice %arg6[%rem3A_96, %dma_wait3A_277, %dma_wait3A_282] : memref<2x8x128xi32, #tpu.memory_space<vmem>> -> memref<1x1x128xi32, #tpu.memory_space<vmem>>
      %dma_wait3A_284 = tpu.memref_squeeze %dma_wait3A_283 : memref<1x1x128xi32, #tpu.memory_space<vmem>> -> memref<128xi32, #tpu.memory_space<vmem>>
      %dma_wait3A_285 = arith.constant 0 : i32
      %dma_wait3A_286 = tpu.memref_slice %arg10[%dma_wait3A_285] : memref<20480xf32, #tpu.memory_space<vmem_shared>> -> memref<20480xf32, #tpu.memory_space<vmem_shared>>
      tpu.wait_indirect_dma semaphore(%arg15 : memref<!tpu.dma_semaphore, #tpu.memory_space<semaphore_mem>>) src(%dma_wait3A_286 : memref<20480xf32, #tpu.memory_space<vmem_shared>>) dst(%dma_wait3A_281 : memref<128xf32, #tpu.memory_space<vmem>>)
      %dma_start3A_287 = arith.constant 3 : i32
      %dma_start3A_288 = arith.constant 3 : i32
      %dma_start3A_289 = arith.constant 0 : i32
      %dma_start3A_290 = tpu.memref_slice %arg8[%dma_start3A_287, %dma_start3A_289] : memref<8x128xf32, #tpu.memory_space<vmem>> -> memref<1x128xf32, #tpu.memory_space<vmem>>
      %dma_start3A_291 = tpu.memref_squeeze %dma_start3A_290 : memref<1x128xf32, #tpu.memory_space<vmem>> -> memref<128xf32, #tpu.memory_space<vmem>>
      %dma_start3A_292 = arith.constant 0 : i32
      %dma_start3A_293 = tpu.memref_slice %arg7[%rem3A_96, %dma_start3A_288, %dma_start3A_292] : memref<2x8x128xi32, #tpu.memory_space<vmem>> -> memref<1x1x128xi32, #tpu.memory_space<vmem>>
      %dma_start3A_294 = tpu.memref_squeeze %dma_start3A_293 : memref<1x1x128xi32, #tpu.memory_space<vmem>> -> memref<128xi32, #tpu.memory_space<vmem>>
      %dma_start3A_295 = arith.constant 0 : i32
      %dma_start3A_296 = tpu.memref_slice %arg11[%dma_start3A_295] : memref<20480xf32, #tpu.memory_space<vmem_shared>> -> memref<20480xf32, #tpu.memory_space<vmem_shared>>
      tpu.enqueue_indirect_dma source(%dma_start3A_291 : memref<128xf32, #tpu.memory_space<vmem>>) target(%dma_start3A_296 : memref<20480xf32, #tpu.memory_space<vmem_shared>>) offsets(%dma_start3A_294 : memref<128xi32, #tpu.memory_space<vmem>>) semaphore(%arg23 : memref<!tpu.dma_semaphore, #tpu.memory_space<semaphore_mem>>) {add = true}
      %dma_wait3A_297 = arith.constant 4 : i32
      %dma_wait3A_298 = arith.constant 4 : i32
      %dma_wait3A_299 = arith.constant 0 : i32
      %dma_wait3A_300 = tpu.memref_slice %arg8[%dma_wait3A_298, %dma_wait3A_299] : memref<8x128xf32, #tpu.memory_space<vmem>> -> memref<1x128xf32, #tpu.memory_space<vmem>>
      %dma_wait3A_301 = tpu.memref_squeeze %dma_wait3A_300 : memref<1x128xf32, #tpu.memory_space<vmem>> -> memref<128xf32, #tpu.memory_space<vmem>>
      %dma_wait3A_302 = arith.constant 0 : i32
      %dma_wait3A_303 = tpu.memref_slice %arg6[%rem3A_96, %dma_wait3A_297, %dma_wait3A_302] : memref<2x8x128xi32, #tpu.memory_space<vmem>> -> memref<1x1x128xi32, #tpu.memory_space<vmem>>
      %dma_wait3A_304 = tpu.memref_squeeze %dma_wait3A_303 : memref<1x1x128xi32, #tpu.memory_space<vmem>> -> memref<128xi32, #tpu.memory_space<vmem>>
      %dma_wait3A_305 = arith.constant 0 : i32
      %dma_wait3A_306 = tpu.memref_slice %arg10[%dma_wait3A_305] : memref<20480xf32, #tpu.memory_space<vmem_shared>> -> memref<20480xf32, #tpu.memory_space<vmem_shared>>
      tpu.wait_indirect_dma semaphore(%arg16 : memref<!tpu.dma_semaphore, #tpu.memory_space<semaphore_mem>>) src(%dma_wait3A_306 : memref<20480xf32, #tpu.memory_space<vmem_shared>>) dst(%dma_wait3A_301 : memref<128xf32, #tpu.memory_space<vmem>>)
      %dma_start3A_307 = arith.constant 4 : i32
      %dma_start3A_308 = arith.constant 4 : i32
      %dma_start3A_309 = arith.constant 0 : i32
      %dma_start3A_310 = tpu.memref_slice %arg8[%dma_start3A_307, %dma_start3A_309] : memref<8x128xf32, #tpu.memory_space<vmem>> -> memref<1x128xf32, #tpu.memory_space<vmem>>
      %dma_start3A_311 = tpu.memref_squeeze %dma_start3A_310 : memref<1x128xf32, #tpu.memory_space<vmem>> -> memref<128xf32, #tpu.memory_space<vmem>>
      %dma_start3A_312 = arith.constant 0 : i32
      %dma_start3A_313 = tpu.memref_slice %arg7[%rem3A_96, %dma_start3A_308, %dma_start3A_312] : memref<2x8x128xi32, #tpu.memory_space<vmem>> -> memref<1x1x128xi32, #tpu.memory_space<vmem>>
      %dma_start3A_314 = tpu.memref_squeeze %dma_start3A_313 : memref<1x1x128xi32, #tpu.memory_space<vmem>> -> memref<128xi32, #tpu.memory_space<vmem>>
      %dma_start3A_315 = arith.constant 0 : i32
      %dma_start3A_316 = tpu.memref_slice %arg11[%dma_start3A_315] : memref<20480xf32, #tpu.memory_space<vmem_shared>> -> memref<20480xf32, #tpu.memory_space<vmem_shared>>
      tpu.enqueue_indirect_dma source(%dma_start3A_311 : memref<128xf32, #tpu.memory_space<vmem>>) target(%dma_start3A_316 : memref<20480xf32, #tpu.memory_space<vmem_shared>>) offsets(%dma_start3A_314 : memref<128xi32, #tpu.memory_space<vmem>>) semaphore(%arg24 : memref<!tpu.dma_semaphore, #tpu.memory_space<semaphore_mem>>) {add = true}
      %dma_wait3A_317 = arith.constant 5 : i32
      %dma_wait3A_318 = arith.constant 5 : i32
      %dma_wait3A_319 = arith.constant 0 : i32
      %dma_wait3A_320 = tpu.memref_slice %arg8[%dma_wait3A_318, %dma_wait3A_319] : memref<8x128xf32, #tpu.memory_space<vmem>> -> memref<1x128xf32, #tpu.memory_space<vmem>>
      %dma_wait3A_321 = tpu.memref_squeeze %dma_wait3A_320 : memref<1x128xf32, #tpu.memory_space<vmem>> -> memref<128xf32, #tpu.memory_space<vmem>>
      %dma_wait3A_322 = arith.constant 0 : i32
      %dma_wait3A_323 = tpu.memref_slice %arg6[%rem3A_96, %dma_wait3A_317, %dma_wait3A_322] : memref<2x8x128xi32, #tpu.memory_space<vmem>> -> memref<1x1x128xi32, #tpu.memory_space<vmem>>
      %dma_wait3A_324 = tpu.memref_squeeze %dma_wait3A_323 : memref<1x1x128xi32, #tpu.memory_space<vmem>> -> memref<128xi32, #tpu.memory_space<vmem>>
      %dma_wait3A_325 = arith.constant 0 : i32
      %dma_wait3A_326 = tpu.memref_slice %arg10[%dma_wait3A_325] : memref<20480xf32, #tpu.memory_space<vmem_shared>> -> memref<20480xf32, #tpu.memory_space<vmem_shared>>
      tpu.wait_indirect_dma semaphore(%arg17 : memref<!tpu.dma_semaphore, #tpu.memory_space<semaphore_mem>>) src(%dma_wait3A_326 : memref<20480xf32, #tpu.memory_space<vmem_shared>>) dst(%dma_wait3A_321 : memref<128xf32, #tpu.memory_space<vmem>>)
      %dma_start3A_327 = arith.constant 5 : i32
      %dma_start3A_328 = arith.constant 5 : i32
      %dma_start3A_329 = arith.constant 0 : i32
      %dma_start3A_330 = tpu.memref_slice %arg8[%dma_start3A_327, %dma_start3A_329] : memref<8x128xf32, #tpu.memory_space<vmem>> -> memref<1x128xf32, #tpu.memory_space<vmem>>
      %dma_start3A_331 = tpu.memref_squeeze %dma_start3A_330 : memref<1x128xf32, #tpu.memory_space<vmem>> -> memref<128xf32, #tpu.memory_space<vmem>>
      %dma_start3A_332 = arith.constant 0 : i32
      %dma_start3A_333 = tpu.memref_slice %arg7[%rem3A_96, %dma_start3A_328, %dma_start3A_332] : memref<2x8x128xi32, #tpu.memory_space<vmem>> -> memref<1x1x128xi32, #tpu.memory_space<vmem>>
      %dma_start3A_334 = tpu.memref_squeeze %dma_start3A_333 : memref<1x1x128xi32, #tpu.memory_space<vmem>> -> memref<128xi32, #tpu.memory_space<vmem>>
      %dma_start3A_335 = arith.constant 0 : i32
      %dma_start3A_336 = tpu.memref_slice %arg11[%dma_start3A_335] : memref<20480xf32, #tpu.memory_space<vmem_shared>> -> memref<20480xf32, #tpu.memory_space<vmem_shared>>
      tpu.enqueue_indirect_dma source(%dma_start3A_331 : memref<128xf32, #tpu.memory_space<vmem>>) target(%dma_start3A_336 : memref<20480xf32, #tpu.memory_space<vmem_shared>>) offsets(%dma_start3A_334 : memref<128xi32, #tpu.memory_space<vmem>>) semaphore(%arg25 : memref<!tpu.dma_semaphore, #tpu.memory_space<semaphore_mem>>) {add = true}
      %dma_wait3A_337 = arith.constant 6 : i32
      %dma_wait3A_338 = arith.constant 6 : i32
      %dma_wait3A_339 = arith.constant 0 : i32
      %dma_wait3A_340 = tpu.memref_slice %arg8[%dma_wait3A_338, %dma_wait3A_339] : memref<8x128xf32, #tpu.memory_space<vmem>> -> memref<1x128xf32, #tpu.memory_space<vmem>>
      %dma_wait3A_341 = tpu.memref_squeeze %dma_wait3A_340 : memref<1x128xf32, #tpu.memory_space<vmem>> -> memref<128xf32, #tpu.memory_space<vmem>>
      %dma_wait3A_342 = arith.constant 0 : i32
      %dma_wait3A_343 = tpu.memref_slice %arg6[%rem3A_96, %dma_wait3A_337, %dma_wait3A_342] : memref<2x8x128xi32, #tpu.memory_space<vmem>> -> memref<1x1x128xi32, #tpu.memory_space<vmem>>
      %dma_wait3A_344 = tpu.memref_squeeze %dma_wait3A_343 : memref<1x1x128xi32, #tpu.memory_space<vmem>> -> memref<128xi32, #tpu.memory_space<vmem>>
      %dma_wait3A_345 = arith.constant 0 : i32
      %dma_wait3A_346 = tpu.memref_slice %arg10[%dma_wait3A_345] : memref<20480xf32, #tpu.memory_space<vmem_shared>> -> memref<20480xf32, #tpu.memory_space<vmem_shared>>
      tpu.wait_indirect_dma semaphore(%arg18 : memref<!tpu.dma_semaphore, #tpu.memory_space<semaphore_mem>>) src(%dma_wait3A_346 : memref<20480xf32, #tpu.memory_space<vmem_shared>>) dst(%dma_wait3A_341 : memref<128xf32, #tpu.memory_space<vmem>>)
      %dma_start3A_347 = arith.constant 6 : i32
      %dma_start3A_348 = arith.constant 6 : i32
      %dma_start3A_349 = arith.constant 0 : i32
      %dma_start3A_350 = tpu.memref_slice %arg8[%dma_start3A_347, %dma_start3A_349] : memref<8x128xf32, #tpu.memory_space<vmem>> -> memref<1x128xf32, #tpu.memory_space<vmem>>
      %dma_start3A_351 = tpu.memref_squeeze %dma_start3A_350 : memref<1x128xf32, #tpu.memory_space<vmem>> -> memref<128xf32, #tpu.memory_space<vmem>>
      %dma_start3A_352 = arith.constant 0 : i32
      %dma_start3A_353 = tpu.memref_slice %arg7[%rem3A_96, %dma_start3A_348, %dma_start3A_352] : memref<2x8x128xi32, #tpu.memory_space<vmem>> -> memref<1x1x128xi32, #tpu.memory_space<vmem>>
      %dma_start3A_354 = tpu.memref_squeeze %dma_start3A_353 : memref<1x1x128xi32, #tpu.memory_space<vmem>> -> memref<128xi32, #tpu.memory_space<vmem>>
      %dma_start3A_355 = arith.constant 0 : i32
      %dma_start3A_356 = tpu.memref_slice %arg11[%dma_start3A_355] : memref<20480xf32, #tpu.memory_space<vmem_shared>> -> memref<20480xf32, #tpu.memory_space<vmem_shared>>
      tpu.enqueue_indirect_dma source(%dma_start3A_351 : memref<128xf32, #tpu.memory_space<vmem>>) target(%dma_start3A_356 : memref<20480xf32, #tpu.memory_space<vmem_shared>>) offsets(%dma_start3A_354 : memref<128xi32, #tpu.memory_space<vmem>>) semaphore(%arg26 : memref<!tpu.dma_semaphore, #tpu.memory_space<semaphore_mem>>) {add = true}
      %dma_wait3A_357 = arith.constant 7 : i32
      %dma_wait3A_358 = arith.constant 7 : i32
      %dma_wait3A_359 = arith.constant 0 : i32
      %dma_wait3A_360 = tpu.memref_slice %arg8[%dma_wait3A_358, %dma_wait3A_359] : memref<8x128xf32, #tpu.memory_space<vmem>> -> memref<1x128xf32, #tpu.memory_space<vmem>>
      %dma_wait3A_361 = tpu.memref_squeeze %dma_wait3A_360 : memref<1x128xf32, #tpu.memory_space<vmem>> -> memref<128xf32, #tpu.memory_space<vmem>>
      %dma_wait3A_362 = arith.constant 0 : i32
      %dma_wait3A_363 = tpu.memref_slice %arg6[%rem3A_96, %dma_wait3A_357, %dma_wait3A_362] : memref<2x8x128xi32, #tpu.memory_space<vmem>> -> memref<1x1x128xi32, #tpu.memory_space<vmem>>
      %dma_wait3A_364 = tpu.memref_squeeze %dma_wait3A_363 : memref<1x1x128xi32, #tpu.memory_space<vmem>> -> memref<128xi32, #tpu.memory_space<vmem>>
      %dma_wait3A_365 = arith.constant 0 : i32
      %dma_wait3A_366 = tpu.memref_slice %arg10[%dma_wait3A_365] : memref<20480xf32, #tpu.memory_space<vmem_shared>> -> memref<20480xf32, #tpu.memory_space<vmem_shared>>
      tpu.wait_indirect_dma semaphore(%arg19 : memref<!tpu.dma_semaphore, #tpu.memory_space<semaphore_mem>>) src(%dma_wait3A_366 : memref<20480xf32, #tpu.memory_space<vmem_shared>>) dst(%dma_wait3A_361 : memref<128xf32, #tpu.memory_space<vmem>>)
      %dma_start3A_367 = arith.constant 7 : i32
      %dma_start3A_368 = arith.constant 7 : i32
      %dma_start3A_369 = arith.constant 0 : i32
      %dma_start3A_370 = tpu.memref_slice %arg8[%dma_start3A_367, %dma_start3A_369] : memref<8x128xf32, #tpu.memory_space<vmem>> -> memref<1x128xf32, #tpu.memory_space<vmem>>
      %dma_start3A_371 = tpu.memref_squeeze %dma_start3A_370 : memref<1x128xf32, #tpu.memory_space<vmem>> -> memref<128xf32, #tpu.memory_space<vmem>>
      %dma_start3A_372 = arith.constant 0 : i32
      %dma_start3A_373 = tpu.memref_slice %arg7[%rem3A_96, %dma_start3A_368, %dma_start3A_372] : memref<2x8x128xi32, #tpu.memory_space<vmem>> -> memref<1x1x128xi32, #tpu.memory_space<vmem>>
      %dma_start3A_374 = tpu.memref_squeeze %dma_start3A_373 : memref<1x1x128xi32, #tpu.memory_space<vmem>> -> memref<128xi32, #tpu.memory_space<vmem>>
      %dma_start3A_375 = arith.constant 0 : i32
      %dma_start3A_376 = tpu.memref_slice %arg11[%dma_start3A_375] : memref<20480xf32, #tpu.memory_space<vmem_shared>> -> memref<20480xf32, #tpu.memory_space<vmem_shared>>
      tpu.enqueue_indirect_dma source(%dma_start3A_371 : memref<128xf32, #tpu.memory_space<vmem>>) target(%dma_start3A_376 : memref<20480xf32, #tpu.memory_space<vmem_shared>>) offsets(%dma_start3A_374 : memref<128xi32, #tpu.memory_space<vmem>>) semaphore(%arg27 : memref<!tpu.dma_semaphore, #tpu.memory_space<semaphore_mem>>) {add = true}
    }
    %scan3A_6 = arith.constant 20 : i32
    %dma_wait3A = arith.constant 0 : i32
    %dma_wait3A_7 = arith.constant 0 : i32
    %dma_wait3A_8 = arith.constant 0 : i32
    %dma_wait3A_9 = arith.constant 0 : i32
    %dma_wait3A_10 = tpu.memref_slice %arg8[%dma_wait3A, %dma_wait3A_9] : memref<8x128xf32, #tpu.memory_space<vmem>> -> memref<1x128xf32, #tpu.memory_space<vmem>>
    %dma_wait3A_11 = tpu.memref_squeeze %dma_wait3A_10 : memref<1x128xf32, #tpu.memory_space<vmem>> -> memref<128xf32, #tpu.memory_space<vmem>>
    %dma_wait3A_12 = arith.constant 0 : i32
    %dma_wait3A_13 = tpu.memref_slice %arg7[%dma_wait3A_7, %dma_wait3A_8, %dma_wait3A_12] : memref<2x8x128xi32, #tpu.memory_space<vmem>> -> memref<1x1x128xi32, #tpu.memory_space<vmem>>
    %dma_wait3A_14 = tpu.memref_squeeze %dma_wait3A_13 : memref<1x1x128xi32, #tpu.memory_space<vmem>> -> memref<128xi32, #tpu.memory_space<vmem>>
    %dma_wait3A_15 = arith.constant 0 : i32
    %dma_wait3A_16 = tpu.memref_slice %arg11[%dma_wait3A_15] : memref<20480xf32, #tpu.memory_space<vmem_shared>> -> memref<20480xf32, #tpu.memory_space<vmem_shared>>
    tpu.wait_indirect_dma semaphore(%arg20 : memref<!tpu.dma_semaphore, #tpu.memory_space<semaphore_mem>>) src(%dma_wait3A_11 : memref<128xf32, #tpu.memory_space<vmem>>) dst(%dma_wait3A_16 : memref<20480xf32, #tpu.memory_space<vmem_shared>>)
    %dma_wait3A_17 = arith.constant 1 : i32
    %dma_wait3A_18 = arith.constant 0 : i32
    %dma_wait3A_19 = arith.constant 1 : i32
    %dma_wait3A_20 = arith.constant 0 : i32
    %dma_wait3A_21 = tpu.memref_slice %arg8[%dma_wait3A_17, %dma_wait3A_20] : memref<8x128xf32, #tpu.memory_space<vmem>> -> memref<1x128xf32, #tpu.memory_space<vmem>>
    %dma_wait3A_22 = tpu.memref_squeeze %dma_wait3A_21 : memref<1x128xf32, #tpu.memory_space<vmem>> -> memref<128xf32, #tpu.memory_space<vmem>>
    %dma_wait3A_23 = arith.constant 0 : i32
    %dma_wait3A_24 = tpu.memref_slice %arg7[%dma_wait3A_18, %dma_wait3A_19, %dma_wait3A_23] : memref<2x8x128xi32, #tpu.memory_space<vmem>> -> memref<1x1x128xi32, #tpu.memory_space<vmem>>
    %dma_wait3A_25 = tpu.memref_squeeze %dma_wait3A_24 : memref<1x1x128xi32, #tpu.memory_space<vmem>> -> memref<128xi32, #tpu.memory_space<vmem>>
    %dma_wait3A_26 = arith.constant 0 : i32
    %dma_wait3A_27 = tpu.memref_slice %arg11[%dma_wait3A_26] : memref<20480xf32, #tpu.memory_space<vmem_shared>> -> memref<20480xf32, #tpu.memory_space<vmem_shared>>
    tpu.wait_indirect_dma semaphore(%arg21 : memref<!tpu.dma_semaphore, #tpu.memory_space<semaphore_mem>>) src(%dma_wait3A_22 : memref<128xf32, #tpu.memory_space<vmem>>) dst(%dma_wait3A_27 : memref<20480xf32, #tpu.memory_space<vmem_shared>>)
    %dma_wait3A_28 = arith.constant 2 : i32
    %dma_wait3A_29 = arith.constant 0 : i32
    %dma_wait3A_30 = arith.constant 2 : i32
    %dma_wait3A_31 = arith.constant 0 : i32
    %dma_wait3A_32 = tpu.memref_slice %arg8[%dma_wait3A_28, %dma_wait3A_31] : memref<8x128xf32, #tpu.memory_space<vmem>> -> memref<1x128xf32, #tpu.memory_space<vmem>>
    %dma_wait3A_33 = tpu.memref_squeeze %dma_wait3A_32 : memref<1x128xf32, #tpu.memory_space<vmem>> -> memref<128xf32, #tpu.memory_space<vmem>>
    %dma_wait3A_34 = arith.constant 0 : i32
    %dma_wait3A_35 = tpu.memref_slice %arg7[%dma_wait3A_29, %dma_wait3A_30, %dma_wait3A_34] : memref<2x8x128xi32, #tpu.memory_space<vmem>> -> memref<1x1x128xi32, #tpu.memory_space<vmem>>
    %dma_wait3A_36 = tpu.memref_squeeze %dma_wait3A_35 : memref<1x1x128xi32, #tpu.memory_space<vmem>> -> memref<128xi32, #tpu.memory_space<vmem>>
    %dma_wait3A_37 = arith.constant 0 : i32
    %dma_wait3A_38 = tpu.memref_slice %arg11[%dma_wait3A_37] : memref<20480xf32, #tpu.memory_space<vmem_shared>> -> memref<20480xf32, #tpu.memory_space<vmem_shared>>
    tpu.wait_indirect_dma semaphore(%arg22 : memref<!tpu.dma_semaphore, #tpu.memory_space<semaphore_mem>>) src(%dma_wait3A_33 : memref<128xf32, #tpu.memory_space<vmem>>) dst(%dma_wait3A_38 : memref<20480xf32, #tpu.memory_space<vmem_shared>>)
    %dma_wait3A_39 = arith.constant 3 : i32
    %dma_wait3A_40 = arith.constant 0 : i32
    %dma_wait3A_41 = arith.constant 3 : i32
    %dma_wait3A_42 = arith.constant 0 : i32
    %dma_wait3A_43 = tpu.memref_slice %arg8[%dma_wait3A_39, %dma_wait3A_42] : memref<8x128xf32, #tpu.memory_space<vmem>> -> memref<1x128xf32, #tpu.memory_space<vmem>>
    %dma_wait3A_44 = tpu.memref_squeeze %dma_wait3A_43 : memref<1x128xf32, #tpu.memory_space<vmem>> -> memref<128xf32, #tpu.memory_space<vmem>>
    %dma_wait3A_45 = arith.constant 0 : i32
    %dma_wait3A_46 = tpu.memref_slice %arg7[%dma_wait3A_40, %dma_wait3A_41, %dma_wait3A_45] : memref<2x8x128xi32, #tpu.memory_space<vmem>> -> memref<1x1x128xi32, #tpu.memory_space<vmem>>
    %dma_wait3A_47 = tpu.memref_squeeze %dma_wait3A_46 : memref<1x1x128xi32, #tpu.memory_space<vmem>> -> memref<128xi32, #tpu.memory_space<vmem>>
    %dma_wait3A_48 = arith.constant 0 : i32
    %dma_wait3A_49 = tpu.memref_slice %arg11[%dma_wait3A_48] : memref<20480xf32, #tpu.memory_space<vmem_shared>> -> memref<20480xf32, #tpu.memory_space<vmem_shared>>
    tpu.wait_indirect_dma semaphore(%arg23 : memref<!tpu.dma_semaphore, #tpu.memory_space<semaphore_mem>>) src(%dma_wait3A_44 : memref<128xf32, #tpu.memory_space<vmem>>) dst(%dma_wait3A_49 : memref<20480xf32, #tpu.memory_space<vmem_shared>>)
    %dma_wait3A_50 = arith.constant 4 : i32
    %dma_wait3A_51 = arith.constant 0 : i32
    %dma_wait3A_52 = arith.constant 4 : i32
    %dma_wait3A_53 = arith.constant 0 : i32
    %dma_wait3A_54 = tpu.memref_slice %arg8[%dma_wait3A_50, %dma_wait3A_53] : memref<8x128xf32, #tpu.memory_space<vmem>> -> memref<1x128xf32, #tpu.memory_space<vmem>>
    %dma_wait3A_55 = tpu.memref_squeeze %dma_wait3A_54 : memref<1x128xf32, #tpu.memory_space<vmem>> -> memref<128xf32, #tpu.memory_space<vmem>>
    %dma_wait3A_56 = arith.constant 0 : i32
    %dma_wait3A_57 = tpu.memref_slice %arg7[%dma_wait3A_51, %dma_wait3A_52, %dma_wait3A_56] : memref<2x8x128xi32, #tpu.memory_space<vmem>> -> memref<1x1x128xi32, #tpu.memory_space<vmem>>
    %dma_wait3A_58 = tpu.memref_squeeze %dma_wait3A_57 : memref<1x1x128xi32, #tpu.memory_space<vmem>> -> memref<128xi32, #tpu.memory_space<vmem>>
    %dma_wait3A_59 = arith.constant 0 : i32
    %dma_wait3A_60 = tpu.memref_slice %arg11[%dma_wait3A_59] : memref<20480xf32, #tpu.memory_space<vmem_shared>> -> memref<20480xf32, #tpu.memory_space<vmem_shared>>
    tpu.wait_indirect_dma semaphore(%arg24 : memref<!tpu.dma_semaphore, #tpu.memory_space<semaphore_mem>>) src(%dma_wait3A_55 : memref<128xf32, #tpu.memory_space<vmem>>) dst(%dma_wait3A_60 : memref<20480xf32, #tpu.memory_space<vmem_shared>>)
    %dma_wait3A_61 = arith.constant 5 : i32
    %dma_wait3A_62 = arith.constant 0 : i32
    %dma_wait3A_63 = arith.constant 5 : i32
    %dma_wait3A_64 = arith.constant 0 : i32
    %dma_wait3A_65 = tpu.memref_slice %arg8[%dma_wait3A_61, %dma_wait3A_64] : memref<8x128xf32, #tpu.memory_space<vmem>> -> memref<1x128xf32, #tpu.memory_space<vmem>>
    %dma_wait3A_66 = tpu.memref_squeeze %dma_wait3A_65 : memref<1x128xf32, #tpu.memory_space<vmem>> -> memref<128xf32, #tpu.memory_space<vmem>>
    %dma_wait3A_67 = arith.constant 0 : i32
    %dma_wait3A_68 = tpu.memref_slice %arg7[%dma_wait3A_62, %dma_wait3A_63, %dma_wait3A_67] : memref<2x8x128xi32, #tpu.memory_space<vmem>> -> memref<1x1x128xi32, #tpu.memory_space<vmem>>
    %dma_wait3A_69 = tpu.memref_squeeze %dma_wait3A_68 : memref<1x1x128xi32, #tpu.memory_space<vmem>> -> memref<128xi32, #tpu.memory_space<vmem>>
    %dma_wait3A_70 = arith.constant 0 : i32
    %dma_wait3A_71 = tpu.memref_slice %arg11[%dma_wait3A_70] : memref<20480xf32, #tpu.memory_space<vmem_shared>> -> memref<20480xf32, #tpu.memory_space<vmem_shared>>
    tpu.wait_indirect_dma semaphore(%arg25 : memref<!tpu.dma_semaphore, #tpu.memory_space<semaphore_mem>>) src(%dma_wait3A_66 : memref<128xf32, #tpu.memory_space<vmem>>) dst(%dma_wait3A_71 : memref<20480xf32, #tpu.memory_space<vmem_shared>>)
    %dma_wait3A_72 = arith.constant 6 : i32
    %dma_wait3A_73 = arith.constant 0 : i32
    %dma_wait3A_74 = arith.constant 6 : i32
    %dma_wait3A_75 = arith.constant 0 : i32
    %dma_wait3A_76 = tpu.memref_slice %arg8[%dma_wait3A_72, %dma_wait3A_75] : memref<8x128xf32, #tpu.memory_space<vmem>> -> memref<1x128xf32, #tpu.memory_space<vmem>>
    %dma_wait3A_77 = tpu.memref_squeeze %dma_wait3A_76 : memref<1x128xf32, #tpu.memory_space<vmem>> -> memref<128xf32, #tpu.memory_space<vmem>>
    %dma_wait3A_78 = arith.constant 0 : i32
    %dma_wait3A_79 = tpu.memref_slice %arg7[%dma_wait3A_73, %dma_wait3A_74, %dma_wait3A_78] : memref<2x8x128xi32, #tpu.memory_space<vmem>> -> memref<1x1x128xi32, #tpu.memory_space<vmem>>
    %dma_wait3A_80 = tpu.memref_squeeze %dma_wait3A_79 : memref<1x1x128xi32, #tpu.memory_space<vmem>> -> memref<128xi32, #tpu.memory_space<vmem>>
    %dma_wait3A_81 = arith.constant 0 : i32
    %dma_wait3A_82 = tpu.memref_slice %arg11[%dma_wait3A_81] : memref<20480xf32, #tpu.memory_space<vmem_shared>> -> memref<20480xf32, #tpu.memory_space<vmem_shared>>
    tpu.wait_indirect_dma semaphore(%arg26 : memref<!tpu.dma_semaphore, #tpu.memory_space<semaphore_mem>>) src(%dma_wait3A_77 : memref<128xf32, #tpu.memory_space<vmem>>) dst(%dma_wait3A_82 : memref<20480xf32, #tpu.memory_space<vmem_shared>>)
    %dma_wait3A_83 = arith.constant 7 : i32
    %dma_wait3A_84 = arith.constant 0 : i32
    %dma_wait3A_85 = arith.constant 7 : i32
    %dma_wait3A_86 = arith.constant 0 : i32
    %dma_wait3A_87 = tpu.memref_slice %arg8[%dma_wait3A_83, %dma_wait3A_86] : memref<8x128xf32, #tpu.memory_space<vmem>> -> memref<1x128xf32, #tpu.memory_space<vmem>>
    %dma_wait3A_88 = tpu.memref_squeeze %dma_wait3A_87 : memref<1x128xf32, #tpu.memory_space<vmem>> -> memref<128xf32, #tpu.memory_space<vmem>>
    %dma_wait3A_89 = arith.constant 0 : i32
    %dma_wait3A_90 = tpu.memref_slice %arg7[%dma_wait3A_84, %dma_wait3A_85, %dma_wait3A_89] : memref<2x8x128xi32, #tpu.memory_space<vmem>> -> memref<1x1x128xi32, #tpu.memory_space<vmem>>
    %dma_wait3A_91 = tpu.memref_squeeze %dma_wait3A_90 : memref<1x1x128xi32, #tpu.memory_space<vmem>> -> memref<128xi32, #tpu.memory_space<vmem>>
    %dma_wait3A_92 = arith.constant 0 : i32
    %dma_wait3A_93 = tpu.memref_slice %arg11[%dma_wait3A_92] : memref<20480xf32, #tpu.memory_space<vmem_shared>> -> memref<20480xf32, #tpu.memory_space<vmem_shared>>
    tpu.wait_indirect_dma semaphore(%arg27 : memref<!tpu.dma_semaphore, #tpu.memory_space<semaphore_mem>>) src(%dma_wait3A_88 : memref<128xf32, #tpu.memory_space<vmem>>) dst(%dma_wait3A_93 : memref<20480xf32, #tpu.memory_space<vmem_shared>>)
    %barrier3A_94 = arith.constant 0 : index
    tpu.barrier barrier_id(%barrier3A_94)
    "tpu.region"() ({
      %run_scoped3A = tpu.sem_alloc : memref<!tpu.dma_semaphore, #tpu.memory_space<semaphore_mem>>
      %dma_start3A = tpu.memref_slice %arg11[%mul3A_2] : memref<20480xf32, #tpu.memory_space<vmem_shared>> -> memref<1280xf32, #tpu.memory_space<vmem_shared>>
      %dma_start3A_95 = tpu.memref_slice %arg11[%mul3A_2] : memref<20480xf32, #tpu.memory_space<vmem_shared>> -> memref<1280xf32, #tpu.memory_space<vmem_shared>>
      tpu.enqueue_dma source(%dma_start3A_95 : memref<1280xf32, #tpu.memory_space<vmem_shared>>) target(%arg9 : memref<1280xf32, #tpu.memory_space<vmem>>) target_semaphore(%run_scoped3A : memref<!tpu.dma_semaphore, #tpu.memory_space<semaphore_mem>>)
      %dma_wait3A_96 = tpu.memref_slice %arg11[%mul3A_2] : memref<20480xf32, #tpu.memory_space<vmem_shared>> -> memref<1280xf32, #tpu.memory_space<vmem_shared>>
      %dma_wait3A_97 = tpu.memref_slice %arg11[%mul3A_2] : memref<20480xf32, #tpu.memory_space<vmem_shared>> -> memref<1280xf32, #tpu.memory_space<vmem_shared>>
      tpu.wait_dma2 semaphore(%run_scoped3A : memref<!tpu.dma_semaphore, #tpu.memory_space<semaphore_mem>>) src(%dma_wait3A_97 : memref<1280xf32, #tpu.memory_space<vmem_shared>>) dst(%arg9 : memref<1280xf32, #tpu.memory_space<vmem>>)
      tpu.yield
    }) : () -> ()
    "tpu.region"() ({
      %run_scoped3A = tpu.sem_alloc : memref<!tpu.dma_semaphore, #tpu.memory_space<semaphore_mem>>
      %dma_start3A = tpu.memref_slice %arg5[%arg0, %mul3A_2] : memref<2x20480xf32, #tpu.memory_space<hbm>> -> memref<1x1280xf32, #tpu.memory_space<hbm>>
      %dma_start3A_95 = tpu.memref_squeeze %dma_start3A : memref<1x1280xf32, #tpu.memory_space<hbm>> -> memref<1280xf32, #tpu.memory_space<hbm>>
      %dma_start3A_96 = tpu.memref_slice %arg5[%arg0, %mul3A_2] : memref<2x20480xf32, #tpu.memory_space<hbm>> -> memref<1x1280xf32, #tpu.memory_space<hbm>>
      %dma_start3A_97 = tpu.memref_squeeze %dma_start3A_96 : memref<1x1280xf32, #tpu.memory_space<hbm>> -> memref<1280xf32, #tpu.memory_space<hbm>>
      tpu.enqueue_dma source(%arg9 : memref<1280xf32, #tpu.memory_space<vmem>>) target(%dma_start3A_97 : memref<1280xf32, #tpu.memory_space<hbm>>) target_semaphore(%run_scoped3A : memref<!tpu.dma_semaphore, #tpu.memory_space<semaphore_mem>>)
      %dma_wait3A_98 = tpu.memref_slice %arg5[%arg0, %mul3A_2] : memref<2x20480xf32, #tpu.memory_space<hbm>> -> memref<1x1280xf32, #tpu.memory_space<hbm>>
      %dma_wait3A_99 = tpu.memref_squeeze %dma_wait3A_98 : memref<1x1280xf32, #tpu.memory_space<hbm>> -> memref<1280xf32, #tpu.memory_space<hbm>>
      %dma_wait3A_100 = tpu.memref_slice %arg5[%arg0, %mul3A_2] : memref<2x20480xf32, #tpu.memory_space<hbm>> -> memref<1x1280xf32, #tpu.memory_space<hbm>>
      %dma_wait3A_101 = tpu.memref_squeeze %dma_wait3A_100 : memref<1x1280xf32, #tpu.memory_space<hbm>> -> memref<1280xf32, #tpu.memory_space<hbm>>
      tpu.wait_dma2 semaphore(%run_scoped3A : memref<!tpu.dma_semaphore, #tpu.memory_space<semaphore_mem>>) src(%arg9 : memref<1280xf32, #tpu.memory_space<vmem>>) dst(%dma_wait3A_101 : memref<1280xf32, #tpu.memory_space<hbm>>)
      tpu.yield
    }) : () -> ()
    return
  }
}

#map = affine_map<(d0, d1) -> (0, 0)>
#map1 = affine_map<(d0, d1) -> (0)>
module attributes {stable_mosaic.version = 14 : i64} {
  func.func @deg_kernel(%arg0: i32, %arg1: i32, %arg2: memref<2x320000xi32, #tpu.memory_space<hbm>>, %arg3: memref<10240xf32, #tpu.memory_space<hbm>>, %arg4: memref<2x10240xf32, #tpu.memory_space<hbm>>, %arg5: memref<2x128xi32, #tpu.memory_space<vmem>>, %arg6: memref<128xf32, #tpu.memory_space<vmem>>, %arg7: memref<640xf32, #tpu.memory_space<vmem>>, %arg8: memref<10240xf32, #tpu.memory_space<vmem_shared>>, %arg9: memref<!tpu.dma_semaphore, #tpu.memory_space<semaphore_mem>>, %arg10: memref<!tpu.dma_semaphore, #tpu.memory_space<semaphore_mem>>) attributes {dimension_semantics = [#tpu.dimension_semantics<core_parallel>, #tpu.dimension_semantics<subcore_parallel>], iteration_bounds = array<i64: 2, 16>, scalar_prefetch = 0 : i64, scratch_operands = 6 : i64, tpu.core_type = #tpu.core_type<sc_vector_subcore>, window_params = [{transform_indices = #map}, {transform_indices = #map1}, {transform_indices = #map}]} {
    %mul3A = arith.constant 16 : i32
    %mul3A_0 = arith.muli %arg0, %mul3A : i32
    %add3A = arith.addi %mul3A_0, %arg1 : i32
    %mul3A_1 = arith.constant 640 : i32
    %mul3A_2 = arith.muli %arg1, %mul3A_1 : i32
    %mul3A_3 = arith.constant 78 : i32
    %mul3A_4 = arith.muli %add3A, %mul3A_3 : i32
    %min3A = arith.constant 4 : i32
    %min3A_5 = arith.minsi %add3A, %min3A : i32
    %add3A_6 = arith.addi %mul3A_4, %min3A_5 : i32
    %lt3A = arith.constant 4 : i32
    %lt3A_7 = arith.cmpi slt, %add3A, %lt3A : i32
    %convert_element_type3A = arith.extui %lt3A_7 : i1 to i32
    %add3A_8 = arith.constant 78 : i32
    %add3A_9 = arith.addi %add3A_8, %convert_element_type3A : i32
    "tpu.region"() ({
      %run_scoped3A = tpu.sem_alloc : memref<!tpu.dma_semaphore, #tpu.memory_space<semaphore_mem>>
      %dma_start3A = arith.constant 0 : i32
      %dma_start3A_27 = tpu.memref_slice %arg3[%dma_start3A] : memref<10240xf32, #tpu.memory_space<hbm>> -> memref<128xf32, #tpu.memory_space<hbm>>
      %dma_start3A_28 = arith.constant 0 : i32
      %dma_start3A_29 = tpu.memref_slice %arg3[%dma_start3A_28] : memref<10240xf32, #tpu.memory_space<hbm>> -> memref<128xf32, #tpu.memory_space<hbm>>
      tpu.enqueue_dma source(%dma_start3A_29 : memref<128xf32, #tpu.memory_space<hbm>>) target(%arg6 : memref<128xf32, #tpu.memory_space<vmem>>) target_semaphore(%run_scoped3A : memref<!tpu.dma_semaphore, #tpu.memory_space<semaphore_mem>>)
      %dma_wait3A = arith.constant 0 : i32
      %dma_wait3A_30 = tpu.memref_slice %arg3[%dma_wait3A] : memref<10240xf32, #tpu.memory_space<hbm>> -> memref<128xf32, #tpu.memory_space<hbm>>
      %dma_wait3A_31 = arith.constant 0 : i32
      %dma_wait3A_32 = tpu.memref_slice %arg3[%dma_wait3A_31] : memref<10240xf32, #tpu.memory_space<hbm>> -> memref<128xf32, #tpu.memory_space<hbm>>
      tpu.wait_dma2 semaphore(%run_scoped3A : memref<!tpu.dma_semaphore, #tpu.memory_space<semaphore_mem>>) src(%dma_wait3A_32 : memref<128xf32, #tpu.memory_space<hbm>>) dst(%arg6 : memref<128xf32, #tpu.memory_space<vmem>>)
      tpu.yield
    }) : () -> ()
    "tpu.region"() ({
      %run_scoped3A = tpu.sem_alloc : memref<!tpu.dma_semaphore, #tpu.memory_space<semaphore_mem>>
      %dma_start3A = tpu.memref_slice %arg3[%mul3A_2] : memref<10240xf32, #tpu.memory_space<hbm>> -> memref<640xf32, #tpu.memory_space<hbm>>
      %dma_start3A_27 = tpu.memref_slice %arg3[%mul3A_2] : memref<10240xf32, #tpu.memory_space<hbm>> -> memref<640xf32, #tpu.memory_space<hbm>>
      tpu.enqueue_dma source(%dma_start3A_27 : memref<640xf32, #tpu.memory_space<hbm>>) target(%arg7 : memref<640xf32, #tpu.memory_space<vmem>>) target_semaphore(%run_scoped3A : memref<!tpu.dma_semaphore, #tpu.memory_space<semaphore_mem>>)
      %dma_wait3A = tpu.memref_slice %arg3[%mul3A_2] : memref<10240xf32, #tpu.memory_space<hbm>> -> memref<640xf32, #tpu.memory_space<hbm>>
      %dma_wait3A_28 = tpu.memref_slice %arg3[%mul3A_2] : memref<10240xf32, #tpu.memory_space<hbm>> -> memref<640xf32, #tpu.memory_space<hbm>>
      tpu.wait_dma2 semaphore(%run_scoped3A : memref<!tpu.dma_semaphore, #tpu.memory_space<semaphore_mem>>) src(%dma_wait3A_28 : memref<640xf32, #tpu.memory_space<hbm>>) dst(%arg7 : memref<640xf32, #tpu.memory_space<vmem>>)
      tpu.yield
    }) : () -> ()
    "tpu.region"() ({
      %run_scoped3A = tpu.sem_alloc : memref<!tpu.dma_semaphore, #tpu.memory_space<semaphore_mem>>
      %dma_start3A = tpu.memref_slice %arg8[%mul3A_2] : memref<10240xf32, #tpu.memory_space<vmem_shared>> -> memref<640xf32, #tpu.memory_space<vmem_shared>>
      %dma_start3A_27 = tpu.memref_slice %arg8[%mul3A_2] : memref<10240xf32, #tpu.memory_space<vmem_shared>> -> memref<640xf32, #tpu.memory_space<vmem_shared>>
      tpu.enqueue_dma source(%arg7 : memref<640xf32, #tpu.memory_space<vmem>>) target(%dma_start3A_27 : memref<640xf32, #tpu.memory_space<vmem_shared>>) target_semaphore(%run_scoped3A : memref<!tpu.dma_semaphore, #tpu.memory_space<semaphore_mem>>)
      %dma_wait3A = tpu.memref_slice %arg8[%mul3A_2] : memref<10240xf32, #tpu.memory_space<vmem_shared>> -> memref<640xf32, #tpu.memory_space<vmem_shared>>
      %dma_wait3A_28 = tpu.memref_slice %arg8[%mul3A_2] : memref<10240xf32, #tpu.memory_space<vmem_shared>> -> memref<640xf32, #tpu.memory_space<vmem_shared>>
      tpu.wait_dma2 semaphore(%run_scoped3A : memref<!tpu.dma_semaphore, #tpu.memory_space<semaphore_mem>>) src(%arg7 : memref<640xf32, #tpu.memory_space<vmem>>) dst(%dma_wait3A_28 : memref<640xf32, #tpu.memory_space<vmem_shared>>)
      tpu.yield
    }) : () -> ()
    %barrier3A = arith.constant 0 : index
    tpu.barrier barrier_id(%barrier3A)
    %while3A = arith.constant 0 : i32
    %while3A_10 = arith.subi %add3A_9, %while3A : i32
    %while3A_11 = arith.addi %while3A, %while3A_10 : i32
    %while3A_12 = arith.constant 1 : i32
    %while3A_13 = arith.divsi %while3A_10, %while3A_12 : i32
    %while3A_14 = arith.muli %while3A_13, %while3A_12 : i32
    %while3A_15 = arith.addi %while3A, %while3A_14 : i32
    %while3A_16 = arith.constant 1 : i32
    scf.for %while3A_27 = %while3A to %while3A_15 step %while3A_16  : i32 {
      %rem3A = arith.constant 2 : i32
      %rem3A_28 = arith.remsi %while3A_27, %rem3A : i32
      %eq3A = arith.constant 0 : i32
      %eq3A_29 = arith.cmpi eq, %rem3A_28, %eq3A : i32
      %convert_element_type3A_30 = arith.extui %eq3A_29 : i1 to i32
      %cond3A_31 = arith.constant 0 : i32
      %cond3A_32 = arith.cmpi ne, %convert_element_type3A_30, %cond3A_31 : i32
      scf.if %cond3A_32 {
        %ge3A_40 = arith.constant 2 : i32
        %ge3A_41 = arith.cmpi sge, %while3A_27, %ge3A_40 : i32
        %convert_element_type3A_42 = arith.extui %ge3A_41 : i1 to i32
        %cond3A_43 = arith.constant 0 : i32
        %cond3A_44 = arith.cmpi ne, %convert_element_type3A_42, %cond3A_43 : i32
        scf.if %cond3A_44 {
          %dma_wait3A = arith.constant 0 : i32
          %dma_wait3A_54 = arith.constant 0 : i32
          %dma_wait3A_55 = tpu.memref_slice %arg5[%dma_wait3A, %dma_wait3A_54] : memref<2x128xi32, #tpu.memory_space<vmem>> -> memref<1x128xi32, #tpu.memory_space<vmem>>
          %dma_wait3A_56 = tpu.memref_squeeze %dma_wait3A_55 : memref<1x128xi32, #tpu.memory_space<vmem>> -> memref<128xi32, #tpu.memory_space<vmem>>
          %dma_wait3A_57 = arith.constant 0 : i32
          %dma_wait3A_58 = tpu.memref_slice %arg8[%dma_wait3A_57] : memref<10240xf32, #tpu.memory_space<vmem_shared>> -> memref<10240xf32, #tpu.memory_space<vmem_shared>>
          tpu.wait_indirect_dma semaphore(%arg9 : memref<!tpu.dma_semaphore, #tpu.memory_space<semaphore_mem>>) src(%arg6 : memref<128xf32, #tpu.memory_space<vmem>>) dst(%dma_wait3A_58 : memref<10240xf32, #tpu.memory_space<vmem_shared>>)
        } else {
        }
        %add3A_45 = arith.addi %add3A_6, %while3A_27 : i32
        %mul3A_46 = arith.constant 128 : i32
        %mul3A_47 = arith.muli %add3A_45, %mul3A_46 : i32
        %run_scoped3A = arith.constant 1 : i32
        %run_scoped3A_48 = arith.constant 0 : i32
        "tpu.region"() ({
          %run_scoped3A_54 = tpu.sem_alloc : memref<!tpu.dma_semaphore, #tpu.memory_space<semaphore_mem>>
          %dma_start3A_55 = arith.constant 0 : i32
          %dma_start3A_56 = tpu.memref_slice %arg5[%run_scoped3A_48, %dma_start3A_55] : memref<2x128xi32, #tpu.memory_space<vmem>> -> memref<1x128xi32, #tpu.memory_space<vmem>>
          %dma_start3A_57 = tpu.memref_squeeze %dma_start3A_56 : memref<1x128xi32, #tpu.memory_space<vmem>> -> memref<128xi32, #tpu.memory_space<vmem>>
          %dma_start3A_58 = tpu.memref_slice %arg2[%run_scoped3A, %mul3A_47] : memref<2x320000xi32, #tpu.memory_space<hbm>> -> memref<1x128xi32, #tpu.memory_space<hbm>>
          %dma_start3A_59 = tpu.memref_squeeze %dma_start3A_58 : memref<1x128xi32, #tpu.memory_space<hbm>> -> memref<128xi32, #tpu.memory_space<hbm>>
          %dma_start3A_60 = arith.constant 0 : i32
          %dma_start3A_61 = tpu.memref_slice %arg5[%run_scoped3A_48, %dma_start3A_60] : memref<2x128xi32, #tpu.memory_space<vmem>> -> memref<1x128xi32, #tpu.memory_space<vmem>>
          %dma_start3A_62 = tpu.memref_squeeze %dma_start3A_61 : memref<1x128xi32, #tpu.memory_space<vmem>> -> memref<128xi32, #tpu.memory_space<vmem>>
          %dma_start3A_63 = tpu.memref_slice %arg2[%run_scoped3A, %mul3A_47] : memref<2x320000xi32, #tpu.memory_space<hbm>> -> memref<1x128xi32, #tpu.memory_space<hbm>>
          %dma_start3A_64 = tpu.memref_squeeze %dma_start3A_63 : memref<1x128xi32, #tpu.memory_space<hbm>> -> memref<128xi32, #tpu.memory_space<hbm>>
          tpu.enqueue_dma source(%dma_start3A_64 : memref<128xi32, #tpu.memory_space<hbm>>) target(%dma_start3A_62 : memref<128xi32, #tpu.memory_space<vmem>>) target_semaphore(%run_scoped3A_54 : memref<!tpu.dma_semaphore, #tpu.memory_space<semaphore_mem>>)
          %dma_wait3A = arith.constant 0 : i32
          %dma_wait3A_65 = tpu.memref_slice %arg5[%run_scoped3A_48, %dma_wait3A] : memref<2x128xi32, #tpu.memory_space<vmem>> -> memref<1x128xi32, #tpu.memory_space<vmem>>
          %dma_wait3A_66 = tpu.memref_squeeze %dma_wait3A_65 : memref<1x128xi32, #tpu.memory_space<vmem>> -> memref<128xi32, #tpu.memory_space<vmem>>
          %dma_wait3A_67 = tpu.memref_slice %arg2[%run_scoped3A, %mul3A_47] : memref<2x320000xi32, #tpu.memory_space<hbm>> -> memref<1x128xi32, #tpu.memory_space<hbm>>
          %dma_wait3A_68 = tpu.memref_squeeze %dma_wait3A_67 : memref<1x128xi32, #tpu.memory_space<hbm>> -> memref<128xi32, #tpu.memory_space<hbm>>
          %dma_wait3A_69 = arith.constant 0 : i32
          %dma_wait3A_70 = tpu.memref_slice %arg5[%run_scoped3A_48, %dma_wait3A_69] : memref<2x128xi32, #tpu.memory_space<vmem>> -> memref<1x128xi32, #tpu.memory_space<vmem>>
          %dma_wait3A_71 = tpu.memref_squeeze %dma_wait3A_70 : memref<1x128xi32, #tpu.memory_space<vmem>> -> memref<128xi32, #tpu.memory_space<vmem>>
          %dma_wait3A_72 = tpu.memref_slice %arg2[%run_scoped3A, %mul3A_47] : memref<2x320000xi32, #tpu.memory_space<hbm>> -> memref<1x128xi32, #tpu.memory_space<hbm>>
          %dma_wait3A_73 = tpu.memref_squeeze %dma_wait3A_72 : memref<1x128xi32, #tpu.memory_space<hbm>> -> memref<128xi32, #tpu.memory_space<hbm>>
          tpu.wait_dma2 semaphore(%run_scoped3A_54 : memref<!tpu.dma_semaphore, #tpu.memory_space<semaphore_mem>>) src(%dma_wait3A_73 : memref<128xi32, #tpu.memory_space<hbm>>) dst(%dma_wait3A_71 : memref<128xi32, #tpu.memory_space<vmem>>)
          tpu.yield
        }) : () -> ()
        %dma_start3A = arith.constant 0 : i32
        %dma_start3A_49 = arith.constant 0 : i32
        %dma_start3A_50 = tpu.memref_slice %arg5[%dma_start3A, %dma_start3A_49] : memref<2x128xi32, #tpu.memory_space<vmem>> -> memref<1x128xi32, #tpu.memory_space<vmem>>
        %dma_start3A_51 = tpu.memref_squeeze %dma_start3A_50 : memref<1x128xi32, #tpu.memory_space<vmem>> -> memref<128xi32, #tpu.memory_space<vmem>>
        %dma_start3A_52 = arith.constant 0 : i32
        %dma_start3A_53 = tpu.memref_slice %arg8[%dma_start3A_52] : memref<10240xf32, #tpu.memory_space<vmem_shared>> -> memref<10240xf32, #tpu.memory_space<vmem_shared>>
        tpu.enqueue_indirect_dma source(%arg6 : memref<128xf32, #tpu.memory_space<vmem>>) target(%dma_start3A_53 : memref<10240xf32, #tpu.memory_space<vmem_shared>>) offsets(%dma_start3A_51 : memref<128xi32, #tpu.memory_space<vmem>>) semaphore(%arg9 : memref<!tpu.dma_semaphore, #tpu.memory_space<semaphore_mem>>) {add = true}
      } else {
      }
      %rem3A_33 = arith.constant 2 : i32
      %rem3A_34 = arith.remsi %while3A_27, %rem3A_33 : i32
      %eq3A_35 = arith.constant 1 : i32
      %eq3A_36 = arith.cmpi eq, %rem3A_34, %eq3A_35 : i32
      %convert_element_type3A_37 = arith.extui %eq3A_36 : i1 to i32
      %cond3A_38 = arith.constant 0 : i32
      %cond3A_39 = arith.cmpi ne, %convert_element_type3A_37, %cond3A_38 : i32
      scf.if %cond3A_39 {
        %ge3A_40 = arith.constant 2 : i32
        %ge3A_41 = arith.cmpi sge, %while3A_27, %ge3A_40 : i32
        %convert_element_type3A_42 = arith.extui %ge3A_41 : i1 to i32
        %cond3A_43 = arith.constant 0 : i32
        %cond3A_44 = arith.cmpi ne, %convert_element_type3A_42, %cond3A_43 : i32
        scf.if %cond3A_44 {
          %dma_wait3A = arith.constant 1 : i32
          %dma_wait3A_54 = arith.constant 0 : i32
          %dma_wait3A_55 = tpu.memref_slice %arg5[%dma_wait3A, %dma_wait3A_54] : memref<2x128xi32, #tpu.memory_space<vmem>> -> memref<1x128xi32, #tpu.memory_space<vmem>>
          %dma_wait3A_56 = tpu.memref_squeeze %dma_wait3A_55 : memref<1x128xi32, #tpu.memory_space<vmem>> -> memref<128xi32, #tpu.memory_space<vmem>>
          %dma_wait3A_57 = arith.constant 0 : i32
          %dma_wait3A_58 = tpu.memref_slice %arg8[%dma_wait3A_57] : memref<10240xf32, #tpu.memory_space<vmem_shared>> -> memref<10240xf32, #tpu.memory_space<vmem_shared>>
          tpu.wait_indirect_dma semaphore(%arg10 : memref<!tpu.dma_semaphore, #tpu.memory_space<semaphore_mem>>) src(%arg6 : memref<128xf32, #tpu.memory_space<vmem>>) dst(%dma_wait3A_58 : memref<10240xf32, #tpu.memory_space<vmem_shared>>)
        } else {
        }
        %add3A_45 = arith.addi %add3A_6, %while3A_27 : i32
        %mul3A_46 = arith.constant 128 : i32
        %mul3A_47 = arith.muli %add3A_45, %mul3A_46 : i32
        %run_scoped3A = arith.constant 1 : i32
        %run_scoped3A_48 = arith.constant 1 : i32
        "tpu.region"() ({
          %run_scoped3A_54 = tpu.sem_alloc : memref<!tpu.dma_semaphore, #tpu.memory_space<semaphore_mem>>
          %dma_start3A_55 = arith.constant 0 : i32
          %dma_start3A_56 = tpu.memref_slice %arg5[%run_scoped3A_48, %dma_start3A_55] : memref<2x128xi32, #tpu.memory_space<vmem>> -> memref<1x128xi32, #tpu.memory_space<vmem>>
          %dma_start3A_57 = tpu.memref_squeeze %dma_start3A_56 : memref<1x128xi32, #tpu.memory_space<vmem>> -> memref<128xi32, #tpu.memory_space<vmem>>
          %dma_start3A_58 = tpu.memref_slice %arg2[%run_scoped3A, %mul3A_47] : memref<2x320000xi32, #tpu.memory_space<hbm>> -> memref<1x128xi32, #tpu.memory_space<hbm>>
          %dma_start3A_59 = tpu.memref_squeeze %dma_start3A_58 : memref<1x128xi32, #tpu.memory_space<hbm>> -> memref<128xi32, #tpu.memory_space<hbm>>
          %dma_start3A_60 = arith.constant 0 : i32
          %dma_start3A_61 = tpu.memref_slice %arg5[%run_scoped3A_48, %dma_start3A_60] : memref<2x128xi32, #tpu.memory_space<vmem>> -> memref<1x128xi32, #tpu.memory_space<vmem>>
          %dma_start3A_62 = tpu.memref_squeeze %dma_start3A_61 : memref<1x128xi32, #tpu.memory_space<vmem>> -> memref<128xi32, #tpu.memory_space<vmem>>
          %dma_start3A_63 = tpu.memref_slice %arg2[%run_scoped3A, %mul3A_47] : memref<2x320000xi32, #tpu.memory_space<hbm>> -> memref<1x128xi32, #tpu.memory_space<hbm>>
          %dma_start3A_64 = tpu.memref_squeeze %dma_start3A_63 : memref<1x128xi32, #tpu.memory_space<hbm>> -> memref<128xi32, #tpu.memory_space<hbm>>
          tpu.enqueue_dma source(%dma_start3A_64 : memref<128xi32, #tpu.memory_space<hbm>>) target(%dma_start3A_62 : memref<128xi32, #tpu.memory_space<vmem>>) target_semaphore(%run_scoped3A_54 : memref<!tpu.dma_semaphore, #tpu.memory_space<semaphore_mem>>)
          %dma_wait3A = arith.constant 0 : i32
          %dma_wait3A_65 = tpu.memref_slice %arg5[%run_scoped3A_48, %dma_wait3A] : memref<2x128xi32, #tpu.memory_space<vmem>> -> memref<1x128xi32, #tpu.memory_space<vmem>>
          %dma_wait3A_66 = tpu.memref_squeeze %dma_wait3A_65 : memref<1x128xi32, #tpu.memory_space<vmem>> -> memref<128xi32, #tpu.memory_space<vmem>>
          %dma_wait3A_67 = tpu.memref_slice %arg2[%run_scoped3A, %mul3A_47] : memref<2x320000xi32, #tpu.memory_space<hbm>> -> memref<1x128xi32, #tpu.memory_space<hbm>>
          %dma_wait3A_68 = tpu.memref_squeeze %dma_wait3A_67 : memref<1x128xi32, #tpu.memory_space<hbm>> -> memref<128xi32, #tpu.memory_space<hbm>>
          %dma_wait3A_69 = arith.constant 0 : i32
          %dma_wait3A_70 = tpu.memref_slice %arg5[%run_scoped3A_48, %dma_wait3A_69] : memref<2x128xi32, #tpu.memory_space<vmem>> -> memref<1x128xi32, #tpu.memory_space<vmem>>
          %dma_wait3A_71 = tpu.memref_squeeze %dma_wait3A_70 : memref<1x128xi32, #tpu.memory_space<vmem>> -> memref<128xi32, #tpu.memory_space<vmem>>
          %dma_wait3A_72 = tpu.memref_slice %arg2[%run_scoped3A, %mul3A_47] : memref<2x320000xi32, #tpu.memory_space<hbm>> -> memref<1x128xi32, #tpu.memory_space<hbm>>
          %dma_wait3A_73 = tpu.memref_squeeze %dma_wait3A_72 : memref<1x128xi32, #tpu.memory_space<hbm>> -> memref<128xi32, #tpu.memory_space<hbm>>
          tpu.wait_dma2 semaphore(%run_scoped3A_54 : memref<!tpu.dma_semaphore, #tpu.memory_space<semaphore_mem>>) src(%dma_wait3A_73 : memref<128xi32, #tpu.memory_space<hbm>>) dst(%dma_wait3A_71 : memref<128xi32, #tpu.memory_space<vmem>>)
          tpu.yield
        }) : () -> ()
        %dma_start3A = arith.constant 1 : i32
        %dma_start3A_49 = arith.constant 0 : i32
        %dma_start3A_50 = tpu.memref_slice %arg5[%dma_start3A, %dma_start3A_49] : memref<2x128xi32, #tpu.memory_space<vmem>> -> memref<1x128xi32, #tpu.memory_space<vmem>>
        %dma_start3A_51 = tpu.memref_squeeze %dma_start3A_50 : memref<1x128xi32, #tpu.memory_space<vmem>> -> memref<128xi32, #tpu.memory_space<vmem>>
        %dma_start3A_52 = arith.constant 0 : i32
        %dma_start3A_53 = tpu.memref_slice %arg8[%dma_start3A_52] : memref<10240xf32, #tpu.memory_space<vmem_shared>> -> memref<10240xf32, #tpu.memory_space<vmem_shared>>
        tpu.enqueue_indirect_dma source(%arg6 : memref<128xf32, #tpu.memory_space<vmem>>) target(%dma_start3A_53 : memref<10240xf32, #tpu.memory_space<vmem_shared>>) offsets(%dma_start3A_51 : memref<128xi32, #tpu.memory_space<vmem>>) semaphore(%arg10 : memref<!tpu.dma_semaphore, #tpu.memory_space<semaphore_mem>>) {add = true}
      } else {
      }
    }
    %while3A_17 = arith.constant 1 : i32
    scf.for %while3A_27 = %while3A_15 to %while3A_11 step %while3A_17  : i32 {
      %rem3A = arith.constant 2 : i32
      %rem3A_28 = arith.remsi %while3A_27, %rem3A : i32
      %eq3A = arith.constant 0 : i32
      %eq3A_29 = arith.cmpi eq, %rem3A_28, %eq3A : i32
      %convert_element_type3A_30 = arith.extui %eq3A_29 : i1 to i32
      %cond3A_31 = arith.constant 0 : i32
      %cond3A_32 = arith.cmpi ne, %convert_element_type3A_30, %cond3A_31 : i32
      scf.if %cond3A_32 {
        %ge3A_40 = arith.constant 2 : i32
        %ge3A_41 = arith.cmpi sge, %while3A_27, %ge3A_40 : i32
        %convert_element_type3A_42 = arith.extui %ge3A_41 : i1 to i32
        %cond3A_43 = arith.constant 0 : i32
        %cond3A_44 = arith.cmpi ne, %convert_element_type3A_42, %cond3A_43 : i32
        scf.if %cond3A_44 {
          %dma_wait3A = arith.constant 0 : i32
          %dma_wait3A_54 = arith.constant 0 : i32
          %dma_wait3A_55 = tpu.memref_slice %arg5[%dma_wait3A, %dma_wait3A_54] : memref<2x128xi32, #tpu.memory_space<vmem>> -> memref<1x128xi32, #tpu.memory_space<vmem>>
          %dma_wait3A_56 = tpu.memref_squeeze %dma_wait3A_55 : memref<1x128xi32, #tpu.memory_space<vmem>> -> memref<128xi32, #tpu.memory_space<vmem>>
          %dma_wait3A_57 = arith.constant 0 : i32
          %dma_wait3A_58 = tpu.memref_slice %arg8[%dma_wait3A_57] : memref<10240xf32, #tpu.memory_space<vmem_shared>> -> memref<10240xf32, #tpu.memory_space<vmem_shared>>
          tpu.wait_indirect_dma semaphore(%arg9 : memref<!tpu.dma_semaphore, #tpu.memory_space<semaphore_mem>>) src(%arg6 : memref<128xf32, #tpu.memory_space<vmem>>) dst(%dma_wait3A_58 : memref<10240xf32, #tpu.memory_space<vmem_shared>>)
        } else {
        }
        %add3A_45 = arith.addi %add3A_6, %while3A_27 : i32
        %mul3A_46 = arith.constant 128 : i32
        %mul3A_47 = arith.muli %add3A_45, %mul3A_46 : i32
        %run_scoped3A = arith.constant 1 : i32
        %run_scoped3A_48 = arith.constant 0 : i32
        "tpu.region"() ({
          %run_scoped3A_54 = tpu.sem_alloc : memref<!tpu.dma_semaphore, #tpu.memory_space<semaphore_mem>>
          %dma_start3A_55 = arith.constant 0 : i32
          %dma_start3A_56 = tpu.memref_slice %arg5[%run_scoped3A_48, %dma_start3A_55] : memref<2x128xi32, #tpu.memory_space<vmem>> -> memref<1x128xi32, #tpu.memory_space<vmem>>
          %dma_start3A_57 = tpu.memref_squeeze %dma_start3A_56 : memref<1x128xi32, #tpu.memory_space<vmem>> -> memref<128xi32, #tpu.memory_space<vmem>>
          %dma_start3A_58 = tpu.memref_slice %arg2[%run_scoped3A, %mul3A_47] : memref<2x320000xi32, #tpu.memory_space<hbm>> -> memref<1x128xi32, #tpu.memory_space<hbm>>
          %dma_start3A_59 = tpu.memref_squeeze %dma_start3A_58 : memref<1x128xi32, #tpu.memory_space<hbm>> -> memref<128xi32, #tpu.memory_space<hbm>>
          %dma_start3A_60 = arith.constant 0 : i32
          %dma_start3A_61 = tpu.memref_slice %arg5[%run_scoped3A_48, %dma_start3A_60] : memref<2x128xi32, #tpu.memory_space<vmem>> -> memref<1x128xi32, #tpu.memory_space<vmem>>
          %dma_start3A_62 = tpu.memref_squeeze %dma_start3A_61 : memref<1x128xi32, #tpu.memory_space<vmem>> -> memref<128xi32, #tpu.memory_space<vmem>>
          %dma_start3A_63 = tpu.memref_slice %arg2[%run_scoped3A, %mul3A_47] : memref<2x320000xi32, #tpu.memory_space<hbm>> -> memref<1x128xi32, #tpu.memory_space<hbm>>
          %dma_start3A_64 = tpu.memref_squeeze %dma_start3A_63 : memref<1x128xi32, #tpu.memory_space<hbm>> -> memref<128xi32, #tpu.memory_space<hbm>>
          tpu.enqueue_dma source(%dma_start3A_64 : memref<128xi32, #tpu.memory_space<hbm>>) target(%dma_start3A_62 : memref<128xi32, #tpu.memory_space<vmem>>) target_semaphore(%run_scoped3A_54 : memref<!tpu.dma_semaphore, #tpu.memory_space<semaphore_mem>>)
          %dma_wait3A = arith.constant 0 : i32
          %dma_wait3A_65 = tpu.memref_slice %arg5[%run_scoped3A_48, %dma_wait3A] : memref<2x128xi32, #tpu.memory_space<vmem>> -> memref<1x128xi32, #tpu.memory_space<vmem>>
          %dma_wait3A_66 = tpu.memref_squeeze %dma_wait3A_65 : memref<1x128xi32, #tpu.memory_space<vmem>> -> memref<128xi32, #tpu.memory_space<vmem>>
          %dma_wait3A_67 = tpu.memref_slice %arg2[%run_scoped3A, %mul3A_47] : memref<2x320000xi32, #tpu.memory_space<hbm>> -> memref<1x128xi32, #tpu.memory_space<hbm>>
          %dma_wait3A_68 = tpu.memref_squeeze %dma_wait3A_67 : memref<1x128xi32, #tpu.memory_space<hbm>> -> memref<128xi32, #tpu.memory_space<hbm>>
          %dma_wait3A_69 = arith.constant 0 : i32
          %dma_wait3A_70 = tpu.memref_slice %arg5[%run_scoped3A_48, %dma_wait3A_69] : memref<2x128xi32, #tpu.memory_space<vmem>> -> memref<1x128xi32, #tpu.memory_space<vmem>>
          %dma_wait3A_71 = tpu.memref_squeeze %dma_wait3A_70 : memref<1x128xi32, #tpu.memory_space<vmem>> -> memref<128xi32, #tpu.memory_space<vmem>>
          %dma_wait3A_72 = tpu.memref_slice %arg2[%run_scoped3A, %mul3A_47] : memref<2x320000xi32, #tpu.memory_space<hbm>> -> memref<1x128xi32, #tpu.memory_space<hbm>>
          %dma_wait3A_73 = tpu.memref_squeeze %dma_wait3A_72 : memref<1x128xi32, #tpu.memory_space<hbm>> -> memref<128xi32, #tpu.memory_space<hbm>>
          tpu.wait_dma2 semaphore(%run_scoped3A_54 : memref<!tpu.dma_semaphore, #tpu.memory_space<semaphore_mem>>) src(%dma_wait3A_73 : memref<128xi32, #tpu.memory_space<hbm>>) dst(%dma_wait3A_71 : memref<128xi32, #tpu.memory_space<vmem>>)
          tpu.yield
        }) : () -> ()
        %dma_start3A = arith.constant 0 : i32
        %dma_start3A_49 = arith.constant 0 : i32
        %dma_start3A_50 = tpu.memref_slice %arg5[%dma_start3A, %dma_start3A_49] : memref<2x128xi32, #tpu.memory_space<vmem>> -> memref<1x128xi32, #tpu.memory_space<vmem>>
        %dma_start3A_51 = tpu.memref_squeeze %dma_start3A_50 : memref<1x128xi32, #tpu.memory_space<vmem>> -> memref<128xi32, #tpu.memory_space<vmem>>
        %dma_start3A_52 = arith.constant 0 : i32
        %dma_start3A_53 = tpu.memref_slice %arg8[%dma_start3A_52] : memref<10240xf32, #tpu.memory_space<vmem_shared>> -> memref<10240xf32, #tpu.memory_space<vmem_shared>>
        tpu.enqueue_indirect_dma source(%arg6 : memref<128xf32, #tpu.memory_space<vmem>>) target(%dma_start3A_53 : memref<10240xf32, #tpu.memory_space<vmem_shared>>) offsets(%dma_start3A_51 : memref<128xi32, #tpu.memory_space<vmem>>) semaphore(%arg9 : memref<!tpu.dma_semaphore, #tpu.memory_space<semaphore_mem>>) {add = true}
      } else {
      }
      %rem3A_33 = arith.constant 2 : i32
      %rem3A_34 = arith.remsi %while3A_27, %rem3A_33 : i32
      %eq3A_35 = arith.constant 1 : i32
      %eq3A_36 = arith.cmpi eq, %rem3A_34, %eq3A_35 : i32
      %convert_element_type3A_37 = arith.extui %eq3A_36 : i1 to i32
      %cond3A_38 = arith.constant 0 : i32
      %cond3A_39 = arith.cmpi ne, %convert_element_type3A_37, %cond3A_38 : i32
      scf.if %cond3A_39 {
        %ge3A_40 = arith.constant 2 : i32
        %ge3A_41 = arith.cmpi sge, %while3A_27, %ge3A_40 : i32
        %convert_element_type3A_42 = arith.extui %ge3A_41 : i1 to i32
        %cond3A_43 = arith.constant 0 : i32
        %cond3A_44 = arith.cmpi ne, %convert_element_type3A_42, %cond3A_43 : i32
        scf.if %cond3A_44 {
          %dma_wait3A = arith.constant 1 : i32
          %dma_wait3A_54 = arith.constant 0 : i32
          %dma_wait3A_55 = tpu.memref_slice %arg5[%dma_wait3A, %dma_wait3A_54] : memref<2x128xi32, #tpu.memory_space<vmem>> -> memref<1x128xi32, #tpu.memory_space<vmem>>
          %dma_wait3A_56 = tpu.memref_squeeze %dma_wait3A_55 : memref<1x128xi32, #tpu.memory_space<vmem>> -> memref<128xi32, #tpu.memory_space<vmem>>
          %dma_wait3A_57 = arith.constant 0 : i32
          %dma_wait3A_58 = tpu.memref_slice %arg8[%dma_wait3A_57] : memref<10240xf32, #tpu.memory_space<vmem_shared>> -> memref<10240xf32, #tpu.memory_space<vmem_shared>>
          tpu.wait_indirect_dma semaphore(%arg10 : memref<!tpu.dma_semaphore, #tpu.memory_space<semaphore_mem>>) src(%arg6 : memref<128xf32, #tpu.memory_space<vmem>>) dst(%dma_wait3A_58 : memref<10240xf32, #tpu.memory_space<vmem_shared>>)
        } else {
        }
        %add3A_45 = arith.addi %add3A_6, %while3A_27 : i32
        %mul3A_46 = arith.constant 128 : i32
        %mul3A_47 = arith.muli %add3A_45, %mul3A_46 : i32
        %run_scoped3A = arith.constant 1 : i32
        %run_scoped3A_48 = arith.constant 1 : i32
        "tpu.region"() ({
          %run_scoped3A_54 = tpu.sem_alloc : memref<!tpu.dma_semaphore, #tpu.memory_space<semaphore_mem>>
          %dma_start3A_55 = arith.constant 0 : i32
          %dma_start3A_56 = tpu.memref_slice %arg5[%run_scoped3A_48, %dma_start3A_55] : memref<2x128xi32, #tpu.memory_space<vmem>> -> memref<1x128xi32, #tpu.memory_space<vmem>>
          %dma_start3A_57 = tpu.memref_squeeze %dma_start3A_56 : memref<1x128xi32, #tpu.memory_space<vmem>> -> memref<128xi32, #tpu.memory_space<vmem>>
          %dma_start3A_58 = tpu.memref_slice %arg2[%run_scoped3A, %mul3A_47] : memref<2x320000xi32, #tpu.memory_space<hbm>> -> memref<1x128xi32, #tpu.memory_space<hbm>>
          %dma_start3A_59 = tpu.memref_squeeze %dma_start3A_58 : memref<1x128xi32, #tpu.memory_space<hbm>> -> memref<128xi32, #tpu.memory_space<hbm>>
          %dma_start3A_60 = arith.constant 0 : i32
          %dma_start3A_61 = tpu.memref_slice %arg5[%run_scoped3A_48, %dma_start3A_60] : memref<2x128xi32, #tpu.memory_space<vmem>> -> memref<1x128xi32, #tpu.memory_space<vmem>>
          %dma_start3A_62 = tpu.memref_squeeze %dma_start3A_61 : memref<1x128xi32, #tpu.memory_space<vmem>> -> memref<128xi32, #tpu.memory_space<vmem>>
          %dma_start3A_63 = tpu.memref_slice %arg2[%run_scoped3A, %mul3A_47] : memref<2x320000xi32, #tpu.memory_space<hbm>> -> memref<1x128xi32, #tpu.memory_space<hbm>>
          %dma_start3A_64 = tpu.memref_squeeze %dma_start3A_63 : memref<1x128xi32, #tpu.memory_space<hbm>> -> memref<128xi32, #tpu.memory_space<hbm>>
          tpu.enqueue_dma source(%dma_start3A_64 : memref<128xi32, #tpu.memory_space<hbm>>) target(%dma_start3A_62 : memref<128xi32, #tpu.memory_space<vmem>>) target_semaphore(%run_scoped3A_54 : memref<!tpu.dma_semaphore, #tpu.memory_space<semaphore_mem>>)
          %dma_wait3A = arith.constant 0 : i32
          %dma_wait3A_65 = tpu.memref_slice %arg5[%run_scoped3A_48, %dma_wait3A] : memref<2x128xi32, #tpu.memory_space<vmem>> -> memref<1x128xi32, #tpu.memory_space<vmem>>
          %dma_wait3A_66 = tpu.memref_squeeze %dma_wait3A_65 : memref<1x128xi32, #tpu.memory_space<vmem>> -> memref<128xi32, #tpu.memory_space<vmem>>
          %dma_wait3A_67 = tpu.memref_slice %arg2[%run_scoped3A, %mul3A_47] : memref<2x320000xi32, #tpu.memory_space<hbm>> -> memref<1x128xi32, #tpu.memory_space<hbm>>
          %dma_wait3A_68 = tpu.memref_squeeze %dma_wait3A_67 : memref<1x128xi32, #tpu.memory_space<hbm>> -> memref<128xi32, #tpu.memory_space<hbm>>
          %dma_wait3A_69 = arith.constant 0 : i32
          %dma_wait3A_70 = tpu.memref_slice %arg5[%run_scoped3A_48, %dma_wait3A_69] : memref<2x128xi32, #tpu.memory_space<vmem>> -> memref<1x128xi32, #tpu.memory_space<vmem>>
          %dma_wait3A_71 = tpu.memref_squeeze %dma_wait3A_70 : memref<1x128xi32, #tpu.memory_space<vmem>> -> memref<128xi32, #tpu.memory_space<vmem>>
          %dma_wait3A_72 = tpu.memref_slice %arg2[%run_scoped3A, %mul3A_47] : memref<2x320000xi32, #tpu.memory_space<hbm>> -> memref<1x128xi32, #tpu.memory_space<hbm>>
          %dma_wait3A_73 = tpu.memref_squeeze %dma_wait3A_72 : memref<1x128xi32, #tpu.memory_space<hbm>> -> memref<128xi32, #tpu.memory_space<hbm>>
          tpu.wait_dma2 semaphore(%run_scoped3A_54 : memref<!tpu.dma_semaphore, #tpu.memory_space<semaphore_mem>>) src(%dma_wait3A_73 : memref<128xi32, #tpu.memory_space<hbm>>) dst(%dma_wait3A_71 : memref<128xi32, #tpu.memory_space<vmem>>)
          tpu.yield
        }) : () -> ()
        %dma_start3A = arith.constant 1 : i32
        %dma_start3A_49 = arith.constant 0 : i32
        %dma_start3A_50 = tpu.memref_slice %arg5[%dma_start3A, %dma_start3A_49] : memref<2x128xi32, #tpu.memory_space<vmem>> -> memref<1x128xi32, #tpu.memory_space<vmem>>
        %dma_start3A_51 = tpu.memref_squeeze %dma_start3A_50 : memref<1x128xi32, #tpu.memory_space<vmem>> -> memref<128xi32, #tpu.memory_space<vmem>>
        %dma_start3A_52 = arith.constant 0 : i32
        %dma_start3A_53 = tpu.memref_slice %arg8[%dma_start3A_52] : memref<10240xf32, #tpu.memory_space<vmem_shared>> -> memref<10240xf32, #tpu.memory_space<vmem_shared>>
        tpu.enqueue_indirect_dma source(%arg6 : memref<128xf32, #tpu.memory_space<vmem>>) target(%dma_start3A_53 : memref<10240xf32, #tpu.memory_space<vmem_shared>>) offsets(%dma_start3A_51 : memref<128xi32, #tpu.memory_space<vmem>>) semaphore(%arg10 : memref<!tpu.dma_semaphore, #tpu.memory_space<semaphore_mem>>) {add = true}
      } else {
      }
    }
    %ge3A = arith.constant 1 : i32
    %ge3A_18 = arith.cmpi sge, %add3A_9, %ge3A : i32
    %convert_element_type3A_19 = arith.extui %ge3A_18 : i1 to i32
    %cond3A = arith.constant 0 : i32
    %cond3A_20 = arith.cmpi ne, %convert_element_type3A_19, %cond3A : i32
    scf.if %cond3A_20 {
      %dma_wait3A = arith.constant 0 : i32
      %dma_wait3A_27 = arith.constant 0 : i32
      %dma_wait3A_28 = tpu.memref_slice %arg5[%dma_wait3A, %dma_wait3A_27] : memref<2x128xi32, #tpu.memory_space<vmem>> -> memref<1x128xi32, #tpu.memory_space<vmem>>
      %dma_wait3A_29 = tpu.memref_squeeze %dma_wait3A_28 : memref<1x128xi32, #tpu.memory_space<vmem>> -> memref<128xi32, #tpu.memory_space<vmem>>
      %dma_wait3A_30 = arith.constant 0 : i32
      %dma_wait3A_31 = tpu.memref_slice %arg8[%dma_wait3A_30] : memref<10240xf32, #tpu.memory_space<vmem_shared>> -> memref<10240xf32, #tpu.memory_space<vmem_shared>>
      tpu.wait_indirect_dma semaphore(%arg9 : memref<!tpu.dma_semaphore, #tpu.memory_space<semaphore_mem>>) src(%arg6 : memref<128xf32, #tpu.memory_space<vmem>>) dst(%dma_wait3A_31 : memref<10240xf32, #tpu.memory_space<vmem_shared>>)
    } else {
    }
    %ge3A_21 = arith.constant 2 : i32
    %ge3A_22 = arith.cmpi sge, %add3A_9, %ge3A_21 : i32
    %convert_element_type3A_23 = arith.extui %ge3A_22 : i1 to i32
    %cond3A_24 = arith.constant 0 : i32
    %cond3A_25 = arith.cmpi ne, %convert_element_type3A_23, %cond3A_24 : i32
    scf.if %cond3A_25 {
      %dma_wait3A = arith.constant 1 : i32
      %dma_wait3A_27 = arith.constant 0 : i32
      %dma_wait3A_28 = tpu.memref_slice %arg5[%dma_wait3A, %dma_wait3A_27] : memref<2x128xi32, #tpu.memory_space<vmem>> -> memref<1x128xi32, #tpu.memory_space<vmem>>
      %dma_wait3A_29 = tpu.memref_squeeze %dma_wait3A_28 : memref<1x128xi32, #tpu.memory_space<vmem>> -> memref<128xi32, #tpu.memory_space<vmem>>
      %dma_wait3A_30 = arith.constant 0 : i32
      %dma_wait3A_31 = tpu.memref_slice %arg8[%dma_wait3A_30] : memref<10240xf32, #tpu.memory_space<vmem_shared>> -> memref<10240xf32, #tpu.memory_space<vmem_shared>>
      tpu.wait_indirect_dma semaphore(%arg10 : memref<!tpu.dma_semaphore, #tpu.memory_space<semaphore_mem>>) src(%arg6 : memref<128xf32, #tpu.memory_space<vmem>>) dst(%dma_wait3A_31 : memref<10240xf32, #tpu.memory_space<vmem_shared>>)
    } else {
    }
    %barrier3A_26 = arith.constant 0 : index
    tpu.barrier barrier_id(%barrier3A_26)
    "tpu.region"() ({
      %run_scoped3A = tpu.sem_alloc : memref<!tpu.dma_semaphore, #tpu.memory_space<semaphore_mem>>
      %dma_start3A = tpu.memref_slice %arg8[%mul3A_2] : memref<10240xf32, #tpu.memory_space<vmem_shared>> -> memref<640xf32, #tpu.memory_space<vmem_shared>>
      %dma_start3A_27 = tpu.memref_slice %arg8[%mul3A_2] : memref<10240xf32, #tpu.memory_space<vmem_shared>> -> memref<640xf32, #tpu.memory_space<vmem_shared>>
      tpu.enqueue_dma source(%dma_start3A_27 : memref<640xf32, #tpu.memory_space<vmem_shared>>) target(%arg7 : memref<640xf32, #tpu.memory_space<vmem>>) target_semaphore(%run_scoped3A : memref<!tpu.dma_semaphore, #tpu.memory_space<semaphore_mem>>)
      %dma_wait3A = tpu.memref_slice %arg8[%mul3A_2] : memref<10240xf32, #tpu.memory_space<vmem_shared>> -> memref<640xf32, #tpu.memory_space<vmem_shared>>
      %dma_wait3A_28 = tpu.memref_slice %arg8[%mul3A_2] : memref<10240xf32, #tpu.memory_space<vmem_shared>> -> memref<640xf32, #tpu.memory_space<vmem_shared>>
      tpu.wait_dma2 semaphore(%run_scoped3A : memref<!tpu.dma_semaphore, #tpu.memory_space<semaphore_mem>>) src(%dma_wait3A_28 : memref<640xf32, #tpu.memory_space<vmem_shared>>) dst(%arg7 : memref<640xf32, #tpu.memory_space<vmem>>)
      tpu.yield
    }) : () -> ()
    "tpu.region"() ({
      %run_scoped3A = tpu.sem_alloc : memref<!tpu.dma_semaphore, #tpu.memory_space<semaphore_mem>>
      %dma_start3A = tpu.memref_slice %arg4[%arg0, %mul3A_2] : memref<2x10240xf32, #tpu.memory_space<hbm>> -> memref<1x640xf32, #tpu.memory_space<hbm>>
      %dma_start3A_27 = tpu.memref_squeeze %dma_start3A : memref<1x640xf32, #tpu.memory_space<hbm>> -> memref<640xf32, #tpu.memory_space<hbm>>
      %dma_start3A_28 = tpu.memref_slice %arg4[%arg0, %mul3A_2] : memref<2x10240xf32, #tpu.memory_space<hbm>> -> memref<1x640xf32, #tpu.memory_space<hbm>>
      %dma_start3A_29 = tpu.memref_squeeze %dma_start3A_28 : memref<1x640xf32, #tpu.memory_space<hbm>> -> memref<640xf32, #tpu.memory_space<hbm>>
      tpu.enqueue_dma source(%arg7 : memref<640xf32, #tpu.memory_space<vmem>>) target(%dma_start3A_29 : memref<640xf32, #tpu.memory_space<hbm>>) target_semaphore(%run_scoped3A : memref<!tpu.dma_semaphore, #tpu.memory_space<semaphore_mem>>)
      %dma_wait3A = tpu.memref_slice %arg4[%arg0, %mul3A_2] : memref<2x10240xf32, #tpu.memory_space<hbm>> -> memref<1x640xf32, #tpu.memory_space<hbm>>
      %dma_wait3A_30 = tpu.memref_squeeze %dma_wait3A : memref<1x640xf32, #tpu.memory_space<hbm>> -> memref<640xf32, #tpu.memory_space<hbm>>
      %dma_wait3A_31 = tpu.memref_slice %arg4[%arg0, %mul3A_2] : memref<2x10240xf32, #tpu.memory_space<hbm>> -> memref<1x640xf32, #tpu.memory_space<hbm>>
      %dma_wait3A_32 = tpu.memref_squeeze %dma_wait3A_31 : memref<1x640xf32, #tpu.memory_space<hbm>> -> memref<640xf32, #tpu.memory_space<hbm>>
      tpu.wait_dma2 semaphore(%run_scoped3A : memref<!tpu.dma_semaphore, #tpu.memory_space<semaphore_mem>>) src(%arg7 : memref<640xf32, #tpu.memory_space<vmem>>) dst(%dma_wait3A_32 : memref<640xf32, #tpu.memory_space<hbm>>)
      tpu.yield
    }) : () -> ()
    return
  }
}

#map = affine_map<(d0, d1) -> (0, 0)>
#map1 = affine_map<(d0, d1) -> (0, 0, 0)>
module attributes {stable_mosaic.version = 14 : i64} {
  func.func @agg_kernel(%arg0: i32, %arg1: i32, %arg2: memref<2x320000xi32, #tpu.memory_space<hbm>>, %arg3: memref<10240x128xf32, #tpu.memory_space<hbm>>, %arg4: memref<2x10240x128xf32, #tpu.memory_space<hbm>>, %arg5: memref<2x2x128xi32, #tpu.memory_space<vmem>>, %arg6: memref<2x128x128xf32, #tpu.memory_space<vmem>>, %arg7: memref<10240x128xf32, #tpu.memory_space<vmem_shared>>, %arg8: memref<!tpu.dma_semaphore, #tpu.memory_space<semaphore_mem>>, %arg9: memref<!tpu.dma_semaphore, #tpu.memory_space<semaphore_mem>>, %arg10: memref<!tpu.dma_semaphore, #tpu.memory_space<semaphore_mem>>, %arg11: memref<!tpu.dma_semaphore, #tpu.memory_space<semaphore_mem>>) attributes {dimension_semantics = [#tpu.dimension_semantics<core_parallel>, #tpu.dimension_semantics<subcore_parallel>], iteration_bounds = array<i64: 2, 16>, scalar_prefetch = 0 : i64, scratch_operands = 7 : i64, tpu.core_type = #tpu.core_type<sc_vector_subcore>, window_params = [{transform_indices = #map}, {transform_indices = #map}, {transform_indices = #map1}]} {
    %mul3A = arith.constant 16 : i32
    %mul3A_0 = arith.muli %arg0, %mul3A : i32
    %add3A = arith.addi %mul3A_0, %arg1 : i32
    %mul3A_1 = arith.constant 640 : i32
    %mul3A_2 = arith.muli %arg1, %mul3A_1 : i32
    %mul3A_3 = arith.constant 78 : i32
    %mul3A_4 = arith.muli %add3A, %mul3A_3 : i32
    %min3A = arith.constant 4 : i32
    %min3A_5 = arith.minsi %add3A, %min3A : i32
    %add3A_6 = arith.addi %mul3A_4, %min3A_5 : i32
    %lt3A = arith.constant 4 : i32
    %lt3A_7 = arith.cmpi slt, %add3A, %lt3A : i32
    %convert_element_type3A = arith.extui %lt3A_7 : i1 to i32
    %add3A_8 = arith.constant 78 : i32
    %add3A_9 = arith.addi %add3A_8, %convert_element_type3A : i32
    %scan3A = arith.constant 0 : i32
    %scan3A_10 = arith.constant 10 : i32
    %scan3A_11 = arith.addi %scan3A, %scan3A_10 : i32
    %scan3A_12 = arith.constant 1 : i32
    scf.for %scan3A_41 = %scan3A to %scan3A_11 step %scan3A_12  : i32 {
      %mul3A_42 = arith.constant 64 : i32
      %mul3A_43 = arith.muli %scan3A_41, %mul3A_42 : i32
      %add3A_44 = arith.addi %mul3A_2, %mul3A_43 : i32
      %run_scoped3A = arith.constant 0 : i32
      "tpu.region"() ({
        %run_scoped3A_49 = tpu.sem_alloc : memref<!tpu.dma_semaphore, #tpu.memory_space<semaphore_mem>>
        %dma_start3A = arith.constant 0 : i32
        %dma_start3A_50 = arith.constant 0 : i32
        %dma_start3A_51 = tpu.memref_slice %arg6[%run_scoped3A, %dma_start3A, %dma_start3A_50] : memref<2x128x128xf32, #tpu.memory_space<vmem>> -> memref<1x64x128xf32, #tpu.memory_space<vmem>>
        %dma_start3A_52 = tpu.memref_squeeze %dma_start3A_51 : memref<1x64x128xf32, #tpu.memory_space<vmem>> -> memref<64x128xf32, #tpu.memory_space<vmem>>
        %dma_start3A_53 = arith.constant 0 : i32
        %dma_start3A_54 = tpu.memref_slice %arg3[%add3A_44, %dma_start3A_53] : memref<10240x128xf32, #tpu.memory_space<hbm>> -> memref<64x128xf32, #tpu.memory_space<hbm>>
        %dma_start3A_55 = arith.constant 0 : i32
        %dma_start3A_56 = arith.constant 0 : i32
        %dma_start3A_57 = tpu.memref_slice %arg6[%run_scoped3A, %dma_start3A_55, %dma_start3A_56] : memref<2x128x128xf32, #tpu.memory_space<vmem>> -> memref<1x64x128xf32, #tpu.memory_space<vmem>>
        %dma_start3A_58 = tpu.memref_squeeze %dma_start3A_57 : memref<1x64x128xf32, #tpu.memory_space<vmem>> -> memref<64x128xf32, #tpu.memory_space<vmem>>
        %dma_start3A_59 = arith.constant 0 : i32
        %dma_start3A_60 = tpu.memref_slice %arg3[%add3A_44, %dma_start3A_59] : memref<10240x128xf32, #tpu.memory_space<hbm>> -> memref<64x128xf32, #tpu.memory_space<hbm>>
        tpu.enqueue_dma source(%dma_start3A_60 : memref<64x128xf32, #tpu.memory_space<hbm>>) target(%dma_start3A_58 : memref<64x128xf32, #tpu.memory_space<vmem>>) target_semaphore(%run_scoped3A_49 : memref<!tpu.dma_semaphore, #tpu.memory_space<semaphore_mem>>)
        %dma_wait3A = arith.constant 0 : i32
        %dma_wait3A_61 = arith.constant 0 : i32
        %dma_wait3A_62 = tpu.memref_slice %arg6[%run_scoped3A, %dma_wait3A, %dma_wait3A_61] : memref<2x128x128xf32, #tpu.memory_space<vmem>> -> memref<1x64x128xf32, #tpu.memory_space<vmem>>
        %dma_wait3A_63 = tpu.memref_squeeze %dma_wait3A_62 : memref<1x64x128xf32, #tpu.memory_space<vmem>> -> memref<64x128xf32, #tpu.memory_space<vmem>>
        %dma_wait3A_64 = arith.constant 0 : i32
        %dma_wait3A_65 = tpu.memref_slice %arg3[%add3A_44, %dma_wait3A_64] : memref<10240x128xf32, #tpu.memory_space<hbm>> -> memref<64x128xf32, #tpu.memory_space<hbm>>
        %dma_wait3A_66 = arith.constant 0 : i32
        %dma_wait3A_67 = arith.constant 0 : i32
        %dma_wait3A_68 = tpu.memref_slice %arg6[%run_scoped3A, %dma_wait3A_66, %dma_wait3A_67] : memref<2x128x128xf32, #tpu.memory_space<vmem>> -> memref<1x64x128xf32, #tpu.memory_space<vmem>>
        %dma_wait3A_69 = tpu.memref_squeeze %dma_wait3A_68 : memref<1x64x128xf32, #tpu.memory_space<vmem>> -> memref<64x128xf32, #tpu.memory_space<vmem>>
        %dma_wait3A_70 = arith.constant 0 : i32
        %dma_wait3A_71 = tpu.memref_slice %arg3[%add3A_44, %dma_wait3A_70] : memref<10240x128xf32, #tpu.memory_space<hbm>> -> memref<64x128xf32, #tpu.memory_space<hbm>>
        tpu.wait_dma2 semaphore(%run_scoped3A_49 : memref<!tpu.dma_semaphore, #tpu.memory_space<semaphore_mem>>) src(%dma_wait3A_71 : memref<64x128xf32, #tpu.memory_space<hbm>>) dst(%dma_wait3A_69 : memref<64x128xf32, #tpu.memory_space<vmem>>)
        tpu.yield
      }) : () -> ()
      %mul3A_45 = arith.constant 64 : i32
      %mul3A_46 = arith.muli %scan3A_41, %mul3A_45 : i32
      %add3A_47 = arith.addi %mul3A_2, %mul3A_46 : i32
      %run_scoped3A_48 = arith.constant 0 : i32
      "tpu.region"() ({
        %run_scoped3A_49 = tpu.sem_alloc : memref<!tpu.dma_semaphore, #tpu.memory_space<semaphore_mem>>
        %dma_start3A = arith.constant 0 : i32
        %dma_start3A_50 = arith.constant 0 : i32
        %dma_start3A_51 = tpu.memref_slice %arg6[%run_scoped3A_48, %dma_start3A, %dma_start3A_50] : memref<2x128x128xf32, #tpu.memory_space<vmem>> -> memref<1x64x128xf32, #tpu.memory_space<vmem>>
        %dma_start3A_52 = tpu.memref_squeeze %dma_start3A_51 : memref<1x64x128xf32, #tpu.memory_space<vmem>> -> memref<64x128xf32, #tpu.memory_space<vmem>>
        %dma_start3A_53 = arith.constant 0 : i32
        %dma_start3A_54 = tpu.memref_slice %arg7[%add3A_47, %dma_start3A_53] : memref<10240x128xf32, #tpu.memory_space<vmem_shared>> -> memref<64x128xf32, #tpu.memory_space<vmem_shared>>
        %dma_start3A_55 = arith.constant 0 : i32
        %dma_start3A_56 = tpu.memref_slice %arg7[%add3A_47, %dma_start3A_55] : memref<10240x128xf32, #tpu.memory_space<vmem_shared>> -> memref<64x128xf32, #tpu.memory_space<vmem_shared>>
        %dma_start3A_57 = arith.constant 0 : i32
        %dma_start3A_58 = arith.constant 0 : i32
        %dma_start3A_59 = tpu.memref_slice %arg6[%run_scoped3A_48, %dma_start3A_57, %dma_start3A_58] : memref<2x128x128xf32, #tpu.memory_space<vmem>> -> memref<1x64x128xf32, #tpu.memory_space<vmem>>
        %dma_start3A_60 = tpu.memref_squeeze %dma_start3A_59 : memref<1x64x128xf32, #tpu.memory_space<vmem>> -> memref<64x128xf32, #tpu.memory_space<vmem>>
        tpu.enqueue_dma source(%dma_start3A_60 : memref<64x128xf32, #tpu.memory_space<vmem>>) target(%dma_start3A_56 : memref<64x128xf32, #tpu.memory_space<vmem_shared>>) target_semaphore(%run_scoped3A_49 : memref<!tpu.dma_semaphore, #tpu.memory_space<semaphore_mem>>)
        %dma_wait3A = arith.constant 0 : i32
        %dma_wait3A_61 = arith.constant 0 : i32
        %dma_wait3A_62 = tpu.memref_slice %arg6[%run_scoped3A_48, %dma_wait3A, %dma_wait3A_61] : memref<2x128x128xf32, #tpu.memory_space<vmem>> -> memref<1x64x128xf32, #tpu.memory_space<vmem>>
        %dma_wait3A_63 = tpu.memref_squeeze %dma_wait3A_62 : memref<1x64x128xf32, #tpu.memory_space<vmem>> -> memref<64x128xf32, #tpu.memory_space<vmem>>
        %dma_wait3A_64 = arith.constant 0 : i32
        %dma_wait3A_65 = tpu.memref_slice %arg7[%add3A_47, %dma_wait3A_64] : memref<10240x128xf32, #tpu.memory_space<vmem_shared>> -> memref<64x128xf32, #tpu.memory_space<vmem_shared>>
        %dma_wait3A_66 = arith.constant 0 : i32
        %dma_wait3A_67 = tpu.memref_slice %arg7[%add3A_47, %dma_wait3A_66] : memref<10240x128xf32, #tpu.memory_space<vmem_shared>> -> memref<64x128xf32, #tpu.memory_space<vmem_shared>>
        %dma_wait3A_68 = arith.constant 0 : i32
        %dma_wait3A_69 = arith.constant 0 : i32
        %dma_wait3A_70 = tpu.memref_slice %arg6[%run_scoped3A_48, %dma_wait3A_68, %dma_wait3A_69] : memref<2x128x128xf32, #tpu.memory_space<vmem>> -> memref<1x64x128xf32, #tpu.memory_space<vmem>>
        %dma_wait3A_71 = tpu.memref_squeeze %dma_wait3A_70 : memref<1x64x128xf32, #tpu.memory_space<vmem>> -> memref<64x128xf32, #tpu.memory_space<vmem>>
        tpu.wait_dma2 semaphore(%run_scoped3A_49 : memref<!tpu.dma_semaphore, #tpu.memory_space<semaphore_mem>>) src(%dma_wait3A_71 : memref<64x128xf32, #tpu.memory_space<vmem>>) dst(%dma_wait3A_67 : memref<64x128xf32, #tpu.memory_space<vmem_shared>>)
        tpu.yield
      }) : () -> ()
    }
    %scan3A_13 = arith.constant 10 : i32
    %barrier3A = arith.constant 0 : index
    tpu.barrier barrier_id(%barrier3A)
    %ge3A = arith.constant 1 : i32
    %ge3A_14 = arith.cmpi sge, %add3A_9, %ge3A : i32
    %convert_element_type3A_15 = arith.extui %ge3A_14 : i1 to i32
    %cond3A = arith.constant 0 : i32
    %cond3A_16 = arith.cmpi ne, %convert_element_type3A_15, %cond3A : i32
    scf.if %cond3A_16 {
      %add3A_41 = arith.constant 0 : i32
      %add3A_42 = arith.addi %add3A_6, %add3A_41 : i32
      %mul3A_43 = arith.constant 128 : i32
      %mul3A_44 = arith.muli %add3A_42, %mul3A_43 : i32
      %run_scoped3A = arith.constant 0 : i32
      "tpu.region"() ({
        %run_scoped3A_57 = tpu.sem_alloc : memref<!tpu.dma_semaphore, #tpu.memory_space<semaphore_mem>>
        %dma_start3A_58 = arith.constant 0 : i32
        %dma_start3A_59 = arith.constant 0 : i32
        %dma_start3A_60 = tpu.memref_slice %arg5[%run_scoped3A, %dma_start3A_58, %dma_start3A_59] : memref<2x2x128xi32, #tpu.memory_space<vmem>> -> memref<1x2x128xi32, #tpu.memory_space<vmem>>
        %dma_start3A_61 = tpu.memref_squeeze %dma_start3A_60 : memref<1x2x128xi32, #tpu.memory_space<vmem>> -> memref<2x128xi32, #tpu.memory_space<vmem>>
        %dma_start3A_62 = arith.constant 0 : i32
        %dma_start3A_63 = tpu.memref_slice %arg2[%dma_start3A_62, %mul3A_44] : memref<2x320000xi32, #tpu.memory_space<hbm>> -> memref<2x128xi32, #tpu.memory_space<hbm>>
        %dma_start3A_64 = arith.constant 0 : i32
        %dma_start3A_65 = arith.constant 0 : i32
        %dma_start3A_66 = tpu.memref_slice %arg5[%run_scoped3A, %dma_start3A_64, %dma_start3A_65] : memref<2x2x128xi32, #tpu.memory_space<vmem>> -> memref<1x2x128xi32, #tpu.memory_space<vmem>>
        %dma_start3A_67 = tpu.memref_squeeze %dma_start3A_66 : memref<1x2x128xi32, #tpu.memory_space<vmem>> -> memref<2x128xi32, #tpu.memory_space<vmem>>
        %dma_start3A_68 = arith.constant 0 : i32
        %dma_start3A_69 = tpu.memref_slice %arg2[%dma_start3A_68, %mul3A_44] : memref<2x320000xi32, #tpu.memory_space<hbm>> -> memref<2x128xi32, #tpu.memory_space<hbm>>
        tpu.enqueue_dma source(%dma_start3A_69 : memref<2x128xi32, #tpu.memory_space<hbm>>) target(%dma_start3A_67 : memref<2x128xi32, #tpu.memory_space<vmem>>) target_semaphore(%run_scoped3A_57 : memref<!tpu.dma_semaphore, #tpu.memory_space<semaphore_mem>>)
        %dma_wait3A = arith.constant 0 : i32
        %dma_wait3A_70 = arith.constant 0 : i32
        %dma_wait3A_71 = tpu.memref_slice %arg5[%run_scoped3A, %dma_wait3A, %dma_wait3A_70] : memref<2x2x128xi32, #tpu.memory_space<vmem>> -> memref<1x2x128xi32, #tpu.memory_space<vmem>>
        %dma_wait3A_72 = tpu.memref_squeeze %dma_wait3A_71 : memref<1x2x128xi32, #tpu.memory_space<vmem>> -> memref<2x128xi32, #tpu.memory_space<vmem>>
        %dma_wait3A_73 = arith.constant 0 : i32
        %dma_wait3A_74 = tpu.memref_slice %arg2[%dma_wait3A_73, %mul3A_44] : memref<2x320000xi32, #tpu.memory_space<hbm>> -> memref<2x128xi32, #tpu.memory_space<hbm>>
        %dma_wait3A_75 = arith.constant 0 : i32
        %dma_wait3A_76 = arith.constant 0 : i32
        %dma_wait3A_77 = tpu.memref_slice %arg5[%run_scoped3A, %dma_wait3A_75, %dma_wait3A_76] : memref<2x2x128xi32, #tpu.memory_space<vmem>> -> memref<1x2x128xi32, #tpu.memory_space<vmem>>
        %dma_wait3A_78 = tpu.memref_squeeze %dma_wait3A_77 : memref<1x2x128xi32, #tpu.memory_space<vmem>> -> memref<2x128xi32, #tpu.memory_space<vmem>>
        %dma_wait3A_79 = arith.constant 0 : i32
        %dma_wait3A_80 = tpu.memref_slice %arg2[%dma_wait3A_79, %mul3A_44] : memref<2x320000xi32, #tpu.memory_space<hbm>> -> memref<2x128xi32, #tpu.memory_space<hbm>>
        tpu.wait_dma2 semaphore(%run_scoped3A_57 : memref<!tpu.dma_semaphore, #tpu.memory_space<semaphore_mem>>) src(%dma_wait3A_80 : memref<2x128xi32, #tpu.memory_space<hbm>>) dst(%dma_wait3A_78 : memref<2x128xi32, #tpu.memory_space<vmem>>)
        tpu.yield
      }) : () -> ()
      %dma_start3A = arith.constant 0 : i32
      %dma_start3A_45 = arith.constant 0 : i32
      %dma_start3A_46 = arith.constant 0 : i32
      %dma_start3A_47 = arith.constant 0 : i32
      %dma_start3A_48 = arith.constant 0 : i32
      %dma_start3A_49 = tpu.memref_slice %arg6[%dma_start3A_46, %dma_start3A_47, %dma_start3A_48] : memref<2x128x128xf32, #tpu.memory_space<vmem>> -> memref<1x128x128xf32, #tpu.memory_space<vmem>>
      %dma_start3A_50 = tpu.memref_squeeze %dma_start3A_49 : memref<1x128x128xf32, #tpu.memory_space<vmem>> -> memref<128x128xf32, #tpu.memory_space<vmem>>
      %dma_start3A_51 = arith.constant 0 : i32
      %dma_start3A_52 = tpu.memref_slice %arg5[%dma_start3A, %dma_start3A_45, %dma_start3A_51] : memref<2x2x128xi32, #tpu.memory_space<vmem>> -> memref<1x1x128xi32, #tpu.memory_space<vmem>>
      %dma_start3A_53 = tpu.memref_squeeze %dma_start3A_52 : memref<1x1x128xi32, #tpu.memory_space<vmem>> -> memref<128xi32, #tpu.memory_space<vmem>>
      %dma_start3A_54 = arith.constant 0 : i32
      %dma_start3A_55 = arith.constant 0 : i32
      %dma_start3A_56 = tpu.memref_slice %arg3[%dma_start3A_54, %dma_start3A_55] : memref<10240x128xf32, #tpu.memory_space<hbm>> -> memref<10240x128xf32, #tpu.memory_space<hbm>>
      tpu.enqueue_indirect_dma source(%dma_start3A_56 : memref<10240x128xf32, #tpu.memory_space<hbm>>) target(%dma_start3A_50 : memref<128x128xf32, #tpu.memory_space<vmem>>) offsets(%dma_start3A_53 : memref<128xi32, #tpu.memory_space<vmem>>) semaphore(%arg8 : memref<!tpu.dma_semaphore, #tpu.memory_space<semaphore_mem>>)
    } else {
    }
    %while3A = arith.constant 0 : i32
    %while3A_17 = arith.subi %add3A_9, %while3A : i32
    %while3A_18 = arith.addi %while3A, %while3A_17 : i32
    %while3A_19 = arith.constant 1 : i32
    %while3A_20 = arith.divsi %while3A_17, %while3A_19 : i32
    %while3A_21 = arith.muli %while3A_20, %while3A_19 : i32
    %while3A_22 = arith.addi %while3A, %while3A_21 : i32
    %while3A_23 = arith.constant 1 : i32
    scf.for %while3A_41 = %while3A to %while3A_22 step %while3A_23  : i32 {
      %rem3A = arith.constant 2 : i32
      %rem3A_42 = arith.remsi %while3A_41, %rem3A : i32
      %eq3A = arith.constant 0 : i32
      %eq3A_43 = arith.cmpi eq, %rem3A_42, %eq3A : i32
      %convert_element_type3A_44 = arith.extui %eq3A_43 : i1 to i32
      %cond3A_45 = arith.constant 0 : i32
      %cond3A_46 = arith.cmpi ne, %convert_element_type3A_44, %cond3A_45 : i32
      scf.if %cond3A_46 {
        %add3A_54 = arith.constant 1 : i32
        %add3A_55 = arith.addi %while3A_41, %add3A_54 : i32
        %lt3A_56 = arith.cmpi slt, %add3A_55, %add3A_9 : i32
        %convert_element_type3A_57 = arith.extui %lt3A_56 : i1 to i32
        %cond3A_58 = arith.constant 0 : i32
        %cond3A_59 = arith.cmpi ne, %convert_element_type3A_57, %cond3A_58 : i32
        scf.if %cond3A_59 {
          %ge3A_84 = arith.constant 1 : i32
          %ge3A_85 = arith.cmpi sge, %while3A_41, %ge3A_84 : i32
          %convert_element_type3A_86 = arith.extui %ge3A_85 : i1 to i32
          %cond3A_87 = arith.constant 0 : i32
          %cond3A_88 = arith.cmpi ne, %convert_element_type3A_86, %cond3A_87 : i32
          scf.if %cond3A_88 {
            %dma_wait3A_107 = arith.constant 1 : i32
            %dma_wait3A_108 = arith.constant 1 : i32
            %dma_wait3A_109 = arith.constant 1 : i32
            %dma_wait3A_110 = arith.constant 0 : i32
            %dma_wait3A_111 = arith.constant 0 : i32
            %dma_wait3A_112 = tpu.memref_slice %arg6[%dma_wait3A_107, %dma_wait3A_110, %dma_wait3A_111] : memref<2x128x128xf32, #tpu.memory_space<vmem>> -> memref<1x128x128xf32, #tpu.memory_space<vmem>>
            %dma_wait3A_113 = tpu.memref_squeeze %dma_wait3A_112 : memref<1x128x128xf32, #tpu.memory_space<vmem>> -> memref<128x128xf32, #tpu.memory_space<vmem>>
            %dma_wait3A_114 = arith.constant 0 : i32
            %dma_wait3A_115 = tpu.memref_slice %arg5[%dma_wait3A_108, %dma_wait3A_109, %dma_wait3A_114] : memref<2x2x128xi32, #tpu.memory_space<vmem>> -> memref<1x1x128xi32, #tpu.memory_space<vmem>>
            %dma_wait3A_116 = tpu.memref_squeeze %dma_wait3A_115 : memref<1x1x128xi32, #tpu.memory_space<vmem>> -> memref<128xi32, #tpu.memory_space<vmem>>
            %dma_wait3A_117 = arith.constant 0 : i32
            %dma_wait3A_118 = arith.constant 0 : i32
            %dma_wait3A_119 = tpu.memref_slice %arg7[%dma_wait3A_117, %dma_wait3A_118] : memref<10240x128xf32, #tpu.memory_space<vmem_shared>> -> memref<10240x128xf32, #tpu.memory_space<vmem_shared>>
            tpu.wait_indirect_dma semaphore(%arg11 : memref<!tpu.dma_semaphore, #tpu.memory_space<semaphore_mem>>) src(%dma_wait3A_113 : memref<128x128xf32, #tpu.memory_space<vmem>>) dst(%dma_wait3A_119 : memref<10240x128xf32, #tpu.memory_space<vmem_shared>>)
          } else {
          }
          %add3A_89 = arith.constant 1 : i32
          %add3A_90 = arith.addi %while3A_41, %add3A_89 : i32
          %add3A_91 = arith.addi %add3A_6, %add3A_90 : i32
          %mul3A_92 = arith.constant 128 : i32
          %mul3A_93 = arith.muli %add3A_91, %mul3A_92 : i32
          %run_scoped3A = arith.constant 1 : i32
          "tpu.region"() ({
            %run_scoped3A_107 = tpu.sem_alloc : memref<!tpu.dma_semaphore, #tpu.memory_space<semaphore_mem>>
            %dma_start3A_108 = arith.constant 0 : i32
            %dma_start3A_109 = arith.constant 0 : i32
            %dma_start3A_110 = tpu.memref_slice %arg5[%run_scoped3A, %dma_start3A_108, %dma_start3A_109] : memref<2x2x128xi32, #tpu.memory_space<vmem>> -> memref<1x2x128xi32, #tpu.memory_space<vmem>>
            %dma_start3A_111 = tpu.memref_squeeze %dma_start3A_110 : memref<1x2x128xi32, #tpu.memory_space<vmem>> -> memref<2x128xi32, #tpu.memory_space<vmem>>
            %dma_start3A_112 = arith.constant 0 : i32
            %dma_start3A_113 = tpu.memref_slice %arg2[%dma_start3A_112, %mul3A_93] : memref<2x320000xi32, #tpu.memory_space<hbm>> -> memref<2x128xi32, #tpu.memory_space<hbm>>
            %dma_start3A_114 = arith.constant 0 : i32
            %dma_start3A_115 = arith.constant 0 : i32
            %dma_start3A_116 = tpu.memref_slice %arg5[%run_scoped3A, %dma_start3A_114, %dma_start3A_115] : memref<2x2x128xi32, #tpu.memory_space<vmem>> -> memref<1x2x128xi32, #tpu.memory_space<vmem>>
            %dma_start3A_117 = tpu.memref_squeeze %dma_start3A_116 : memref<1x2x128xi32, #tpu.memory_space<vmem>> -> memref<2x128xi32, #tpu.memory_space<vmem>>
            %dma_start3A_118 = arith.constant 0 : i32
            %dma_start3A_119 = tpu.memref_slice %arg2[%dma_start3A_118, %mul3A_93] : memref<2x320000xi32, #tpu.memory_space<hbm>> -> memref<2x128xi32, #tpu.memory_space<hbm>>
            tpu.enqueue_dma source(%dma_start3A_119 : memref<2x128xi32, #tpu.memory_space<hbm>>) target(%dma_start3A_117 : memref<2x128xi32, #tpu.memory_space<vmem>>) target_semaphore(%run_scoped3A_107 : memref<!tpu.dma_semaphore, #tpu.memory_space<semaphore_mem>>)
            %dma_wait3A_120 = arith.constant 0 : i32
            %dma_wait3A_121 = arith.constant 0 : i32
            %dma_wait3A_122 = tpu.memref_slice %arg5[%run_scoped3A, %dma_wait3A_120, %dma_wait3A_121] : memref<2x2x128xi32, #tpu.memory_space<vmem>> -> memref<1x2x128xi32, #tpu.memory_space<vmem>>
            %dma_wait3A_123 = tpu.memref_squeeze %dma_wait3A_122 : memref<1x2x128xi32, #tpu.memory_space<vmem>> -> memref<2x128xi32, #tpu.memory_space<vmem>>
            %dma_wait3A_124 = arith.constant 0 : i32
            %dma_wait3A_125 = tpu.memref_slice %arg2[%dma_wait3A_124, %mul3A_93] : memref<2x320000xi32, #tpu.memory_space<hbm>> -> memref<2x128xi32, #tpu.memory_space<hbm>>
            %dma_wait3A_126 = arith.constant 0 : i32
            %dma_wait3A_127 = arith.constant 0 : i32
            %dma_wait3A_128 = tpu.memref_slice %arg5[%run_scoped3A, %dma_wait3A_126, %dma_wait3A_127] : memref<2x2x128xi32, #tpu.memory_space<vmem>> -> memref<1x2x128xi32, #tpu.memory_space<vmem>>
            %dma_wait3A_129 = tpu.memref_squeeze %dma_wait3A_128 : memref<1x2x128xi32, #tpu.memory_space<vmem>> -> memref<2x128xi32, #tpu.memory_space<vmem>>
            %dma_wait3A_130 = arith.constant 0 : i32
            %dma_wait3A_131 = tpu.memref_slice %arg2[%dma_wait3A_130, %mul3A_93] : memref<2x320000xi32, #tpu.memory_space<hbm>> -> memref<2x128xi32, #tpu.memory_space<hbm>>
            tpu.wait_dma2 semaphore(%run_scoped3A_107 : memref<!tpu.dma_semaphore, #tpu.memory_space<semaphore_mem>>) src(%dma_wait3A_131 : memref<2x128xi32, #tpu.memory_space<hbm>>) dst(%dma_wait3A_129 : memref<2x128xi32, #tpu.memory_space<vmem>>)
            tpu.yield
          }) : () -> ()
          %dma_start3A_94 = arith.constant 1 : i32
          %dma_start3A_95 = arith.constant 0 : i32
          %dma_start3A_96 = arith.constant 1 : i32
          %dma_start3A_97 = arith.constant 0 : i32
          %dma_start3A_98 = arith.constant 0 : i32
          %dma_start3A_99 = tpu.memref_slice %arg6[%dma_start3A_96, %dma_start3A_97, %dma_start3A_98] : memref<2x128x128xf32, #tpu.memory_space<vmem>> -> memref<1x128x128xf32, #tpu.memory_space<vmem>>
          %dma_start3A_100 = tpu.memref_squeeze %dma_start3A_99 : memref<1x128x128xf32, #tpu.memory_space<vmem>> -> memref<128x128xf32, #tpu.memory_space<vmem>>
          %dma_start3A_101 = arith.constant 0 : i32
          %dma_start3A_102 = tpu.memref_slice %arg5[%dma_start3A_94, %dma_start3A_95, %dma_start3A_101] : memref<2x2x128xi32, #tpu.memory_space<vmem>> -> memref<1x1x128xi32, #tpu.memory_space<vmem>>
          %dma_start3A_103 = tpu.memref_squeeze %dma_start3A_102 : memref<1x1x128xi32, #tpu.memory_space<vmem>> -> memref<128xi32, #tpu.memory_space<vmem>>
          %dma_start3A_104 = arith.constant 0 : i32
          %dma_start3A_105 = arith.constant 0 : i32
          %dma_start3A_106 = tpu.memref_slice %arg3[%dma_start3A_104, %dma_start3A_105] : memref<10240x128xf32, #tpu.memory_space<hbm>> -> memref<10240x128xf32, #tpu.memory_space<hbm>>
          tpu.enqueue_indirect_dma source(%dma_start3A_106 : memref<10240x128xf32, #tpu.memory_space<hbm>>) target(%dma_start3A_100 : memref<128x128xf32, #tpu.memory_space<vmem>>) offsets(%dma_start3A_103 : memref<128xi32, #tpu.memory_space<vmem>>) semaphore(%arg9 : memref<!tpu.dma_semaphore, #tpu.memory_space<semaphore_mem>>)
        } else {
        }
        %dma_wait3A = arith.constant 0 : i32
        %dma_wait3A_60 = arith.constant 0 : i32
        %dma_wait3A_61 = arith.constant 0 : i32
        %dma_wait3A_62 = arith.constant 0 : i32
        %dma_wait3A_63 = arith.constant 0 : i32
        %dma_wait3A_64 = tpu.memref_slice %arg6[%dma_wait3A_61, %dma_wait3A_62, %dma_wait3A_63] : memref<2x128x128xf32, #tpu.memory_space<vmem>> -> memref<1x128x128xf32, #tpu.memory_space<vmem>>
        %dma_wait3A_65 = tpu.memref_squeeze %dma_wait3A_64 : memref<1x128x128xf32, #tpu.memory_space<vmem>> -> memref<128x128xf32, #tpu.memory_space<vmem>>
        %dma_wait3A_66 = arith.constant 0 : i32
        %dma_wait3A_67 = tpu.memref_slice %arg5[%dma_wait3A, %dma_wait3A_60, %dma_wait3A_66] : memref<2x2x128xi32, #tpu.memory_space<vmem>> -> memref<1x1x128xi32, #tpu.memory_space<vmem>>
        %dma_wait3A_68 = tpu.memref_squeeze %dma_wait3A_67 : memref<1x1x128xi32, #tpu.memory_space<vmem>> -> memref<128xi32, #tpu.memory_space<vmem>>
        %dma_wait3A_69 = arith.constant 0 : i32
        %dma_wait3A_70 = arith.constant 0 : i32
        %dma_wait3A_71 = tpu.memref_slice %arg3[%dma_wait3A_69, %dma_wait3A_70] : memref<10240x128xf32, #tpu.memory_space<hbm>> -> memref<10240x128xf32, #tpu.memory_space<hbm>>
        tpu.wait_indirect_dma semaphore(%arg8 : memref<!tpu.dma_semaphore, #tpu.memory_space<semaphore_mem>>) src(%dma_wait3A_71 : memref<10240x128xf32, #tpu.memory_space<hbm>>) dst(%dma_wait3A_65 : memref<128x128xf32, #tpu.memory_space<vmem>>)
        %dma_start3A = arith.constant 0 : i32
        %dma_start3A_72 = arith.constant 0 : i32
        %dma_start3A_73 = arith.constant 1 : i32
        %dma_start3A_74 = arith.constant 0 : i32
        %dma_start3A_75 = arith.constant 0 : i32
        %dma_start3A_76 = tpu.memref_slice %arg6[%dma_start3A, %dma_start3A_74, %dma_start3A_75] : memref<2x128x128xf32, #tpu.memory_space<vmem>> -> memref<1x128x128xf32, #tpu.memory_space<vmem>>
        %dma_start3A_77 = tpu.memref_squeeze %dma_start3A_76 : memref<1x128x128xf32, #tpu.memory_space<vmem>> -> memref<128x128xf32, #tpu.memory_space<vmem>>
        %dma_start3A_78 = arith.constant 0 : i32
        %dma_start3A_79 = tpu.memref_slice %arg5[%dma_start3A_72, %dma_start3A_73, %dma_start3A_78] : memref<2x2x128xi32, #tpu.memory_space<vmem>> -> memref<1x1x128xi32, #tpu.memory_space<vmem>>
        %dma_start3A_80 = tpu.memref_squeeze %dma_start3A_79 : memref<1x1x128xi32, #tpu.memory_space<vmem>> -> memref<128xi32, #tpu.memory_space<vmem>>
        %dma_start3A_81 = arith.constant 0 : i32
        %dma_start3A_82 = arith.constant 0 : i32
        %dma_start3A_83 = tpu.memref_slice %arg7[%dma_start3A_81, %dma_start3A_82] : memref<10240x128xf32, #tpu.memory_space<vmem_shared>> -> memref<10240x128xf32, #tpu.memory_space<vmem_shared>>
        tpu.enqueue_indirect_dma source(%dma_start3A_77 : memref<128x128xf32, #tpu.memory_space<vmem>>) target(%dma_start3A_83 : memref<10240x128xf32, #tpu.memory_space<vmem_shared>>) offsets(%dma_start3A_80 : memref<128xi32, #tpu.memory_space<vmem>>) semaphore(%arg10 : memref<!tpu.dma_semaphore, #tpu.memory_space<semaphore_mem>>) {add = true}
      } else {
      }
      %rem3A_47 = arith.constant 2 : i32
      %rem3A_48 = arith.remsi %while3A_41, %rem3A_47 : i32
      %eq3A_49 = arith.constant 1 : i32
      %eq3A_50 = arith.cmpi eq, %rem3A_48, %eq3A_49 : i32
      %convert_element_type3A_51 = arith.extui %eq3A_50 : i1 to i32
      %cond3A_52 = arith.constant 0 : i32
      %cond3A_53 = arith.cmpi ne, %convert_element_type3A_51, %cond3A_52 : i32
      scf.if %cond3A_53 {
        %add3A_54 = arith.constant 1 : i32
        %add3A_55 = arith.addi %while3A_41, %add3A_54 : i32
        %lt3A_56 = arith.cmpi slt, %add3A_55, %add3A_9 : i32
        %convert_element_type3A_57 = arith.extui %lt3A_56 : i1 to i32
        %cond3A_58 = arith.constant 0 : i32
        %cond3A_59 = arith.cmpi ne, %convert_element_type3A_57, %cond3A_58 : i32
        scf.if %cond3A_59 {
          %ge3A_84 = arith.constant 1 : i32
          %ge3A_85 = arith.cmpi sge, %while3A_41, %ge3A_84 : i32
          %convert_element_type3A_86 = arith.extui %ge3A_85 : i1 to i32
          %cond3A_87 = arith.constant 0 : i32
          %cond3A_88 = arith.cmpi ne, %convert_element_type3A_86, %cond3A_87 : i32
          scf.if %cond3A_88 {
            %dma_wait3A_107 = arith.constant 0 : i32
            %dma_wait3A_108 = arith.constant 0 : i32
            %dma_wait3A_109 = arith.constant 1 : i32
            %dma_wait3A_110 = arith.constant 0 : i32
            %dma_wait3A_111 = arith.constant 0 : i32
            %dma_wait3A_112 = tpu.memref_slice %arg6[%dma_wait3A_107, %dma_wait3A_110, %dma_wait3A_111] : memref<2x128x128xf32, #tpu.memory_space<vmem>> -> memref<1x128x128xf32, #tpu.memory_space<vmem>>
            %dma_wait3A_113 = tpu.memref_squeeze %dma_wait3A_112 : memref<1x128x128xf32, #tpu.memory_space<vmem>> -> memref<128x128xf32, #tpu.memory_space<vmem>>
            %dma_wait3A_114 = arith.constant 0 : i32
            %dma_wait3A_115 = tpu.memref_slice %arg5[%dma_wait3A_108, %dma_wait3A_109, %dma_wait3A_114] : memref<2x2x128xi32, #tpu.memory_space<vmem>> -> memref<1x1x128xi32, #tpu.memory_space<vmem>>
            %dma_wait3A_116 = tpu.memref_squeeze %dma_wait3A_115 : memref<1x1x128xi32, #tpu.memory_space<vmem>> -> memref<128xi32, #tpu.memory_space<vmem>>
            %dma_wait3A_117 = arith.constant 0 : i32
            %dma_wait3A_118 = arith.constant 0 : i32
            %dma_wait3A_119 = tpu.memref_slice %arg7[%dma_wait3A_117, %dma_wait3A_118] : memref<10240x128xf32, #tpu.memory_space<vmem_shared>> -> memref<10240x128xf32, #tpu.memory_space<vmem_shared>>
            tpu.wait_indirect_dma semaphore(%arg10 : memref<!tpu.dma_semaphore, #tpu.memory_space<semaphore_mem>>) src(%dma_wait3A_113 : memref<128x128xf32, #tpu.memory_space<vmem>>) dst(%dma_wait3A_119 : memref<10240x128xf32, #tpu.memory_space<vmem_shared>>)
          } else {
          }
          %add3A_89 = arith.constant 1 : i32
          %add3A_90 = arith.addi %while3A_41, %add3A_89 : i32
          %add3A_91 = arith.addi %add3A_6, %add3A_90 : i32
          %mul3A_92 = arith.constant 128 : i32
          %mul3A_93 = arith.muli %add3A_91, %mul3A_92 : i32
          %run_scoped3A = arith.constant 0 : i32
          "tpu.region"() ({
            %run_scoped3A_107 = tpu.sem_alloc : memref<!tpu.dma_semaphore, #tpu.memory_space<semaphore_mem>>
            %dma_start3A_108 = arith.constant 0 : i32
            %dma_start3A_109 = arith.constant 0 : i32
            %dma_start3A_110 = tpu.memref_slice %arg5[%run_scoped3A, %dma_start3A_108, %dma_start3A_109] : memref<2x2x128xi32, #tpu.memory_space<vmem>> -> memref<1x2x128xi32, #tpu.memory_space<vmem>>
            %dma_start3A_111 = tpu.memref_squeeze %dma_start3A_110 : memref<1x2x128xi32, #tpu.memory_space<vmem>> -> memref<2x128xi32, #tpu.memory_space<vmem>>
            %dma_start3A_112 = arith.constant 0 : i32
            %dma_start3A_113 = tpu.memref_slice %arg2[%dma_start3A_112, %mul3A_93] : memref<2x320000xi32, #tpu.memory_space<hbm>> -> memref<2x128xi32, #tpu.memory_space<hbm>>
            %dma_start3A_114 = arith.constant 0 : i32
            %dma_start3A_115 = arith.constant 0 : i32
            %dma_start3A_116 = tpu.memref_slice %arg5[%run_scoped3A, %dma_start3A_114, %dma_start3A_115] : memref<2x2x128xi32, #tpu.memory_space<vmem>> -> memref<1x2x128xi32, #tpu.memory_space<vmem>>
            %dma_start3A_117 = tpu.memref_squeeze %dma_start3A_116 : memref<1x2x128xi32, #tpu.memory_space<vmem>> -> memref<2x128xi32, #tpu.memory_space<vmem>>
            %dma_start3A_118 = arith.constant 0 : i32
            %dma_start3A_119 = tpu.memref_slice %arg2[%dma_start3A_118, %mul3A_93] : memref<2x320000xi32, #tpu.memory_space<hbm>> -> memref<2x128xi32, #tpu.memory_space<hbm>>
            tpu.enqueue_dma source(%dma_start3A_119 : memref<2x128xi32, #tpu.memory_space<hbm>>) target(%dma_start3A_117 : memref<2x128xi32, #tpu.memory_space<vmem>>) target_semaphore(%run_scoped3A_107 : memref<!tpu.dma_semaphore, #tpu.memory_space<semaphore_mem>>)
            %dma_wait3A_120 = arith.constant 0 : i32
            %dma_wait3A_121 = arith.constant 0 : i32
            %dma_wait3A_122 = tpu.memref_slice %arg5[%run_scoped3A, %dma_wait3A_120, %dma_wait3A_121] : memref<2x2x128xi32, #tpu.memory_space<vmem>> -> memref<1x2x128xi32, #tpu.memory_space<vmem>>
            %dma_wait3A_123 = tpu.memref_squeeze %dma_wait3A_122 : memref<1x2x128xi32, #tpu.memory_space<vmem>> -> memref<2x128xi32, #tpu.memory_space<vmem>>
            %dma_wait3A_124 = arith.constant 0 : i32
            %dma_wait3A_125 = tpu.memref_slice %arg2[%dma_wait3A_124, %mul3A_93] : memref<2x320000xi32, #tpu.memory_space<hbm>> -> memref<2x128xi32, #tpu.memory_space<hbm>>
            %dma_wait3A_126 = arith.constant 0 : i32
            %dma_wait3A_127 = arith.constant 0 : i32
            %dma_wait3A_128 = tpu.memref_slice %arg5[%run_scoped3A, %dma_wait3A_126, %dma_wait3A_127] : memref<2x2x128xi32, #tpu.memory_space<vmem>> -> memref<1x2x128xi32, #tpu.memory_space<vmem>>
            %dma_wait3A_129 = tpu.memref_squeeze %dma_wait3A_128 : memref<1x2x128xi32, #tpu.memory_space<vmem>> -> memref<2x128xi32, #tpu.memory_space<vmem>>
            %dma_wait3A_130 = arith.constant 0 : i32
            %dma_wait3A_131 = tpu.memref_slice %arg2[%dma_wait3A_130, %mul3A_93] : memref<2x320000xi32, #tpu.memory_space<hbm>> -> memref<2x128xi32, #tpu.memory_space<hbm>>
            tpu.wait_dma2 semaphore(%run_scoped3A_107 : memref<!tpu.dma_semaphore, #tpu.memory_space<semaphore_mem>>) src(%dma_wait3A_131 : memref<2x128xi32, #tpu.memory_space<hbm>>) dst(%dma_wait3A_129 : memref<2x128xi32, #tpu.memory_space<vmem>>)
            tpu.yield
          }) : () -> ()
          %dma_start3A_94 = arith.constant 0 : i32
          %dma_start3A_95 = arith.constant 0 : i32
          %dma_start3A_96 = arith.constant 0 : i32
          %dma_start3A_97 = arith.constant 0 : i32
          %dma_start3A_98 = arith.constant 0 : i32
          %dma_start3A_99 = tpu.memref_slice %arg6[%dma_start3A_96, %dma_start3A_97, %dma_start3A_98] : memref<2x128x128xf32, #tpu.memory_space<vmem>> -> memref<1x128x128xf32, #tpu.memory_space<vmem>>
          %dma_start3A_100 = tpu.memref_squeeze %dma_start3A_99 : memref<1x128x128xf32, #tpu.memory_space<vmem>> -> memref<128x128xf32, #tpu.memory_space<vmem>>
          %dma_start3A_101 = arith.constant 0 : i32
          %dma_start3A_102 = tpu.memref_slice %arg5[%dma_start3A_94, %dma_start3A_95, %dma_start3A_101] : memref<2x2x128xi32, #tpu.memory_space<vmem>> -> memref<1x1x128xi32, #tpu.memory_space<vmem>>
          %dma_start3A_103 = tpu.memref_squeeze %dma_start3A_102 : memref<1x1x128xi32, #tpu.memory_space<vmem>> -> memref<128xi32, #tpu.memory_space<vmem>>
          %dma_start3A_104 = arith.constant 0 : i32
          %dma_start3A_105 = arith.constant 0 : i32
          %dma_start3A_106 = tpu.memref_slice %arg3[%dma_start3A_104, %dma_start3A_105] : memref<10240x128xf32, #tpu.memory_space<hbm>> -> memref<10240x128xf32, #tpu.memory_space<hbm>>
          tpu.enqueue_indirect_dma source(%dma_start3A_106 : memref<10240x128xf32, #tpu.memory_space<hbm>>) target(%dma_start3A_100 : memref<128x128xf32, #tpu.memory_space<vmem>>) offsets(%dma_start3A_103 : memref<128xi32, #tpu.memory_space<vmem>>) semaphore(%arg8 : memref<!tpu.dma_semaphore, #tpu.memory_space<semaphore_mem>>)
        } else {
        }
        %dma_wait3A = arith.constant 1 : i32
        %dma_wait3A_60 = arith.constant 0 : i32
        %dma_wait3A_61 = arith.constant 1 : i32
        %dma_wait3A_62 = arith.constant 0 : i32
        %dma_wait3A_63 = arith.constant 0 : i32
        %dma_wait3A_64 = tpu.memref_slice %arg6[%dma_wait3A_61, %dma_wait3A_62, %dma_wait3A_63] : memref<2x128x128xf32, #tpu.memory_space<vmem>> -> memref<1x128x128xf32, #tpu.memory_space<vmem>>
        %dma_wait3A_65 = tpu.memref_squeeze %dma_wait3A_64 : memref<1x128x128xf32, #tpu.memory_space<vmem>> -> memref<128x128xf32, #tpu.memory_space<vmem>>
        %dma_wait3A_66 = arith.constant 0 : i32
        %dma_wait3A_67 = tpu.memref_slice %arg5[%dma_wait3A, %dma_wait3A_60, %dma_wait3A_66] : memref<2x2x128xi32, #tpu.memory_space<vmem>> -> memref<1x1x128xi32, #tpu.memory_space<vmem>>
        %dma_wait3A_68 = tpu.memref_squeeze %dma_wait3A_67 : memref<1x1x128xi32, #tpu.memory_space<vmem>> -> memref<128xi32, #tpu.memory_space<vmem>>
        %dma_wait3A_69 = arith.constant 0 : i32
        %dma_wait3A_70 = arith.constant 0 : i32
        %dma_wait3A_71 = tpu.memref_slice %arg3[%dma_wait3A_69, %dma_wait3A_70] : memref<10240x128xf32, #tpu.memory_space<hbm>> -> memref<10240x128xf32, #tpu.memory_space<hbm>>
        tpu.wait_indirect_dma semaphore(%arg9 : memref<!tpu.dma_semaphore, #tpu.memory_space<semaphore_mem>>) src(%dma_wait3A_71 : memref<10240x128xf32, #tpu.memory_space<hbm>>) dst(%dma_wait3A_65 : memref<128x128xf32, #tpu.memory_space<vmem>>)
        %dma_start3A = arith.constant 1 : i32
        %dma_start3A_72 = arith.constant 1 : i32
        %dma_start3A_73 = arith.constant 1 : i32
        %dma_start3A_74 = arith.constant 0 : i32
        %dma_start3A_75 = arith.constant 0 : i32
        %dma_start3A_76 = tpu.memref_slice %arg6[%dma_start3A, %dma_start3A_74, %dma_start3A_75] : memref<2x128x128xf32, #tpu.memory_space<vmem>> -> memref<1x128x128xf32, #tpu.memory_space<vmem>>
        %dma_start3A_77 = tpu.memref_squeeze %dma_start3A_76 : memref<1x128x128xf32, #tpu.memory_space<vmem>> -> memref<128x128xf32, #tpu.memory_space<vmem>>
        %dma_start3A_78 = arith.constant 0 : i32
        %dma_start3A_79 = tpu.memref_slice %arg5[%dma_start3A_72, %dma_start3A_73, %dma_start3A_78] : memref<2x2x128xi32, #tpu.memory_space<vmem>> -> memref<1x1x128xi32, #tpu.memory_space<vmem>>
        %dma_start3A_80 = tpu.memref_squeeze %dma_start3A_79 : memref<1x1x128xi32, #tpu.memory_space<vmem>> -> memref<128xi32, #tpu.memory_space<vmem>>
        %dma_start3A_81 = arith.constant 0 : i32
        %dma_start3A_82 = arith.constant 0 : i32
        %dma_start3A_83 = tpu.memref_slice %arg7[%dma_start3A_81, %dma_start3A_82] : memref<10240x128xf32, #tpu.memory_space<vmem_shared>> -> memref<10240x128xf32, #tpu.memory_space<vmem_shared>>
        tpu.enqueue_indirect_dma source(%dma_start3A_77 : memref<128x128xf32, #tpu.memory_space<vmem>>) target(%dma_start3A_83 : memref<10240x128xf32, #tpu.memory_space<vmem_shared>>) offsets(%dma_start3A_80 : memref<128xi32, #tpu.memory_space<vmem>>) semaphore(%arg11 : memref<!tpu.dma_semaphore, #tpu.memory_space<semaphore_mem>>) {add = true}
      } else {
      }
    }
    %while3A_24 = arith.constant 1 : i32
    scf.for %while3A_41 = %while3A_22 to %while3A_18 step %while3A_24  : i32 {
      %rem3A = arith.constant 2 : i32
      %rem3A_42 = arith.remsi %while3A_41, %rem3A : i32
      %eq3A = arith.constant 0 : i32
      %eq3A_43 = arith.cmpi eq, %rem3A_42, %eq3A : i32
      %convert_element_type3A_44 = arith.extui %eq3A_43 : i1 to i32
      %cond3A_45 = arith.constant 0 : i32
      %cond3A_46 = arith.cmpi ne, %convert_element_type3A_44, %cond3A_45 : i32
      scf.if %cond3A_46 {
        %add3A_54 = arith.constant 1 : i32
        %add3A_55 = arith.addi %while3A_41, %add3A_54 : i32
        %lt3A_56 = arith.cmpi slt, %add3A_55, %add3A_9 : i32
        %convert_element_type3A_57 = arith.extui %lt3A_56 : i1 to i32
        %cond3A_58 = arith.constant 0 : i32
        %cond3A_59 = arith.cmpi ne, %convert_element_type3A_57, %cond3A_58 : i32
        scf.if %cond3A_59 {
          %ge3A_84 = arith.constant 1 : i32
          %ge3A_85 = arith.cmpi sge, %while3A_41, %ge3A_84 : i32
          %convert_element_type3A_86 = arith.extui %ge3A_85 : i1 to i32
          %cond3A_87 = arith.constant 0 : i32
          %cond3A_88 = arith.cmpi ne, %convert_element_type3A_86, %cond3A_87 : i32
          scf.if %cond3A_88 {
            %dma_wait3A_107 = arith.constant 1 : i32
            %dma_wait3A_108 = arith.constant 1 : i32
            %dma_wait3A_109 = arith.constant 1 : i32
            %dma_wait3A_110 = arith.constant 0 : i32
            %dma_wait3A_111 = arith.constant 0 : i32
            %dma_wait3A_112 = tpu.memref_slice %arg6[%dma_wait3A_107, %dma_wait3A_110, %dma_wait3A_111] : memref<2x128x128xf32, #tpu.memory_space<vmem>> -> memref<1x128x128xf32, #tpu.memory_space<vmem>>
            %dma_wait3A_113 = tpu.memref_squeeze %dma_wait3A_112 : memref<1x128x128xf32, #tpu.memory_space<vmem>> -> memref<128x128xf32, #tpu.memory_space<vmem>>
            %dma_wait3A_114 = arith.constant 0 : i32
            %dma_wait3A_115 = tpu.memref_slice %arg5[%dma_wait3A_108, %dma_wait3A_109, %dma_wait3A_114] : memref<2x2x128xi32, #tpu.memory_space<vmem>> -> memref<1x1x128xi32, #tpu.memory_space<vmem>>
            %dma_wait3A_116 = tpu.memref_squeeze %dma_wait3A_115 : memref<1x1x128xi32, #tpu.memory_space<vmem>> -> memref<128xi32, #tpu.memory_space<vmem>>
            %dma_wait3A_117 = arith.constant 0 : i32
            %dma_wait3A_118 = arith.constant 0 : i32
            %dma_wait3A_119 = tpu.memref_slice %arg7[%dma_wait3A_117, %dma_wait3A_118] : memref<10240x128xf32, #tpu.memory_space<vmem_shared>> -> memref<10240x128xf32, #tpu.memory_space<vmem_shared>>
            tpu.wait_indirect_dma semaphore(%arg11 : memref<!tpu.dma_semaphore, #tpu.memory_space<semaphore_mem>>) src(%dma_wait3A_113 : memref<128x128xf32, #tpu.memory_space<vmem>>) dst(%dma_wait3A_119 : memref<10240x128xf32, #tpu.memory_space<vmem_shared>>)
          } else {
          }
          %add3A_89 = arith.constant 1 : i32
          %add3A_90 = arith.addi %while3A_41, %add3A_89 : i32
          %add3A_91 = arith.addi %add3A_6, %add3A_90 : i32
          %mul3A_92 = arith.constant 128 : i32
          %mul3A_93 = arith.muli %add3A_91, %mul3A_92 : i32
          %run_scoped3A = arith.constant 1 : i32
          "tpu.region"() ({
            %run_scoped3A_107 = tpu.sem_alloc : memref<!tpu.dma_semaphore, #tpu.memory_space<semaphore_mem>>
            %dma_start3A_108 = arith.constant 0 : i32
            %dma_start3A_109 = arith.constant 0 : i32
            %dma_start3A_110 = tpu.memref_slice %arg5[%run_scoped3A, %dma_start3A_108, %dma_start3A_109] : memref<2x2x128xi32, #tpu.memory_space<vmem>> -> memref<1x2x128xi32, #tpu.memory_space<vmem>>
            %dma_start3A_111 = tpu.memref_squeeze %dma_start3A_110 : memref<1x2x128xi32, #tpu.memory_space<vmem>> -> memref<2x128xi32, #tpu.memory_space<vmem>>
            %dma_start3A_112 = arith.constant 0 : i32
            %dma_start3A_113 = tpu.memref_slice %arg2[%dma_start3A_112, %mul3A_93] : memref<2x320000xi32, #tpu.memory_space<hbm>> -> memref<2x128xi32, #tpu.memory_space<hbm>>
            %dma_start3A_114 = arith.constant 0 : i32
            %dma_start3A_115 = arith.constant 0 : i32
            %dma_start3A_116 = tpu.memref_slice %arg5[%run_scoped3A, %dma_start3A_114, %dma_start3A_115] : memref<2x2x128xi32, #tpu.memory_space<vmem>> -> memref<1x2x128xi32, #tpu.memory_space<vmem>>
            %dma_start3A_117 = tpu.memref_squeeze %dma_start3A_116 : memref<1x2x128xi32, #tpu.memory_space<vmem>> -> memref<2x128xi32, #tpu.memory_space<vmem>>
            %dma_start3A_118 = arith.constant 0 : i32
            %dma_start3A_119 = tpu.memref_slice %arg2[%dma_start3A_118, %mul3A_93] : memref<2x320000xi32, #tpu.memory_space<hbm>> -> memref<2x128xi32, #tpu.memory_space<hbm>>
            tpu.enqueue_dma source(%dma_start3A_119 : memref<2x128xi32, #tpu.memory_space<hbm>>) target(%dma_start3A_117 : memref<2x128xi32, #tpu.memory_space<vmem>>) target_semaphore(%run_scoped3A_107 : memref<!tpu.dma_semaphore, #tpu.memory_space<semaphore_mem>>)
            %dma_wait3A_120 = arith.constant 0 : i32
            %dma_wait3A_121 = arith.constant 0 : i32
            %dma_wait3A_122 = tpu.memref_slice %arg5[%run_scoped3A, %dma_wait3A_120, %dma_wait3A_121] : memref<2x2x128xi32, #tpu.memory_space<vmem>> -> memref<1x2x128xi32, #tpu.memory_space<vmem>>
            %dma_wait3A_123 = tpu.memref_squeeze %dma_wait3A_122 : memref<1x2x128xi32, #tpu.memory_space<vmem>> -> memref<2x128xi32, #tpu.memory_space<vmem>>
            %dma_wait3A_124 = arith.constant 0 : i32
            %dma_wait3A_125 = tpu.memref_slice %arg2[%dma_wait3A_124, %mul3A_93] : memref<2x320000xi32, #tpu.memory_space<hbm>> -> memref<2x128xi32, #tpu.memory_space<hbm>>
            %dma_wait3A_126 = arith.constant 0 : i32
            %dma_wait3A_127 = arith.constant 0 : i32
            %dma_wait3A_128 = tpu.memref_slice %arg5[%run_scoped3A, %dma_wait3A_126, %dma_wait3A_127] : memref<2x2x128xi32, #tpu.memory_space<vmem>> -> memref<1x2x128xi32, #tpu.memory_space<vmem>>
            %dma_wait3A_129 = tpu.memref_squeeze %dma_wait3A_128 : memref<1x2x128xi32, #tpu.memory_space<vmem>> -> memref<2x128xi32, #tpu.memory_space<vmem>>
            %dma_wait3A_130 = arith.constant 0 : i32
            %dma_wait3A_131 = tpu.memref_slice %arg2[%dma_wait3A_130, %mul3A_93] : memref<2x320000xi32, #tpu.memory_space<hbm>> -> memref<2x128xi32, #tpu.memory_space<hbm>>
            tpu.wait_dma2 semaphore(%run_scoped3A_107 : memref<!tpu.dma_semaphore, #tpu.memory_space<semaphore_mem>>) src(%dma_wait3A_131 : memref<2x128xi32, #tpu.memory_space<hbm>>) dst(%dma_wait3A_129 : memref<2x128xi32, #tpu.memory_space<vmem>>)
            tpu.yield
          }) : () -> ()
          %dma_start3A_94 = arith.constant 1 : i32
          %dma_start3A_95 = arith.constant 0 : i32
          %dma_start3A_96 = arith.constant 1 : i32
          %dma_start3A_97 = arith.constant 0 : i32
          %dma_start3A_98 = arith.constant 0 : i32
          %dma_start3A_99 = tpu.memref_slice %arg6[%dma_start3A_96, %dma_start3A_97, %dma_start3A_98] : memref<2x128x128xf32, #tpu.memory_space<vmem>> -> memref<1x128x128xf32, #tpu.memory_space<vmem>>
          %dma_start3A_100 = tpu.memref_squeeze %dma_start3A_99 : memref<1x128x128xf32, #tpu.memory_space<vmem>> -> memref<128x128xf32, #tpu.memory_space<vmem>>
          %dma_start3A_101 = arith.constant 0 : i32
          %dma_start3A_102 = tpu.memref_slice %arg5[%dma_start3A_94, %dma_start3A_95, %dma_start3A_101] : memref<2x2x128xi32, #tpu.memory_space<vmem>> -> memref<1x1x128xi32, #tpu.memory_space<vmem>>
          %dma_start3A_103 = tpu.memref_squeeze %dma_start3A_102 : memref<1x1x128xi32, #tpu.memory_space<vmem>> -> memref<128xi32, #tpu.memory_space<vmem>>
          %dma_start3A_104 = arith.constant 0 : i32
          %dma_start3A_105 = arith.constant 0 : i32
          %dma_start3A_106 = tpu.memref_slice %arg3[%dma_start3A_104, %dma_start3A_105] : memref<10240x128xf32, #tpu.memory_space<hbm>> -> memref<10240x128xf32, #tpu.memory_space<hbm>>
          tpu.enqueue_indirect_dma source(%dma_start3A_106 : memref<10240x128xf32, #tpu.memory_space<hbm>>) target(%dma_start3A_100 : memref<128x128xf32, #tpu.memory_space<vmem>>) offsets(%dma_start3A_103 : memref<128xi32, #tpu.memory_space<vmem>>) semaphore(%arg9 : memref<!tpu.dma_semaphore, #tpu.memory_space<semaphore_mem>>)
        } else {
        }
        %dma_wait3A = arith.constant 0 : i32
        %dma_wait3A_60 = arith.constant 0 : i32
        %dma_wait3A_61 = arith.constant 0 : i32
        %dma_wait3A_62 = arith.constant 0 : i32
        %dma_wait3A_63 = arith.constant 0 : i32
        %dma_wait3A_64 = tpu.memref_slice %arg6[%dma_wait3A_61, %dma_wait3A_62, %dma_wait3A_63] : memref<2x128x128xf32, #tpu.memory_space<vmem>> -> memref<1x128x128xf32, #tpu.memory_space<vmem>>
        %dma_wait3A_65 = tpu.memref_squeeze %dma_wait3A_64 : memref<1x128x128xf32, #tpu.memory_space<vmem>> -> memref<128x128xf32, #tpu.memory_space<vmem>>
        %dma_wait3A_66 = arith.constant 0 : i32
        %dma_wait3A_67 = tpu.memref_slice %arg5[%dma_wait3A, %dma_wait3A_60, %dma_wait3A_66] : memref<2x2x128xi32, #tpu.memory_space<vmem>> -> memref<1x1x128xi32, #tpu.memory_space<vmem>>
        %dma_wait3A_68 = tpu.memref_squeeze %dma_wait3A_67 : memref<1x1x128xi32, #tpu.memory_space<vmem>> -> memref<128xi32, #tpu.memory_space<vmem>>
        %dma_wait3A_69 = arith.constant 0 : i32
        %dma_wait3A_70 = arith.constant 0 : i32
        %dma_wait3A_71 = tpu.memref_slice %arg3[%dma_wait3A_69, %dma_wait3A_70] : memref<10240x128xf32, #tpu.memory_space<hbm>> -> memref<10240x128xf32, #tpu.memory_space<hbm>>
        tpu.wait_indirect_dma semaphore(%arg8 : memref<!tpu.dma_semaphore, #tpu.memory_space<semaphore_mem>>) src(%dma_wait3A_71 : memref<10240x128xf32, #tpu.memory_space<hbm>>) dst(%dma_wait3A_65 : memref<128x128xf32, #tpu.memory_space<vmem>>)
        %dma_start3A = arith.constant 0 : i32
        %dma_start3A_72 = arith.constant 0 : i32
        %dma_start3A_73 = arith.constant 1 : i32
        %dma_start3A_74 = arith.constant 0 : i32
        %dma_start3A_75 = arith.constant 0 : i32
        %dma_start3A_76 = tpu.memref_slice %arg6[%dma_start3A, %dma_start3A_74, %dma_start3A_75] : memref<2x128x128xf32, #tpu.memory_space<vmem>> -> memref<1x128x128xf32, #tpu.memory_space<vmem>>
        %dma_start3A_77 = tpu.memref_squeeze %dma_start3A_76 : memref<1x128x128xf32, #tpu.memory_space<vmem>> -> memref<128x128xf32, #tpu.memory_space<vmem>>
        %dma_start3A_78 = arith.constant 0 : i32
        %dma_start3A_79 = tpu.memref_slice %arg5[%dma_start3A_72, %dma_start3A_73, %dma_start3A_78] : memref<2x2x128xi32, #tpu.memory_space<vmem>> -> memref<1x1x128xi32, #tpu.memory_space<vmem>>
        %dma_start3A_80 = tpu.memref_squeeze %dma_start3A_79 : memref<1x1x128xi32, #tpu.memory_space<vmem>> -> memref<128xi32, #tpu.memory_space<vmem>>
        %dma_start3A_81 = arith.constant 0 : i32
        %dma_start3A_82 = arith.constant 0 : i32
        %dma_start3A_83 = tpu.memref_slice %arg7[%dma_start3A_81, %dma_start3A_82] : memref<10240x128xf32, #tpu.memory_space<vmem_shared>> -> memref<10240x128xf32, #tpu.memory_space<vmem_shared>>
        tpu.enqueue_indirect_dma source(%dma_start3A_77 : memref<128x128xf32, #tpu.memory_space<vmem>>) target(%dma_start3A_83 : memref<10240x128xf32, #tpu.memory_space<vmem_shared>>) offsets(%dma_start3A_80 : memref<128xi32, #tpu.memory_space<vmem>>) semaphore(%arg10 : memref<!tpu.dma_semaphore, #tpu.memory_space<semaphore_mem>>) {add = true}
      } else {
      }
      %rem3A_47 = arith.constant 2 : i32
      %rem3A_48 = arith.remsi %while3A_41, %rem3A_47 : i32
      %eq3A_49 = arith.constant 1 : i32
      %eq3A_50 = arith.cmpi eq, %rem3A_48, %eq3A_49 : i32
      %convert_element_type3A_51 = arith.extui %eq3A_50 : i1 to i32
      %cond3A_52 = arith.constant 0 : i32
      %cond3A_53 = arith.cmpi ne, %convert_element_type3A_51, %cond3A_52 : i32
      scf.if %cond3A_53 {
        %add3A_54 = arith.constant 1 : i32
        %add3A_55 = arith.addi %while3A_41, %add3A_54 : i32
        %lt3A_56 = arith.cmpi slt, %add3A_55, %add3A_9 : i32
        %convert_element_type3A_57 = arith.extui %lt3A_56 : i1 to i32
        %cond3A_58 = arith.constant 0 : i32
        %cond3A_59 = arith.cmpi ne, %convert_element_type3A_57, %cond3A_58 : i32
        scf.if %cond3A_59 {
          %ge3A_84 = arith.constant 1 : i32
          %ge3A_85 = arith.cmpi sge, %while3A_41, %ge3A_84 : i32
          %convert_element_type3A_86 = arith.extui %ge3A_85 : i1 to i32
          %cond3A_87 = arith.constant 0 : i32
          %cond3A_88 = arith.cmpi ne, %convert_element_type3A_86, %cond3A_87 : i32
          scf.if %cond3A_88 {
            %dma_wait3A_107 = arith.constant 0 : i32
            %dma_wait3A_108 = arith.constant 0 : i32
            %dma_wait3A_109 = arith.constant 1 : i32
            %dma_wait3A_110 = arith.constant 0 : i32
            %dma_wait3A_111 = arith.constant 0 : i32
            %dma_wait3A_112 = tpu.memref_slice %arg6[%dma_wait3A_107, %dma_wait3A_110, %dma_wait3A_111] : memref<2x128x128xf32, #tpu.memory_space<vmem>> -> memref<1x128x128xf32, #tpu.memory_space<vmem>>
            %dma_wait3A_113 = tpu.memref_squeeze %dma_wait3A_112 : memref<1x128x128xf32, #tpu.memory_space<vmem>> -> memref<128x128xf32, #tpu.memory_space<vmem>>
            %dma_wait3A_114 = arith.constant 0 : i32
            %dma_wait3A_115 = tpu.memref_slice %arg5[%dma_wait3A_108, %dma_wait3A_109, %dma_wait3A_114] : memref<2x2x128xi32, #tpu.memory_space<vmem>> -> memref<1x1x128xi32, #tpu.memory_space<vmem>>
            %dma_wait3A_116 = tpu.memref_squeeze %dma_wait3A_115 : memref<1x1x128xi32, #tpu.memory_space<vmem>> -> memref<128xi32, #tpu.memory_space<vmem>>
            %dma_wait3A_117 = arith.constant 0 : i32
            %dma_wait3A_118 = arith.constant 0 : i32
            %dma_wait3A_119 = tpu.memref_slice %arg7[%dma_wait3A_117, %dma_wait3A_118] : memref<10240x128xf32, #tpu.memory_space<vmem_shared>> -> memref<10240x128xf32, #tpu.memory_space<vmem_shared>>
            tpu.wait_indirect_dma semaphore(%arg10 : memref<!tpu.dma_semaphore, #tpu.memory_space<semaphore_mem>>) src(%dma_wait3A_113 : memref<128x128xf32, #tpu.memory_space<vmem>>) dst(%dma_wait3A_119 : memref<10240x128xf32, #tpu.memory_space<vmem_shared>>)
          } else {
          }
          %add3A_89 = arith.constant 1 : i32
          %add3A_90 = arith.addi %while3A_41, %add3A_89 : i32
          %add3A_91 = arith.addi %add3A_6, %add3A_90 : i32
          %mul3A_92 = arith.constant 128 : i32
          %mul3A_93 = arith.muli %add3A_91, %mul3A_92 : i32
          %run_scoped3A = arith.constant 0 : i32
          "tpu.region"() ({
            %run_scoped3A_107 = tpu.sem_alloc : memref<!tpu.dma_semaphore, #tpu.memory_space<semaphore_mem>>
            %dma_start3A_108 = arith.constant 0 : i32
            %dma_start3A_109 = arith.constant 0 : i32
            %dma_start3A_110 = tpu.memref_slice %arg5[%run_scoped3A, %dma_start3A_108, %dma_start3A_109] : memref<2x2x128xi32, #tpu.memory_space<vmem>> -> memref<1x2x128xi32, #tpu.memory_space<vmem>>
            %dma_start3A_111 = tpu.memref_squeeze %dma_start3A_110 : memref<1x2x128xi32, #tpu.memory_space<vmem>> -> memref<2x128xi32, #tpu.memory_space<vmem>>
            %dma_start3A_112 = arith.constant 0 : i32
            %dma_start3A_113 = tpu.memref_slice %arg2[%dma_start3A_112, %mul3A_93] : memref<2x320000xi32, #tpu.memory_space<hbm>> -> memref<2x128xi32, #tpu.memory_space<hbm>>
            %dma_start3A_114 = arith.constant 0 : i32
            %dma_start3A_115 = arith.constant 0 : i32
            %dma_start3A_116 = tpu.memref_slice %arg5[%run_scoped3A, %dma_start3A_114, %dma_start3A_115] : memref<2x2x128xi32, #tpu.memory_space<vmem>> -> memref<1x2x128xi32, #tpu.memory_space<vmem>>
            %dma_start3A_117 = tpu.memref_squeeze %dma_start3A_116 : memref<1x2x128xi32, #tpu.memory_space<vmem>> -> memref<2x128xi32, #tpu.memory_space<vmem>>
            %dma_start3A_118 = arith.constant 0 : i32
            %dma_start3A_119 = tpu.memref_slice %arg2[%dma_start3A_118, %mul3A_93] : memref<2x320000xi32, #tpu.memory_space<hbm>> -> memref<2x128xi32, #tpu.memory_space<hbm>>
            tpu.enqueue_dma source(%dma_start3A_119 : memref<2x128xi32, #tpu.memory_space<hbm>>) target(%dma_start3A_117 : memref<2x128xi32, #tpu.memory_space<vmem>>) target_semaphore(%run_scoped3A_107 : memref<!tpu.dma_semaphore, #tpu.memory_space<semaphore_mem>>)
            %dma_wait3A_120 = arith.constant 0 : i32
            %dma_wait3A_121 = arith.constant 0 : i32
            %dma_wait3A_122 = tpu.memref_slice %arg5[%run_scoped3A, %dma_wait3A_120, %dma_wait3A_121] : memref<2x2x128xi32, #tpu.memory_space<vmem>> -> memref<1x2x128xi32, #tpu.memory_space<vmem>>
            %dma_wait3A_123 = tpu.memref_squeeze %dma_wait3A_122 : memref<1x2x128xi32, #tpu.memory_space<vmem>> -> memref<2x128xi32, #tpu.memory_space<vmem>>
            %dma_wait3A_124 = arith.constant 0 : i32
            %dma_wait3A_125 = tpu.memref_slice %arg2[%dma_wait3A_124, %mul3A_93] : memref<2x320000xi32, #tpu.memory_space<hbm>> -> memref<2x128xi32, #tpu.memory_space<hbm>>
            %dma_wait3A_126 = arith.constant 0 : i32
            %dma_wait3A_127 = arith.constant 0 : i32
            %dma_wait3A_128 = tpu.memref_slice %arg5[%run_scoped3A, %dma_wait3A_126, %dma_wait3A_127] : memref<2x2x128xi32, #tpu.memory_space<vmem>> -> memref<1x2x128xi32, #tpu.memory_space<vmem>>
            %dma_wait3A_129 = tpu.memref_squeeze %dma_wait3A_128 : memref<1x2x128xi32, #tpu.memory_space<vmem>> -> memref<2x128xi32, #tpu.memory_space<vmem>>
            %dma_wait3A_130 = arith.constant 0 : i32
            %dma_wait3A_131 = tpu.memref_slice %arg2[%dma_wait3A_130, %mul3A_93] : memref<2x320000xi32, #tpu.memory_space<hbm>> -> memref<2x128xi32, #tpu.memory_space<hbm>>
            tpu.wait_dma2 semaphore(%run_scoped3A_107 : memref<!tpu.dma_semaphore, #tpu.memory_space<semaphore_mem>>) src(%dma_wait3A_131 : memref<2x128xi32, #tpu.memory_space<hbm>>) dst(%dma_wait3A_129 : memref<2x128xi32, #tpu.memory_space<vmem>>)
            tpu.yield
          }) : () -> ()
          %dma_start3A_94 = arith.constant 0 : i32
          %dma_start3A_95 = arith.constant 0 : i32
          %dma_start3A_96 = arith.constant 0 : i32
          %dma_start3A_97 = arith.constant 0 : i32
          %dma_start3A_98 = arith.constant 0 : i32
          %dma_start3A_99 = tpu.memref_slice %arg6[%dma_start3A_96, %dma_start3A_97, %dma_start3A_98] : memref<2x128x128xf32, #tpu.memory_space<vmem>> -> memref<1x128x128xf32, #tpu.memory_space<vmem>>
          %dma_start3A_100 = tpu.memref_squeeze %dma_start3A_99 : memref<1x128x128xf32, #tpu.memory_space<vmem>> -> memref<128x128xf32, #tpu.memory_space<vmem>>
          %dma_start3A_101 = arith.constant 0 : i32
          %dma_start3A_102 = tpu.memref_slice %arg5[%dma_start3A_94, %dma_start3A_95, %dma_start3A_101] : memref<2x2x128xi32, #tpu.memory_space<vmem>> -> memref<1x1x128xi32, #tpu.memory_space<vmem>>
          %dma_start3A_103 = tpu.memref_squeeze %dma_start3A_102 : memref<1x1x128xi32, #tpu.memory_space<vmem>> -> memref<128xi32, #tpu.memory_space<vmem>>
          %dma_start3A_104 = arith.constant 0 : i32
          %dma_start3A_105 = arith.constant 0 : i32
          %dma_start3A_106 = tpu.memref_slice %arg3[%dma_start3A_104, %dma_start3A_105] : memref<10240x128xf32, #tpu.memory_space<hbm>> -> memref<10240x128xf32, #tpu.memory_space<hbm>>
          tpu.enqueue_indirect_dma source(%dma_start3A_106 : memref<10240x128xf32, #tpu.memory_space<hbm>>) target(%dma_start3A_100 : memref<128x128xf32, #tpu.memory_space<vmem>>) offsets(%dma_start3A_103 : memref<128xi32, #tpu.memory_space<vmem>>) semaphore(%arg8 : memref<!tpu.dma_semaphore, #tpu.memory_space<semaphore_mem>>)
        } else {
        }
        %dma_wait3A = arith.constant 1 : i32
        %dma_wait3A_60 = arith.constant 0 : i32
        %dma_wait3A_61 = arith.constant 1 : i32
        %dma_wait3A_62 = arith.constant 0 : i32
        %dma_wait3A_63 = arith.constant 0 : i32
        %dma_wait3A_64 = tpu.memref_slice %arg6[%dma_wait3A_61, %dma_wait3A_62, %dma_wait3A_63] : memref<2x128x128xf32, #tpu.memory_space<vmem>> -> memref<1x128x128xf32, #tpu.memory_space<vmem>>
        %dma_wait3A_65 = tpu.memref_squeeze %dma_wait3A_64 : memref<1x128x128xf32, #tpu.memory_space<vmem>> -> memref<128x128xf32, #tpu.memory_space<vmem>>
        %dma_wait3A_66 = arith.constant 0 : i32
        %dma_wait3A_67 = tpu.memref_slice %arg5[%dma_wait3A, %dma_wait3A_60, %dma_wait3A_66] : memref<2x2x128xi32, #tpu.memory_space<vmem>> -> memref<1x1x128xi32, #tpu.memory_space<vmem>>
        %dma_wait3A_68 = tpu.memref_squeeze %dma_wait3A_67 : memref<1x1x128xi32, #tpu.memory_space<vmem>> -> memref<128xi32, #tpu.memory_space<vmem>>
        %dma_wait3A_69 = arith.constant 0 : i32
        %dma_wait3A_70 = arith.constant 0 : i32
        %dma_wait3A_71 = tpu.memref_slice %arg3[%dma_wait3A_69, %dma_wait3A_70] : memref<10240x128xf32, #tpu.memory_space<hbm>> -> memref<10240x128xf32, #tpu.memory_space<hbm>>
        tpu.wait_indirect_dma semaphore(%arg9 : memref<!tpu.dma_semaphore, #tpu.memory_space<semaphore_mem>>) src(%dma_wait3A_71 : memref<10240x128xf32, #tpu.memory_space<hbm>>) dst(%dma_wait3A_65 : memref<128x128xf32, #tpu.memory_space<vmem>>)
        %dma_start3A = arith.constant 1 : i32
        %dma_start3A_72 = arith.constant 1 : i32
        %dma_start3A_73 = arith.constant 1 : i32
        %dma_start3A_74 = arith.constant 0 : i32
        %dma_start3A_75 = arith.constant 0 : i32
        %dma_start3A_76 = tpu.memref_slice %arg6[%dma_start3A, %dma_start3A_74, %dma_start3A_75] : memref<2x128x128xf32, #tpu.memory_space<vmem>> -> memref<1x128x128xf32, #tpu.memory_space<vmem>>
        %dma_start3A_77 = tpu.memref_squeeze %dma_start3A_76 : memref<1x128x128xf32, #tpu.memory_space<vmem>> -> memref<128x128xf32, #tpu.memory_space<vmem>>
        %dma_start3A_78 = arith.constant 0 : i32
        %dma_start3A_79 = tpu.memref_slice %arg5[%dma_start3A_72, %dma_start3A_73, %dma_start3A_78] : memref<2x2x128xi32, #tpu.memory_space<vmem>> -> memref<1x1x128xi32, #tpu.memory_space<vmem>>
        %dma_start3A_80 = tpu.memref_squeeze %dma_start3A_79 : memref<1x1x128xi32, #tpu.memory_space<vmem>> -> memref<128xi32, #tpu.memory_space<vmem>>
        %dma_start3A_81 = arith.constant 0 : i32
        %dma_start3A_82 = arith.constant 0 : i32
        %dma_start3A_83 = tpu.memref_slice %arg7[%dma_start3A_81, %dma_start3A_82] : memref<10240x128xf32, #tpu.memory_space<vmem_shared>> -> memref<10240x128xf32, #tpu.memory_space<vmem_shared>>
        tpu.enqueue_indirect_dma source(%dma_start3A_77 : memref<128x128xf32, #tpu.memory_space<vmem>>) target(%dma_start3A_83 : memref<10240x128xf32, #tpu.memory_space<vmem_shared>>) offsets(%dma_start3A_80 : memref<128xi32, #tpu.memory_space<vmem>>) semaphore(%arg11 : memref<!tpu.dma_semaphore, #tpu.memory_space<semaphore_mem>>) {add = true}
      } else {
      }
    }
    %ge3A_25 = arith.constant 1 : i32
    %ge3A_26 = arith.cmpi sge, %add3A_9, %ge3A_25 : i32
    %convert_element_type3A_27 = arith.extui %ge3A_26 : i1 to i32
    %cond3A_28 = arith.constant 0 : i32
    %cond3A_29 = arith.cmpi ne, %convert_element_type3A_27, %cond3A_28 : i32
    scf.if %cond3A_29 {
      %dma_wait3A = arith.constant 0 : i32
      %dma_wait3A_41 = arith.constant 0 : i32
      %dma_wait3A_42 = arith.constant 1 : i32
      %dma_wait3A_43 = arith.constant 0 : i32
      %dma_wait3A_44 = arith.constant 0 : i32
      %dma_wait3A_45 = tpu.memref_slice %arg6[%dma_wait3A, %dma_wait3A_43, %dma_wait3A_44] : memref<2x128x128xf32, #tpu.memory_space<vmem>> -> memref<1x128x128xf32, #tpu.memory_space<vmem>>
      %dma_wait3A_46 = tpu.memref_squeeze %dma_wait3A_45 : memref<1x128x128xf32, #tpu.memory_space<vmem>> -> memref<128x128xf32, #tpu.memory_space<vmem>>
      %dma_wait3A_47 = arith.constant 0 : i32
      %dma_wait3A_48 = tpu.memref_slice %arg5[%dma_wait3A_41, %dma_wait3A_42, %dma_wait3A_47] : memref<2x2x128xi32, #tpu.memory_space<vmem>> -> memref<1x1x128xi32, #tpu.memory_space<vmem>>
      %dma_wait3A_49 = tpu.memref_squeeze %dma_wait3A_48 : memref<1x1x128xi32, #tpu.memory_space<vmem>> -> memref<128xi32, #tpu.memory_space<vmem>>
      %dma_wait3A_50 = arith.constant 0 : i32
      %dma_wait3A_51 = arith.constant 0 : i32
      %dma_wait3A_52 = tpu.memref_slice %arg7[%dma_wait3A_50, %dma_wait3A_51] : memref<10240x128xf32, #tpu.memory_space<vmem_shared>> -> memref<10240x128xf32, #tpu.memory_space<vmem_shared>>
      tpu.wait_indirect_dma semaphore(%arg10 : memref<!tpu.dma_semaphore, #tpu.memory_space<semaphore_mem>>) src(%dma_wait3A_46 : memref<128x128xf32, #tpu.memory_space<vmem>>) dst(%dma_wait3A_52 : memref<10240x128xf32, #tpu.memory_space<vmem_shared>>)
    } else {
    }
    %ge3A_30 = arith.constant 2 : i32
    %ge3A_31 = arith.cmpi sge, %add3A_9, %ge3A_30 : i32
    %convert_element_type3A_32 = arith.extui %ge3A_31 : i1 to i32
    %cond3A_33 = arith.constant 0 : i32
    %cond3A_34 = arith.cmpi ne, %convert_element_type3A_32, %cond3A_33 : i32
    scf.if %cond3A_34 {
      %dma_wait3A = arith.constant 1 : i32
      %dma_wait3A_41 = arith.constant 1 : i32
      %dma_wait3A_42 = arith.constant 1 : i32
      %dma_wait3A_43 = arith.constant 0 : i32
      %dma_wait3A_44 = arith.constant 0 : i32
      %dma_wait3A_45 = tpu.memref_slice %arg6[%dma_wait3A, %dma_wait3A_43, %dma_wait3A_44] : memref<2x128x128xf32, #tpu.memory_space<vmem>> -> memref<1x128x128xf32, #tpu.memory_space<vmem>>
      %dma_wait3A_46 = tpu.memref_squeeze %dma_wait3A_45 : memref<1x128x128xf32, #tpu.memory_space<vmem>> -> memref<128x128xf32, #tpu.memory_space<vmem>>
      %dma_wait3A_47 = arith.constant 0 : i32
      %dma_wait3A_48 = tpu.memref_slice %arg5[%dma_wait3A_41, %dma_wait3A_42, %dma_wait3A_47] : memref<2x2x128xi32, #tpu.memory_space<vmem>> -> memref<1x1x128xi32, #tpu.memory_space<vmem>>
      %dma_wait3A_49 = tpu.memref_squeeze %dma_wait3A_48 : memref<1x1x128xi32, #tpu.memory_space<vmem>> -> memref<128xi32, #tpu.memory_space<vmem>>
      %dma_wait3A_50 = arith.constant 0 : i32
      %dma_wait3A_51 = arith.constant 0 : i32
      %dma_wait3A_52 = tpu.memref_slice %arg7[%dma_wait3A_50, %dma_wait3A_51] : memref<10240x128xf32, #tpu.memory_space<vmem_shared>> -> memref<10240x128xf32, #tpu.memory_space<vmem_shared>>
      tpu.wait_indirect_dma semaphore(%arg11 : memref<!tpu.dma_semaphore, #tpu.memory_space<semaphore_mem>>) src(%dma_wait3A_46 : memref<128x128xf32, #tpu.memory_space<vmem>>) dst(%dma_wait3A_52 : memref<10240x128xf32, #tpu.memory_space<vmem_shared>>)
    } else {
    }
    %barrier3A_35 = arith.constant 0 : index
    tpu.barrier barrier_id(%barrier3A_35)
    %scan3A_36 = arith.constant 0 : i32
    %scan3A_37 = arith.constant 10 : i32
    %scan3A_38 = arith.addi %scan3A_36, %scan3A_37 : i32
    %scan3A_39 = arith.constant 1 : i32
    scf.for %scan3A_41 = %scan3A_36 to %scan3A_38 step %scan3A_39  : i32 {
      %mul3A_42 = arith.constant 64 : i32
      %mul3A_43 = arith.muli %scan3A_41, %mul3A_42 : i32
      %add3A_44 = arith.addi %mul3A_2, %mul3A_43 : i32
      %run_scoped3A = arith.constant 0 : i32
      "tpu.region"() ({
        %run_scoped3A_49 = tpu.sem_alloc : memref<!tpu.dma_semaphore, #tpu.memory_space<semaphore_mem>>
        %dma_start3A = arith.constant 0 : i32
        %dma_start3A_50 = arith.constant 0 : i32
        %dma_start3A_51 = tpu.memref_slice %arg6[%run_scoped3A, %dma_start3A, %dma_start3A_50] : memref<2x128x128xf32, #tpu.memory_space<vmem>> -> memref<1x64x128xf32, #tpu.memory_space<vmem>>
        %dma_start3A_52 = tpu.memref_squeeze %dma_start3A_51 : memref<1x64x128xf32, #tpu.memory_space<vmem>> -> memref<64x128xf32, #tpu.memory_space<vmem>>
        %dma_start3A_53 = arith.constant 0 : i32
        %dma_start3A_54 = tpu.memref_slice %arg7[%add3A_44, %dma_start3A_53] : memref<10240x128xf32, #tpu.memory_space<vmem_shared>> -> memref<64x128xf32, #tpu.memory_space<vmem_shared>>
        %dma_start3A_55 = arith.constant 0 : i32
        %dma_start3A_56 = arith.constant 0 : i32
        %dma_start3A_57 = tpu.memref_slice %arg6[%run_scoped3A, %dma_start3A_55, %dma_start3A_56] : memref<2x128x128xf32, #tpu.memory_space<vmem>> -> memref<1x64x128xf32, #tpu.memory_space<vmem>>
        %dma_start3A_58 = tpu.memref_squeeze %dma_start3A_57 : memref<1x64x128xf32, #tpu.memory_space<vmem>> -> memref<64x128xf32, #tpu.memory_space<vmem>>
        %dma_start3A_59 = arith.constant 0 : i32
        %dma_start3A_60 = tpu.memref_slice %arg7[%add3A_44, %dma_start3A_59] : memref<10240x128xf32, #tpu.memory_space<vmem_shared>> -> memref<64x128xf32, #tpu.memory_space<vmem_shared>>
        tpu.enqueue_dma source(%dma_start3A_60 : memref<64x128xf32, #tpu.memory_space<vmem_shared>>) target(%dma_start3A_58 : memref<64x128xf32, #tpu.memory_space<vmem>>) target_semaphore(%run_scoped3A_49 : memref<!tpu.dma_semaphore, #tpu.memory_space<semaphore_mem>>)
        %dma_wait3A = arith.constant 0 : i32
        %dma_wait3A_61 = arith.constant 0 : i32
        %dma_wait3A_62 = tpu.memref_slice %arg6[%run_scoped3A, %dma_wait3A, %dma_wait3A_61] : memref<2x128x128xf32, #tpu.memory_space<vmem>> -> memref<1x64x128xf32, #tpu.memory_space<vmem>>
        %dma_wait3A_63 = tpu.memref_squeeze %dma_wait3A_62 : memref<1x64x128xf32, #tpu.memory_space<vmem>> -> memref<64x128xf32, #tpu.memory_space<vmem>>
        %dma_wait3A_64 = arith.constant 0 : i32
        %dma_wait3A_65 = tpu.memref_slice %arg7[%add3A_44, %dma_wait3A_64] : memref<10240x128xf32, #tpu.memory_space<vmem_shared>> -> memref<64x128xf32, #tpu.memory_space<vmem_shared>>
        %dma_wait3A_66 = arith.constant 0 : i32
        %dma_wait3A_67 = arith.constant 0 : i32
        %dma_wait3A_68 = tpu.memref_slice %arg6[%run_scoped3A, %dma_wait3A_66, %dma_wait3A_67] : memref<2x128x128xf32, #tpu.memory_space<vmem>> -> memref<1x64x128xf32, #tpu.memory_space<vmem>>
        %dma_wait3A_69 = tpu.memref_squeeze %dma_wait3A_68 : memref<1x64x128xf32, #tpu.memory_space<vmem>> -> memref<64x128xf32, #tpu.memory_space<vmem>>
        %dma_wait3A_70 = arith.constant 0 : i32
        %dma_wait3A_71 = tpu.memref_slice %arg7[%add3A_44, %dma_wait3A_70] : memref<10240x128xf32, #tpu.memory_space<vmem_shared>> -> memref<64x128xf32, #tpu.memory_space<vmem_shared>>
        tpu.wait_dma2 semaphore(%run_scoped3A_49 : memref<!tpu.dma_semaphore, #tpu.memory_space<semaphore_mem>>) src(%dma_wait3A_71 : memref<64x128xf32, #tpu.memory_space<vmem_shared>>) dst(%dma_wait3A_69 : memref<64x128xf32, #tpu.memory_space<vmem>>)
        tpu.yield
      }) : () -> ()
      %mul3A_45 = arith.constant 64 : i32
      %mul3A_46 = arith.muli %scan3A_41, %mul3A_45 : i32
      %add3A_47 = arith.addi %mul3A_2, %mul3A_46 : i32
      %run_scoped3A_48 = arith.constant 0 : i32
      "tpu.region"() ({
        %run_scoped3A_49 = tpu.sem_alloc : memref<!tpu.dma_semaphore, #tpu.memory_space<semaphore_mem>>
        %dma_start3A = arith.constant 0 : i32
        %dma_start3A_50 = arith.constant 0 : i32
        %dma_start3A_51 = tpu.memref_slice %arg6[%run_scoped3A_48, %dma_start3A, %dma_start3A_50] : memref<2x128x128xf32, #tpu.memory_space<vmem>> -> memref<1x64x128xf32, #tpu.memory_space<vmem>>
        %dma_start3A_52 = tpu.memref_squeeze %dma_start3A_51 : memref<1x64x128xf32, #tpu.memory_space<vmem>> -> memref<64x128xf32, #tpu.memory_space<vmem>>
        %dma_start3A_53 = arith.constant 0 : i32
        %dma_start3A_54 = tpu.memref_slice %arg4[%arg0, %add3A_47, %dma_start3A_53] : memref<2x10240x128xf32, #tpu.memory_space<hbm>> -> memref<1x64x128xf32, #tpu.memory_space<hbm>>
        %dma_start3A_55 = tpu.memref_squeeze %dma_start3A_54 : memref<1x64x128xf32, #tpu.memory_space<hbm>> -> memref<64x128xf32, #tpu.memory_space<hbm>>
        %dma_start3A_56 = arith.constant 0 : i32
        %dma_start3A_57 = tpu.memref_slice %arg4[%arg0, %add3A_47, %dma_start3A_56] : memref<2x10240x128xf32, #tpu.memory_space<hbm>> -> memref<1x64x128xf32, #tpu.memory_space<hbm>>
        %dma_start3A_58 = tpu.memref_squeeze %dma_start3A_57 : memref<1x64x128xf32, #tpu.memory_space<hbm>> -> memref<64x128xf32, #tpu.memory_space<hbm>>
        %dma_start3A_59 = arith.constant 0 : i32
        %dma_start3A_60 = arith.constant 0 : i32
        %dma_start3A_61 = tpu.memref_slice %arg6[%run_scoped3A_48, %dma_start3A_59, %dma_start3A_60] : memref<2x128x128xf32, #tpu.memory_space<vmem>> -> memref<1x64x128xf32, #tpu.memory_space<vmem>>
        %dma_start3A_62 = tpu.memref_squeeze %dma_start3A_61 : memref<1x64x128xf32, #tpu.memory_space<vmem>> -> memref<64x128xf32, #tpu.memory_space<vmem>>
        tpu.enqueue_dma source(%dma_start3A_62 : memref<64x128xf32, #tpu.memory_space<vmem>>) target(%dma_start3A_58 : memref<64x128xf32, #tpu.memory_space<hbm>>) target_semaphore(%run_scoped3A_49 : memref<!tpu.dma_semaphore, #tpu.memory_space<semaphore_mem>>)
        %dma_wait3A = arith.constant 0 : i32
        %dma_wait3A_63 = arith.constant 0 : i32
        %dma_wait3A_64 = tpu.memref_slice %arg6[%run_scoped3A_48, %dma_wait3A, %dma_wait3A_63] : memref<2x128x128xf32, #tpu.memory_space<vmem>> -> memref<1x64x128xf32, #tpu.memory_space<vmem>>
        %dma_wait3A_65 = tpu.memref_squeeze %dma_wait3A_64 : memref<1x64x128xf32, #tpu.memory_space<vmem>> -> memref<64x128xf32, #tpu.memory_space<vmem>>
        %dma_wait3A_66 = arith.constant 0 : i32
        %dma_wait3A_67 = tpu.memref_slice %arg4[%arg0, %add3A_47, %dma_wait3A_66] : memref<2x10240x128xf32, #tpu.memory_space<hbm>> -> memref<1x64x128xf32, #tpu.memory_space<hbm>>
        %dma_wait3A_68 = tpu.memref_squeeze %dma_wait3A_67 : memref<1x64x128xf32, #tpu.memory_space<hbm>> -> memref<64x128xf32, #tpu.memory_space<hbm>>
        %dma_wait3A_69 = arith.constant 0 : i32
        %dma_wait3A_70 = tpu.memref_slice %arg4[%arg0, %add3A_47, %dma_wait3A_69] : memref<2x10240x128xf32, #tpu.memory_space<hbm>> -> memref<1x64x128xf32, #tpu.memory_space<hbm>>
        %dma_wait3A_71 = tpu.memref_squeeze %dma_wait3A_70 : memref<1x64x128xf32, #tpu.memory_space<hbm>> -> memref<64x128xf32, #tpu.memory_space<hbm>>
        %dma_wait3A_72 = arith.constant 0 : i32
        %dma_wait3A_73 = arith.constant 0 : i32
        %dma_wait3A_74 = tpu.memref_slice %arg6[%run_scoped3A_48, %dma_wait3A_72, %dma_wait3A_73] : memref<2x128x128xf32, #tpu.memory_space<vmem>> -> memref<1x64x128xf32, #tpu.memory_space<vmem>>
        %dma_wait3A_75 = tpu.memref_squeeze %dma_wait3A_74 : memref<1x64x128xf32, #tpu.memory_space<vmem>> -> memref<64x128xf32, #tpu.memory_space<vmem>>
        tpu.wait_dma2 semaphore(%run_scoped3A_49 : memref<!tpu.dma_semaphore, #tpu.memory_space<semaphore_mem>>) src(%dma_wait3A_75 : memref<64x128xf32, #tpu.memory_space<vmem>>) dst(%dma_wait3A_71 : memref<64x128xf32, #tpu.memory_space<hbm>>)
        tpu.yield
      }) : () -> ()
    }
    %scan3A_40 = arith.constant 10 : i32
    return
  }
}

module attributes {stable_mosaic.version = 14 : i64} {
  func.func @body(%arg0: i32, %arg1: memref<1024x128xf32, #tpu.memory_space<vmem>>, %arg2: memref<128x128xf32, #tpu.memory_space<vmem>>, %arg3: memref<1024x1xf32, #tpu.memory_space<vmem>>, %arg4: memref<1024x1xf32, #tpu.memory_space<vmem>>, %arg5: memref<1024x128xf32, #tpu.memory_space<vmem>>) attributes {dimension_semantics = [#tpu.dimension_semantics<arbitrary>], iteration_bounds = array<i64: 10>, scalar_prefetch = 0 : i64, scratch_operands = 0 : i64, tpu.core_type = #tpu.core_type<tc>, window_params = [{transform_indices = @transform_0, window_bounds = array<i64: 1024, 128>}, {pipeline_mode = #tpu.pipeline_mode<synchronous>, transform_indices = @transform_1, window_bounds = array<i64: 128, 128>}, {transform_indices = @transform_2, window_bounds = array<i64: 1024, 1>}, {transform_indices = @transform_3, window_bounds = array<i64: 1024, 1>}, {transform_indices = @transform_4, window_bounds = array<i64: 1024, 128>}]} {
    %get3A = arith.constant 0 : index
    %get3A_0 = arith.constant 0 : index
    %get3A_1 = vector.load %arg3[%get3A, %get3A_0] : memref<1024x1xf32, #tpu.memory_space<vmem>>, vector<1024x1xf32>
    %get3A_2 = arith.constant 0 : index
    %get3A_3 = arith.constant 0 : index
    %get3A_4 = vector.load %arg4[%get3A_2, %get3A_3] : memref<1024x1xf32, #tpu.memory_space<vmem>>, vector<1024x1xf32>
    %add3A = arith.addf %get3A_1, %get3A_4 : vector<1024x1xf32>
    %sub3A = arith.constant 1.000000e+00 : f32
    %sub3A_5 = vector.broadcast %sub3A : f32 to vector<1024x1xf32>
    %sub3A_6 = arith.subf %add3A, %sub3A_5 : vector<1024x1xf32>
    %rsqrt3A = math.rsqrt %sub3A_6 : vector<1024x1xf32>
    %get3A_7 = arith.constant 0 : index
    %get3A_8 = arith.constant 0 : index
    %get3A_9 = vector.load %arg1[%get3A_7, %get3A_8] : memref<1024x128xf32, #tpu.memory_space<vmem>>, vector<1024x128xf32>
    %get3A_10 = arith.constant 0 : index
    %get3A_11 = arith.constant 0 : index
    %get3A_12 = vector.load %arg2[%get3A_10, %get3A_11] : memref<128x128xf32, #tpu.memory_space<vmem>>, vector<128x128xf32>
    %dot_general3A = arith.constant dense<0.000000e+00> : vector<1024x128xf32>
    %dot_general3A_13 = tpu.matmul %get3A_9, %get3A_12, %dot_general3A {dimension_numbers = #tpu.dot_dimension_numbers<[1], [0], [0], [1], [0, 0, 1, 1], [], []>, transpose_lhs_hint = false} : vector<1024x128xf32>, vector<128x128xf32>, vector<1024x128xf32> -> vector<1024x128xf32>
    %mul3A = vector.broadcast %rsqrt3A : vector<1024x1xf32> to vector<1024x128xf32>
    %mul3A_14 = arith.mulf %dot_general3A_13, %mul3A : vector<1024x128xf32>
    %swap3A = arith.constant 0 : index
    %swap3A_15 = arith.constant 0 : index
    %swap3A_16 = vector.load %arg5[%swap3A, %swap3A_15] : memref<1024x128xf32, #tpu.memory_space<vmem>>, vector<1024x128xf32>
    tpu.vector_store %arg5[%swap3A, %swap3A_15], %mul3A_14 {strides = array<i32>} : memref<1024x128xf32, #tpu.memory_space<vmem>>, vector<1024x128xf32>,
    return
  }
  func.func @transform_0(%arg0: i32) -> (i32, i32) {
    %c0_i32 = arith.constant 0 : i32
    %c0_i32_0 = arith.constant 0 : i32
    return %arg0, %c0_i32 : i32, i32
  }
  func.func @transform_1(%arg0: i32) -> (i32, i32) {
    %c0_i32 = arith.constant 0 : i32
    %c0_i32_0 = arith.constant 0 : i32
    %c0_i32_1 = arith.constant 0 : i32
    return %c0_i32, %c0_i32_0 : i32, i32
  }
  func.func @transform_2(%arg0: i32) -> (i32, i32) {
    %c0_i32 = arith.constant 0 : i32
    %c0_i32_0 = arith.constant 0 : i32
    return %arg0, %c0_i32 : i32, i32
  }
  func.func @transform_3(%arg0: i32) -> (i32, i32) {
    %c0_i32 = arith.constant 0 : i32
    %c0_i32_0 = arith.constant 0 : i32
    return %arg0, %c0_i32 : i32, i32
  }
  func.func @transform_4(%arg0: i32) -> (i32, i32) {
    %c0_i32 = arith.constant 0 : i32
    %c0_i32_0 = arith.constant 0 : i32
    return %arg0, %c0_i32 : i32, i32
  }
}

module attributes {stable_mosaic.version = 14 : i64} {
  func.func @body(%arg0: i32, %arg1: memref<1x1024x128xf32, #tpu.memory_space<vmem>>, %arg2: memref<1x1024x128xf32, #tpu.memory_space<vmem>>, %arg3: memref<1024x128xf32, #tpu.memory_space<vmem>>, %arg4: memref<1024x1xf32, #tpu.memory_space<vmem>>, %arg5: memref<1024x1xf32, #tpu.memory_space<vmem>>, %arg6: memref<128x16xf32, #tpu.memory_space<vmem>>, %arg7: memref<1x128xf32, #tpu.memory_space<vmem>>, %arg8: memref<1024x16xf32, #tpu.memory_space<vmem>>) attributes {dimension_semantics = [#tpu.dimension_semantics<arbitrary>], iteration_bounds = array<i64: 10>, scalar_prefetch = 0 : i64, scratch_operands = 0 : i64, tpu.core_type = #tpu.core_type<tc>, window_params = [{transform_indices = @transform_0, window_bounds = array<i64: 1, 1024, 128>}, {transform_indices = @transform_1, window_bounds = array<i64: 1, 1024, 128>}, {transform_indices = @transform_2, window_bounds = array<i64: 1024, 128>}, {transform_indices = @transform_3, window_bounds = array<i64: 1024, 1>}, {transform_indices = @transform_4, window_bounds = array<i64: 1024, 1>}, {pipeline_mode = #tpu.pipeline_mode<synchronous>, transform_indices = @transform_5, window_bounds = array<i64: 128, 16>}, {pipeline_mode = #tpu.pipeline_mode<synchronous>, transform_indices = @transform_6, window_bounds = array<i64: 1, 128>}, {transform_indices = @transform_7, window_bounds = array<i64: 1024, 16>}]} {
    %get3A = arith.constant 0 : index
    %get3A_0 = arith.constant 0 : index
    %get3A_1 = vector.load %arg4[%get3A, %get3A_0] : memref<1024x1xf32, #tpu.memory_space<vmem>>, vector<1024x1xf32>
    %get3A_2 = arith.constant 0 : index
    %get3A_3 = arith.constant 0 : index
    %get3A_4 = vector.load %arg5[%get3A_2, %get3A_3] : memref<1024x1xf32, #tpu.memory_space<vmem>>, vector<1024x1xf32>
    %add3A = arith.addf %get3A_1, %get3A_4 : vector<1024x1xf32>
    %sub3A = arith.constant 1.000000e+00 : f32
    %sub3A_5 = vector.broadcast %sub3A : f32 to vector<1024x1xf32>
    %sub3A_6 = arith.subf %add3A, %sub3A_5 : vector<1024x1xf32>
    %rsqrt3A = math.rsqrt %sub3A_6 : vector<1024x1xf32>
    %get3A_7 = arith.constant 0 : index
    %get3A_8 = arith.constant 0 : index
    %get3A_9 = arith.constant 0 : index
    %get3A_10 = vector.load %arg1[%get3A_7, %get3A_8, %get3A_9] : memref<1x1024x128xf32, #tpu.memory_space<vmem>>, vector<1x1024x128xf32>
    %get3A_11 = vector.shape_cast %get3A_10 : vector<1x1024x128xf32> to vector<1024x128xf32>
    %get3A_12 = arith.constant 0 : index
    %get3A_13 = arith.constant 0 : index
    %get3A_14 = arith.constant 0 : index
    %get3A_15 = vector.load %arg2[%get3A_12, %get3A_13, %get3A_14] : memref<1x1024x128xf32, #tpu.memory_space<vmem>>, vector<1x1024x128xf32>
    %get3A_16 = vector.shape_cast %get3A_15 : vector<1x1024x128xf32> to vector<1024x128xf32>
    %add3A_17 = arith.addf %get3A_11, %get3A_16 : vector<1024x128xf32>
    %get3A_18 = arith.constant 0 : index
    %get3A_19 = arith.constant 0 : index
    %get3A_20 = vector.load %arg3[%get3A_18, %get3A_19] : memref<1024x128xf32, #tpu.memory_space<vmem>>, vector<1024x128xf32>
    %sub3A_21 = arith.subf %add3A_17, %get3A_20 : vector<1024x128xf32>
    %mul3A = vector.broadcast %rsqrt3A : vector<1024x1xf32> to vector<1024x128xf32>
    %mul3A_22 = arith.mulf %sub3A_21, %mul3A : vector<1024x128xf32>
    %get3A_23 = arith.constant 0 : index
    %get3A_24 = arith.constant 0 : index
    %get3A_25 = vector.load %arg7[%get3A_23, %get3A_24] : memref<1x128xf32, #tpu.memory_space<vmem>>, vector<1x128xf32>
    %add3A_26 = vector.broadcast %get3A_25 : vector<1x128xf32> to vector<1024x128xf32>
    %add3A_27 = arith.addf %mul3A_22, %add3A_26 : vector<1024x128xf32>
    %max3A = arith.constant 0.000000e+00 : f32
    %max3A_28 = vector.broadcast %max3A : f32 to vector<1024x128xf32>
    %max3A_29 = arith.maximumf %add3A_27, %max3A_28 : vector<1024x128xf32>
    %get3A_30 = arith.constant 0 : index
    %get3A_31 = arith.constant 0 : index
    %get3A_32 = vector.load %arg6[%get3A_30, %get3A_31] : memref<128x16xf32, #tpu.memory_space<vmem>>, vector<128x16xf32>
    %dot_general3A = arith.constant dense<0.000000e+00> : vector<1024x16xf32>
    %dot_general3A_33 = tpu.matmul %max3A_29, %get3A_32, %dot_general3A {dimension_numbers = #tpu.dot_dimension_numbers<[1], [0], [0], [1], [0, 0, 1, 1], [], []>, transpose_lhs_hint = false} : vector<1024x128xf32>, vector<128x16xf32>, vector<1024x16xf32> -> vector<1024x16xf32>
    %mul3A_34 = vector.broadcast %rsqrt3A : vector<1024x1xf32> to vector<1024x16xf32>
    %mul3A_35 = arith.mulf %dot_general3A_33, %mul3A_34 : vector<1024x16xf32>
    %swap3A = arith.constant 0 : index
    %swap3A_36 = arith.constant 0 : index
    %swap3A_37 = vector.load %arg8[%swap3A, %swap3A_36] : memref<1024x16xf32, #tpu.memory_space<vmem>>, vector<1024x16xf32>
    tpu.vector_store %arg8[%swap3A, %swap3A_36], %mul3A_35 {strides = array<i32>} : memref<1024x16xf32, #tpu.memory_space<vmem>>, vector<1024x16xf32>,
    return
  }
  func.func @transform_0(%arg0: i32) -> (i32, i32, i32) {
    %c0_i32 = arith.constant 0 : i32
    %c0_i32_0 = arith.constant 0 : i32
    %c0_i32_1 = arith.constant 0 : i32
    return %c0_i32, %arg0, %c0_i32_0 : i32, i32, i32
  }
  func.func @transform_1(%arg0: i32) -> (i32, i32, i32) {
    %c1_i32 = arith.constant 1 : i32
    %c0_i32 = arith.constant 0 : i32
    %c0_i32_0 = arith.constant 0 : i32
    return %c1_i32, %arg0, %c0_i32 : i32, i32, i32
  }
  func.func @transform_2(%arg0: i32) -> (i32, i32) {
    %c0_i32 = arith.constant 0 : i32
    %c0_i32_0 = arith.constant 0 : i32
    return %arg0, %c0_i32 : i32, i32
  }
  func.func @transform_3(%arg0: i32) -> (i32, i32) {
    %c0_i32 = arith.constant 0 : i32
    %c0_i32_0 = arith.constant 0 : i32
    return %arg0, %c0_i32 : i32, i32
  }
  func.func @transform_4(%arg0: i32) -> (i32, i32) {
    %c0_i32 = arith.constant 0 : i32
    %c0_i32_0 = arith.constant 0 : i32
    return %arg0, %c0_i32 : i32, i32
  }
  func.func @transform_5(%arg0: i32) -> (i32, i32) {
    %c0_i32 = arith.constant 0 : i32
    %c0_i32_0 = arith.constant 0 : i32
    %c0_i32_1 = arith.constant 0 : i32
    return %c0_i32, %c0_i32_0 : i32, i32
  }
  func.func @transform_6(%arg0: i32) -> (i32, i32) {
    %c0_i32 = arith.constant 0 : i32
    %c0_i32_0 = arith.constant 0 : i32
    %c0_i32_1 = arith.constant 0 : i32
    return %c0_i32, %c0_i32_0 : i32, i32
  }
  func.func @transform_7(%arg0: i32) -> (i32, i32) {
    %c0_i32 = arith.constant 0 : i32
    %c0_i32_0 = arith.constant 0 : i32
    return %arg0, %c0_i32 : i32, i32
  }
}

module attributes {stable_mosaic.version = 14 : i64} {
  func.func @body(%arg0: memref<160x128xf32, #tpu.memory_space<vmem>>, %arg1: memref<160x128xf32, #tpu.memory_space<vmem>>, %arg2: memref<160x128xf32, #tpu.memory_space<vmem>>, %arg3: memref<160x128xf32, #tpu.memory_space<vmem>>, %arg4: memref<160x128xf32, #tpu.memory_space<vmem>>, %arg5: memref<160x128xf32, #tpu.memory_space<vmem>>, %arg6: memref<160x128xf32, #tpu.memory_space<vmem>>) attributes {dimension_semantics = [], scalar_prefetch = 0 : i64, scratch_operands = 0 : i64, tpu.core_type = #tpu.core_type<tc>} {
    %get3A = arith.constant 0 : index
    %get3A_0 = arith.constant 0 : index
    %get3A_1 = vector.load %arg3[%get3A, %get3A_0] : memref<160x128xf32, #tpu.memory_space<vmem>>, vector<160x128xf32>
    %get3A_2 = arith.constant 0 : index
    %get3A_3 = arith.constant 0 : index
    %get3A_4 = vector.load %arg4[%get3A_2, %get3A_3] : memref<160x128xf32, #tpu.memory_space<vmem>>, vector<160x128xf32>
    %add3A = arith.addf %get3A_1, %get3A_4 : vector<160x128xf32>
    %sub3A = arith.constant 1.000000e+00 : f32
    %sub3A_5 = vector.broadcast %sub3A : f32 to vector<160x128xf32>
    %sub3A_6 = arith.subf %add3A, %sub3A_5 : vector<160x128xf32>
    %rsqrt3A = math.rsqrt %sub3A_6 : vector<160x128xf32>
    %get3A_7 = arith.constant 0 : index
    %get3A_8 = arith.constant 0 : index
    %get3A_9 = vector.load %arg0[%get3A_7, %get3A_8] : memref<160x128xf32, #tpu.memory_space<vmem>>, vector<160x128xf32>
    %get3A_10 = arith.constant 0 : index
    %get3A_11 = arith.constant 0 : index
    %get3A_12 = vector.load %arg1[%get3A_10, %get3A_11] : memref<160x128xf32, #tpu.memory_space<vmem>>, vector<160x128xf32>
    %add3A_13 = arith.addf %get3A_9, %get3A_12 : vector<160x128xf32>
    %get3A_14 = arith.constant 0 : index
    %get3A_15 = arith.constant 0 : index
    %get3A_16 = vector.load %arg2[%get3A_14, %get3A_15] : memref<160x128xf32, #tpu.memory_space<vmem>>, vector<160x128xf32>
    %sub3A_17 = arith.subf %add3A_13, %get3A_16 : vector<160x128xf32>
    %mul3A = arith.mulf %sub3A_17, %rsqrt3A : vector<160x128xf32>
    %get3A_18 = arith.constant 0 : index
    %get3A_19 = arith.constant 0 : index
    %get3A_20 = vector.load %arg5[%get3A_18, %get3A_19] : memref<160x128xf32, #tpu.memory_space<vmem>>, vector<160x128xf32>
    %add3A_21 = arith.addf %mul3A, %get3A_20 : vector<160x128xf32>
    %swap3A = arith.constant 0 : index
    %swap3A_22 = arith.constant 0 : index
    %swap3A_23 = vector.load %arg6[%swap3A, %swap3A_22] : memref<160x128xf32, #tpu.memory_space<vmem>>, vector<160x128xf32>
    tpu.vector_store %arg6[%swap3A, %swap3A_22], %add3A_21 {strides = array<i32>} : memref<160x128xf32, #tpu.memory_space<vmem>>, vector<160x128xf32>,
    return
  }
}

</mosaic_0001>

<sc_bundles>
// kernel: kernel.11.cloned.1.call-start
scs
__scs_entry_jumppad:
0x0: {  	(pc) =	sbr.rel $0x88, $3  }
0x1: {  	(tag) =	ssettag $0x0;
	lr =	simm.s32 $0x1  }
0x2: {  	[smem:$0x3F9B] =	sst lr;
	_ =	strace $0xD0000000  }
0x3: {  	_ = 	snop  }
0x4: {  	_ = 	snop  }
0x5: {  	_ = 	snop  }
0x6: {  	_ = 	snop  }
0x7: {  	_ = 	snop  }
__scs_overlays_trampoline_lowered:
0x8: {  	[smem:$0x3FAA] =	sst s0  }
0x9: {  	[smem:$0x3FAB] =	sst s1  }
0xa: {  	[smem:$0x3FAC] =	sst s2  }
0xb: {  	[smem:$0x3FAD] =	sst s3  }
0xc: {  	[smem:$0x3FAE] =	sst s4  }
0xd: {  	[smem:$0x3FAF] =	sst s5  }
0xe: {  	[smem:$0x3FB0] =	sst s6  }
0xf: {  	[smem:$0x3FB1] =	sst s7  }
0x10: {  	[smem:$0x3FB2] =	sst s8  }
0x11: {  	[smem:$0x3FB3] =	sst s9;
	s0 =	simm.s32 @!p0 $0x0  }
0x12: {  	s1 =	sld [smem:$0x3F99];
	s0 =	simm.s32 @p0 $0x1  }
0x13: {  	[smem:$0x3FB4] =	sst s0;
	s0 =	simm.s32 @!p1 $0x0  }
0x14: {  	s2 =	sld [smem:$0x3F98];
	s0 =	simm.s32 @p1 $0x1  }
0x15: {  	[smem:$0x3FB5] =	sst s0;
	s0 =	simm.s32 @!p2 $0x0  }
0x16: {  	s3 =	sld [smem:$0x3FDB];
	s0 =	simm.s32 @p2 $0x1  }
0x17: {  	s4 =	simm.s32 $0x1BF5;
	[smem:$0x3FB7] =	sst s0  }
0x18: {  	s0 =	sld [smem:$0x3F9A];
	_ =	swait.ge [sflag:s4], $0x0  }
0x19: {  	s7 =	sld [smem:$0x3F9B]  }
0x1a: {  	s8 =	sadd.s32 $0xFFFFE003, lr  }
0x1b: {  	s9 =	sadd.s32 $0xFFFFFEF7, lr;
	s5 =	simm.s32 $0xFFFFFFFF;
	p2 =	slt.u32 s8, $0xFFFFF086  }
0x1c: {  	p1 =	slt.u32 s9, $0xF7A;
	s5 =	simm.s32 @!p2 $0x0  }
0x1d: {  	s5 =	simm.s32 @p1 $0x1;
	p0 =	seq.s32 s7, s2  }
0x1e: {  	s7 =	smul.u32 @!p0 $0xF7A, s2;
	p2 =	seq.s32 @!p0 s5, $0x0  }
0x1f: {  	s9 =	smul.u32 $0xF7A, s1;
	s8 =	simm.s32 @!p0 $0x1BF5;
	p2 =	por !p2, p0  }
0x20: {  	[sflag:s8] =	ssyncset.s32 @!p0 $0xFFFFF086;
	s6 =	sadd.s32 @!p0 s3, s7;
	s7 =	simm.s32 @!p0 $0x108  }
0x21: {  	s3 =	sadd.s32 s3, s9;
	s6 =	sadd.s32 @!p0 $0x88, s6;
	s7 =	simm.s32 @p2 $0x1082  }
0x22: {  	[simem:s7], [sflag:s8] =	dma.local @!p0 [hbm:s6], $0xF7A  }
0x23: {  	s9 =	sor.u32 $0xD0000000, s2;
	s6 =	simm.s32 $0x108;
	_ =	swait.ge @!p0 [sflag:s8], $0x0  }
0x24: {  	s3 =	sadd.s32 $0x88, s3;
	s6 =	simm.s32 @!p1 $0x1082;
	[sflag:s4] =	ssyncset.s32 $0xFFFFF086  }
0x25: {  	[simem:s6], [sflag:s4] =	dma.local [hbm:s3], $0xF7A  }
0x26: {  	[smem:$0x3F9B] =	sst s1;
	(tag) =	ssettag s2;
	_ =	strace s9  }
0x27: {  	s1 =	sld [smem:$0x3FAB]  }
0x28: {  	s2 =	sld [smem:$0x3FAC]  }
0x29: {  	s4 =	sld [smem:$0x3FAE]  }
0x2a: {  	p0 =	seq.s32 s5, $0x0;
	s5 =	sld [smem:$0x3FAF]  }
0x2b: {  	s6 =	sld [smem:$0x3FB0]  }
0x2c: {  	s7 =	sld [smem:$0x3FB1]  }
0x2d: {  	s3 =	simm.s32 $0x108;
	s8 =	sld [smem:$0x3FB2]  }
0x2e: {  	s3 =	simm.s32 @!p0 $0x1082;
	s9 =	sld [smem:$0x3FB3]  }
0x2f: {  	lr =	sadd.s32 s0, s3;
	s0 =	sld [smem:$0x3FAA]  }
0x30: {  	s3 =	sld [smem:$0x3FAD]  }
0x31: {  	[smem:$0x3FB6] =	sst s10  }
0x32: {  	s10 =	sld [smem:$0x3FB4];
	_ =	sdelay $0x3  }
0x33: {  	p0 =	seq.s32 s10, $0x1;
	s10 =	sld [smem:$0x3FB6];
	_ =	sdelay $0x3  }
0x34: {  	[smem:$0x3FB6] =	sst s10  }
0x35: {  	s10 =	sld [smem:$0x3FB5];
	_ =	sdelay $0x3  }
0x36: {  	p1 =	seq.s32 s10, $0x1;
	s10 =	sld [smem:$0x3FB6];
	_ =	sdelay $0x3  }
0x37: {  	[smem:$0x3FB6] =	sst s10  }
0x38: {  	s10 =	sld [smem:$0x3FB7]  }
0x39: {  	_ = 	snop;
	(pc) =	sbr.ind lr, $3  }
0x3a: {  	_ = 	snop  }
0x3b: {  	_ = 	snop  }
0x3c: {  	p2 =	seq.s32 s10, $0x1;
	s10 =	sld [smem:$0x3FB6]  }
0x3d: {  	_ =	shalt  }
0x3e: {  	_ =	shalt  }
0x3f: {  	_ =	shalt  }
0x40: {  	_ =	shalt  }
0x41: {  	_ =	shalt  }
0x42: {  	_ =	shalt  }
0x43: {  	_ =	shalt  }
0x44: {  	_ =	shalt  }
0x45: {  	_ =	shalt  }
0x46: {  	_ =	shalt  }
0x47: {  	_ =	shalt  }
0x48: {  	_ =	shalt  }
0x49: {  	_ =	shalt  }
0x4a: {  	_ =	shalt  }
0x4b: {  	_ =	shalt  }
0x4c: {  	_ =	shalt  }
0x4d: {  	_ =	shalt  }
0x4e: {  	_ =	shalt  }
0x4f: {  	_ =	shalt  }
0x50: {  	_ =	shalt  }
0x51: {  	_ =	shalt  }
0x52: {  	_ =	shalt  }
0x53: {  	_ =	shalt  }
0x54: {  	_ =	shalt  }
0x55: {  	_ =	shalt  }
0x56: {  	_ =	shalt  }
0x57: {  	_ =	shalt  }
0x58: {  	_ =	shalt  }
0x59: {  	_ =	shalt  }
0x5a: {  	_ =	shalt  }
0x5b: {  	_ =	shalt  }
0x5c: {  	_ =	shalt  }
0x5d: {  	_ =	shalt  }
0x5e: {  	_ =	shalt  }
0x5f: {  	_ =	shalt  }
0x60: {  	_ =	shalt  }
0x61: {  	_ =	shalt  }
0x62: {  	_ =	shalt  }
0x63: {  	_ =	shalt  }
0x64: {  	_ =	shalt  }
0x65: {  	_ =	shalt  }
0x66: {  	_ =	shalt  }
0x67: {  	_ =	shalt  }
0x68: {  	_ =	shalt  }
0x69: {  	_ =	shalt  }
0x6a: {  	_ =	shalt  }
0x6b: {  	_ =	shalt  }
0x6c: {  	_ =	shalt  }
0x6d: {  	_ =	shalt  }
0x6e: {  	_ =	shalt  }
0x6f: {  	_ =	shalt  }
0x70: {  	_ =	shalt  }
0x71: {  	_ =	shalt  }
0x72: {  	_ =	shalt  }
0x73: {  	_ =	shalt  }
0x74: {  	_ =	shalt  }
0x75: {  	_ =	shalt  }
0x76: {  	_ =	shalt  }
0x77: {  	_ =	shalt  }
0x78: {  	_ =	shalt  }
0x79: {  	_ =	shalt  }
0x7a: {  	_ =	shalt  }
0x7b: {  	_ =	shalt  }
0x7c: {  	_ =	shalt  }
0x7d: {  	_ =	shalt  }
0x7e: {  	_ =	shalt  }
0x7f: {  	_ =	shalt  }
0x80: {  	_ =	shalt  }
0x81: {  	_ =	shalt  }
0x82: {  	_ =	shalt  }
0x83: {  	_ =	shalt  }
0x84: {  	_ =	shalt  }
0x85: {  	_ =	shalt  }
0x86: {  	_ =	shalt  }
0x87: {  	_ =	shalt  }
.Lfunc_end0:
.L_simem_size_0:
called_computation.1_lowered:
.L_overlay_start_0:
0x88: {  	s2 =	sld [smem:$0x3FD9]  }
0x89: {  	s3 =	sld [smem:$0x3FFE];
	_ =	sdelay $0x1  }
0x8a: {  	s1 =	srdreg.scid  }
0x8b: {  	s0 =	sand.u32 $0x1, s1  }
0x8c: {  	s17 =	sshll.u32 s0, $0xA;
	s2 =	sadd.s32 s3, s2  }
0x8d: {  	s2 =	sadd.s32 s2, s17  }
0x8e: {  	[smem:$0x3FC2] =	sst s2  }
0x8f: {  	_ = 	snop  }
0x90: {  	s2 =	sld [smem:$0x3FC8];
	(tm) =	ssettm $0x1  }
0x91: {  	s18 =	sld [smem:$0x3FFB];
	_ =	sdelay $0x3  }
0x92: {  	_ =	strace s18  }
0x93: {  	s3 =	sld [smem:$0x3FFC];
	_ =	sdelay $0x3  }
0x94: {  	_ =	strace s3  }
0x95: {  	s3 =	sld [smem:$0x3FFD];
	_ =	sdelay $0x3  }
0x96: {  	_ =	strace s3  }
0x97: {  	_ =	strace $0x8FFFFFFF  }
0x98: {  	s19 =	sld [smem:$0x3FDB];
	_ =	sdelay $0x1  }
0x99: {  	s4 =	simm.s32 $_scs_section_size  }
0x9a: {  	s5 =	simm.s32 $_size__tile_overlayer_lowered;
	s6 =	simm.s32 $_tile_overlayer_lowered  }
0x9b: {  	s22 =	simm.s32 $0x1BFF;
	s21 =	sshll.u32 s6, $0x1;
	s3 =	sadd.s32 s4, s19  }
0x9c: {  	s7 =	simm.s32 $0x0;
	s20 =	sshll.u32 s5, $0x1;
	s5 =	sadd.s32 s21, s3  }
0x9d: {  	[timem:s7], [sflag:s22] =	dma.local [hbm:s5], s20  }
0x9e: {  	_ =	swait.ge [sflag:s22], s20  }
0x9f: {  	s4 =	ssub.s32 $0x0, s20;
	[sflag:s22] =	ssyncset.done $0x0  }
0xa0: {  	[sflag:s22] =	ssyncadd.s32 s4;
	_ =	sdelay $0x1  }
0xa1: {  	s23 =	simm.s32 $0x1B8B  }
0xa2: {  	_ =	swait.ge [sflag:s23], $0x1  }
0xa3: {  	[sflag:s23] =	ssyncset.done $0x0  }
0xa4: {  	s25 =	simm.s32 $0x1B8E;
	s24 =	sld [smem:$0x3FFE];
	[sflag:s23] =	ssyncadd.s32 $0xFFFFFFFF  }
0xa5: {  	s26 =	simm.s32 $execute0_lowered;
	[smem:$0x3FD2] =	sst s25  }
0xa6: {  	s5 =	sshll.u32 s26, $0x1;
	_ =	strace $0x80000049;
	[dreg:$0x1] =	wrdreg $0xFFFFFFFF  }
0xa7: {  	s28 =	simm.s32 $_size_execute0_lowered;
	s3 =	sadd.s32 s3, s5;
	[dreg:$0x0] =	wrdreg $0x0  }
0xa8: {  	s5 =	sshll.u32 s28, $0x1;
	[dreg:$0x2] =	wrdreg s3  }
0xa9: {  	[dreg:$0x3] =	wrdreg s5  }
0xaa: {  	[dreg:$0x4] =	wrdreg $0xC0  }
0xab: {  	_ =	task [dreg:s7], $0x5FFFF  }
0xac: {  	[dreg:$0x1] =	wrdreg $0xFFFFFFFF  }
0xad: {  	[dreg:$0x0] =	wrdreg $0x60  }
0xae: {  	[dreg:$0x2] =	wrdreg s2  }
0xaf: {  	[dreg:$0x3] =	wrdreg s24  }
0xb0: {  	[dreg:$0x4] =	wrdreg $0x82000  }
0xb1: {  	[dreg:$0x5] =	wrdreg $0x9  }
0xb2: {  	_ =	task.clear_ibuf [dreg:s7], $0x6FFFF;
	_ =	strace $0x90000049  }
0xb3: {  	s29 =	simm.s32 $0x9;
	_ =	strace $0x8000004B  }
0xb4: {  	_ =	swait.ge [sflag:s29], $0x1  }
0xb5: {  	[sflag:s29] =	ssyncadd.s32 $0xFFFFFFFF  }
0xb6: {  	_ =	strace $0x9000004B  }
0xb7: {  	_ =	sfence  }
0xb8: {  	s30 =	sld [smem:$0x0];
	_ =	sdelay $0x2  }
0xb9: {  	s31 =	sshll.u32 s1, $0xD;
	s1 =	sshrl.u32 s1, $0x2  }
0xba: {  	s3 =	sand.u32 $0x4000, s31;
	s1 =	sadd.s32 s1, s30  }
0xbb: {  	s0 =	sor.u32 s3, s0;
	s1 =	sshll.u32 s1, $0x11  }
0xbc: {  	s0 =	sor.u32 s1, s0  }
0xbd: {  	s0 =	sadd.s32 $0x8F2B, s0  }
0xbe: {  	[sflag:s0] =	ssyncadd.remote.s32 $0x1  }
0xbf: {  	_ =	sfence.sel $0xFFFF  }
0xc0: {  	[dreg:$0x0] =	wrdreg $0xFFFFFFFF;
	(pc) =	sbr.abs _section_cstart, $3  }
0xc1: {  	[dreg:$0x1] =	wrdreg $0xFFFFFFFF  }
0xc2: {  	_ =	task.clear_ibuf [dreg:s7], $0x2FFFF;
	_ =	strace $0x9FFFFFFF  }
0xc3: {  	(tm) =	ssettm $0x7FFFFFFF  }
tec
execute0_lowered:
.L_overlay_start_1:
0x0: {  	(tag) =	ssettag $0x1  }
0x1: {  	s1 =	srdreg.scid  }
0x2: {  	s0 =	rddreg [dreg:$0x1];
	s26 =	stileid.u32  }
0x3: {  	s3 =	sand.u32 $0x1, s1;
	s1 =	simm.s32 $0x0;
	s11 =	smul.u32 $0x280, s26  }
0x4: {  	s16 =	sadd.s32 $0x29600, s0;
	s23 =	smul.u32 $0x14000, s26;
	s2 =	sshll.u32 s3, $0x4  }
0x5: {  	[smem:$0x7FF] =	sst s1;
	s4 =	ssub.s32 $0x2, s3;
	s13 =	smul.u32 $0x140000, s3  }
0x6: {  	s5 =	sor.u32 s26, s2;
	s21 =	sshrl.u32 s4, $0x1;
	s15 =	sadd.s32 $0x80, s11  }
0x7: {  	s8 =	sadd.s32 $0xC0, s11;
	s14 =	sadd.s32 $0x100, s11;
	s10 =	sadd.s32 $0x180, s11  }
0x8: {  	s3 =	sadd.s32 $0x1C0, s11;
	s7 =	smul.u32 $0x4E, s5;
	s6 =	ssub.s32 s4, s21  }
0x9: {  	s22 =	smin.u32 s5, $0x4;
	p0 =	slt.u32 s5, $0x4;
	s21 =	sor.u32 $0x40, s11  }
0xa: {  	s20 =	sshll.u32 s15, $0x7;
	s12 =	sshll.u32 s8, $0x7;
	s4 =	sadd.s32 $0x140, s11  }
0xb: {  	s19 =	sshll.u32 s14, $0x7;
	s24 =	sadd.s32 s13, s23;
	s5 =	sadd.s32 $0x200, s11  }
0xc: {  	s8 =	sshll.u32 s8, $0x4;
	s31 =	sshll.u32 s4, $0x7;
	s18 =	sshrl.u32 s24, $0x3  }
0xd: {  	s28 =	sadd.s32 s13, s20;
	s30 =	sadd.s32 s13, s12;
	s6 =	smax.u32 s6, $0x1  }
0xe: {  	s2 =	sadd.s32 s22, s7;
	s22 =	sshll.u32 s21, $0x7;
	s7 =	sadd.s32 $0x240, s11  }
0xf: {  	s9 =	sadd.s32 s16, s18;
	s11 =	sshrl.u32 s28, $0x3;
	s24 =	sadd.s32 s13, s31  }
0x10: {  	s17 =	sadd.s32 s13, s22;
	[dreg:$0x4] =	wrdreg s9;
	s9 =	sadd.s32 s13, s19  }
0x11: {  	s11 =	sadd.s32 s16, s11;
	s17 =	sshrl.u32 s17, $0x3;
	s18 =	sshrl.u32 s9, $0x3  }
0x12: {  	[dreg:$0x6] =	wrdreg s11;
	s11 =	sshrl.u32 s24, $0x3;
	s25 =	sadd.s32 s16, s17  }
0x13: {  	s17 =	sshrl.u32 s30, $0x3;
	s23 =	sadd.s32 s16, s18;
	[dreg:$0x5] =	wrdreg s25  }
0x14: {  	s24 =	sadd.s32 s16, s11;
	[dreg:$0x8] =	wrdreg s23;
	s23 =	sshll.u32 s10, $0x7  }
0x15: {  	s17 =	sadd.s32 s16, s17;
	s25 =	sshll.u32 s3, $0x7;
	s28 =	sadd.s32 s13, s23  }
0x16: {  	[dreg:$0x9] =	wrdreg s24;
	s30 =	sadd.s32 s13, s25;
	s28 =	sshrl.u32 s28, $0x3  }
0x17: {  	[dreg:$0x7] =	wrdreg s17;
	s30 =	sshrl.u32 s30, $0x3;
	s11 =	sadd.s32 s16, s28  }
0x18: {  	s9 =	sshll.u32 s7, $0x7;
	s18 =	sadd.s32 s16, s30;
	[dreg:$0xa] =	wrdreg s11  }
0x19: {  	s3 =	sshll.u32 s3, $0x4;
	s28 =	sshll.u32 s5, $0x7;
	[dreg:$0xb] =	wrdreg s18  }
0x1a: {  	s30 =	sadd.s32 s13, s9;
	s5 =	sshll.u32 s5, $0x4;
	s11 =	rddreg [dreg:$0x0]  }
0x1b: {  	s24 =	sadd.s32 s13, s28;
	s18 =	sshrl.u32 s30, $0x3;
	s30 =	smul.u32 $0x2800, s26  }
0x1c: {  	s13 =	rddreg [dreg:$0x2];
	s17 =	sshrl.u32 s24, $0x3;
	s24 =	smul.u32 $0x50000, s26  }
0x1d: {  	s22 =	sadd.s32 s22, s13;
	s29 =	sadd.s32 s19, s13;
	s19 =	sshll.u32 s4, $0x4  }
0x1e: {  	s31 =	sadd.s32 s31, s13;
	s4 =	sadd.s32 s25, s13;
	s17 =	sadd.s32 s16, s17  }
0x1f: {  	s25 =	sshll.u32 s7, $0x4;
	s16 =	sadd.s32 s16, s18;
	[dreg:$0xc] =	wrdreg s17  }
0x20: {  	s9 =	sadd.s32 s9, s13;
	[dreg:$0xd] =	wrdreg s16;
	s24 =	sshrl.u32 s24, $0x2  }
0x21: {  	s16 =	simm.s32 $0x4F;
	s17 =	sadd.s32 $0x1600, s0;
	_ =	strace $0x8000004A  }
0x22: {  	s16 =	simm.s32 @!p0 $0x4E;
	s18 =	sadd.s32 s24, s13;
	[dreg:$0xe] =	wrdreg s6  }
0x23: {  	s26 =	sadd.s32 s17, s30;
	s30 =	sshll.u32 s21, $0x4;
	s6 =	sshll.u32 s15, $0x4  }
0x24: {  	s24 =	sadd.s32 s20, s13;
	s3 =	sadd.s32 s17, s3;
	[dreg:$0xf] =	wrdreg s26  }
0x25: {  	s15 =	sshll.u32 s14, $0x4;
	s21 =	sadd.s32 s17, s5;
	[dreg:$0x16] =	wrdreg s3  }
0x26: {  	s20 =	sshll.u32 s10, $0x4;
	s0 =	sadd.s32 s17, s30;
	[dreg:$0x17] =	wrdreg s21  }
0x27: {  	s14 =	simm.s32 $0x200;
	[dreg:$0x10] =	wrdreg s0;
	s0 =	sadd.s32 s17, s6  }
0x28: {  	s26 =	sadd.s32 s12, s13;
	[dreg:$0x11] =	wrdreg s0;
	s0 =	sadd.s32 s17, s8  }
0x29: {  	s21 =	simm.s32 $0x3;
	[dreg:$0x12] =	wrdreg s0;
	s0 =	sadd.s32 s17, s15  }
0x2a: {  	s6 =	sadd.s32 s28, s13;
	[dreg:$0x13] =	wrdreg s0;
	s0 =	sadd.s32 s17, s19  }
0x2b: {  	s8 =	sadd.s32 s17, s25;
	[dreg:$0x14] =	wrdreg s0;
	s0 =	sadd.s32 s17, s20  }
0x2c: {  	[dreg:$0x15] =	wrdreg s0;
	s0 =	sadd.s32 s23, s13;
	s23 =	sshll.u32 s2, $0x5  }
0x2d: {  	s25 =	simm.s32 $0x0;
	s15 =	simm.s32 $0x5;
	s28 =	sadd.s32 $0x20, s23  }
0x2e: {  	s19 =	simm.s32 $0x80;
	s20 =	simm.s32 $0x100;
	s30 =	sand.u32 $0x1FFFFFE0, s28  }
0x2f: {  	s7 =	sadd.s32 s11, s23;
	s23 =	simm.s32 $0x4;
	s10 =	sadd.s32 s11, s30  }
.LBB2_1:
0x30: {  	s3 =	rddreg [dreg:$0xf]  }
0x31: {  	[tilespmem:s14], [sflag:$0x5] =	stream.linear.gather [hbm4b:s3+s1], $0x2000, $0x38;
	[tilespmem:$0x1C200] =	vst v63  }
0x32: {  	_ =	swait.ge [sflag:s15], $0x2000  }
0x33: {  	[sflag:s15] =	ssyncset.done $0x0  }
0x34: {  	[sflag:s15] =	ssyncadd.s32 $0xFFFFE000  }
0x35: {  	[spmem:s18] =	stream.linear.scatter [tilespmem:s14], [sflag:$0x5], $0x2000, $0x38;
	[tilespmem:$0x1C200] =	vst v63  }
0x36: {  	_ =	swait.ge [sflag:s15], $0x2000  }
0x37: {  	[sflag:s15] =	ssyncset.done $0x0  }
0x38: {  	s5 =	rddreg [dreg:$0x10];
	[sflag:s15] =	ssyncadd.s32 $0xFFFFE000  }
0x39: {  	[tilespmem:s14], [sflag:$0x5] =	stream.linear.gather [hbm4b:s5+s1], $0x2000, $0x38;
	[tilespmem:$0x1C200] =	vst v63  }
0x3a: {  	_ =	swait.ge [sflag:s15], $0x2000  }
0x3b: {  	[sflag:s15] =	ssyncset.done $0x0  }
0x3c: {  	[sflag:s15] =	ssyncadd.s32 $0xFFFFE000  }
0x3d: {  	[spmem:s22] =	stream.linear.scatter [tilespmem:s14], [sflag:$0x5], $0x2000, $0x38;
	[tilespmem:$0x1C200] =	vst v63  }
0x3e: {  	_ =	swait.ge [sflag:s15], $0x2000  }
0x3f: {  	[sflag:s15] =	ssyncset.done $0x0  }
0x40: {  	s12 =	rddreg [dreg:$0x11];
	[sflag:s15] =	ssyncadd.s32 $0xFFFFE000  }
0x41: {  	[tilespmem:s14], [sflag:$0x5] =	stream.linear.gather [hbm4b:s12+s1], $0x2000, $0x38;
	[tilespmem:$0x1C200] =	vst v63  }
0x42: {  	_ =	swait.ge [sflag:s15], $0x2000  }
0x43: {  	[sflag:s15] =	ssyncset.done $0x0  }
0x44: {  	[sflag:s15] =	ssyncadd.s32 $0xFFFFE000  }
0x45: {  	[spmem:s24] =	stream.linear.scatter [tilespmem:s14], [sflag:$0x5], $0x2000, $0x38;
	[tilespmem:$0x1C200] =	vst v63  }
0x46: {  	_ =	swait.ge [sflag:s15], $0x2000  }
0x47: {  	[sflag:s15] =	ssyncset.done $0x0  }
0x48: {  	s30 =	rddreg [dreg:$0x12];
	[sflag:s15] =	ssyncadd.s32 $0xFFFFE000  }
0x49: {  	[tilespmem:s14], [sflag:$0x5] =	stream.linear.gather [hbm4b:s30+s1], $0x2000, $0x38;
	[tilespmem:$0x1C200] =	vst v63  }
0x4a: {  	_ =	swait.ge [sflag:s15], $0x2000  }
0x4b: {  	[sflag:s15] =	ssyncset.done $0x0  }
0x4c: {  	[sflag:s15] =	ssyncadd.s32 $0xFFFFE000  }
0x4d: {  	[spmem:s26] =	stream.linear.scatter [tilespmem:s14], [sflag:$0x5], $0x2000, $0x38;
	[tilespmem:$0x1C200] =	vst v63  }
0x4e: {  	_ =	swait.ge [sflag:s15], $0x2000  }
0x4f: {  	[sflag:s15] =	ssyncset.done $0x0  }
0x50: {  	s5 =	rddreg [dreg:$0x13];
	[sflag:s15] =	ssyncadd.s32 $0xFFFFE000  }
0x51: {  	[tilespmem:s14], [sflag:$0x5] =	stream.linear.gather [hbm4b:s5+s1], $0x2000, $0x38;
	[tilespmem:$0x1C200] =	vst v63  }
0x52: {  	_ =	swait.ge [sflag:s15], $0x2000  }
0x53: {  	[sflag:s15] =	ssyncset.done $0x0  }
0x54: {  	[sflag:s15] =	ssyncadd.s32 $0xFFFFE000  }
0x55: {  	[spmem:s29] =	stream.linear.scatter [tilespmem:s14], [sflag:$0x5], $0x2000, $0x38;
	[tilespmem:$0x1C200] =	vst v63  }
0x56: {  	_ =	swait.ge [sflag:s15], $0x2000  }
0x57: {  	[sflag:s15] =	ssyncset.done $0x0  }
0x58: {  	s12 =	rddreg [dreg:$0x14];
	[sflag:s15] =	ssyncadd.s32 $0xFFFFE000  }
0x59: {  	[tilespmem:s14], [sflag:$0x5] =	stream.linear.gather [hbm4b:s12+s1], $0x2000, $0x38;
	[tilespmem:$0x1C200] =	vst v63  }
0x5a: {  	_ =	swait.ge [sflag:s15], $0x2000  }
0x5b: {  	[sflag:s15] =	ssyncset.done $0x0  }
0x5c: {  	[sflag:s15] =	ssyncadd.s32 $0xFFFFE000  }
0x5d: {  	[spmem:s31] =	stream.linear.scatter [tilespmem:s14], [sflag:$0x5], $0x2000, $0x38;
	[tilespmem:$0x1C200] =	vst v63  }
0x5e: {  	_ =	swait.ge [sflag:s15], $0x2000  }
0x5f: {  	[sflag:s15] =	ssyncset.done $0x0  }
0x60: {  	s30 =	rddreg [dreg:$0x15];
	[sflag:s15] =	ssyncadd.s32 $0xFFFFE000  }
0x61: {  	[tilespmem:s14], [sflag:$0x5] =	stream.linear.gather [hbm4b:s30+s1], $0x2000, $0x38;
	[tilespmem:$0x1C200] =	vst v63  }
0x62: {  	_ =	swait.ge [sflag:s15], $0x2000  }
0x63: {  	[sflag:s15] =	ssyncset.done $0x0  }
0x64: {  	[sflag:s15] =	ssyncadd.s32 $0xFFFFE000  }
0x65: {  	[spmem:s0] =	stream.linear.scatter [tilespmem:s14], [sflag:$0x5], $0x2000, $0x38;
	[tilespmem:$0x1C200] =	vst v63  }
0x66: {  	_ =	swait.ge [sflag:s15], $0x2000  }
0x67: {  	[sflag:s15] =	ssyncset.done $0x0  }
0x68: {  	s5 =	rddreg [dreg:$0x16];
	[sflag:s15] =	ssyncadd.s32 $0xFFFFE000  }
0x69: {  	[tilespmem:s14], [sflag:$0x5] =	stream.linear.gather [hbm4b:s5+s1], $0x2000, $0x38;
	[tilespmem:$0x1C200] =	vst v63  }
0x6a: {  	_ =	swait.ge [sflag:s15], $0x2000  }
0x6b: {  	[sflag:s15] =	ssyncset.done $0x0  }
0x6c: {  	[sflag:s15] =	ssyncadd.s32 $0xFFFFE000  }
0x6d: {  	[spmem:s4] =	stream.linear.scatter [tilespmem:s14], [sflag:$0x5], $0x2000, $0x38;
	[tilespmem:$0x1C200] =	vst v63  }
0x6e: {  	_ =	swait.ge [sflag:s15], $0x2000  }
0x6f: {  	[sflag:s15] =	ssyncset.done $0x0  }
0x70: {  	s12 =	rddreg [dreg:$0x17];
	[sflag:s15] =	ssyncadd.s32 $0xFFFFE000  }
0x71: {  	[tilespmem:s14], [sflag:$0x5] =	stream.linear.gather [hbm4b:s12+s1], $0x2000, $0x38;
	[tilespmem:$0x1C200] =	vst v63  }
0x72: {  	_ =	swait.ge [sflag:s15], $0x2000  }
0x73: {  	[sflag:s15] =	ssyncset.done $0x0  }
0x74: {  	[sflag:s15] =	ssyncadd.s32 $0xFFFFE000  }
0x75: {  	[spmem:s6] =	stream.linear.scatter [tilespmem:s14], [sflag:$0x5], $0x2000, $0x38;
	[tilespmem:$0x1C200] =	vst v63  }
0x76: {  	_ =	swait.ge [sflag:s15], $0x2000  }
0x77: {  	[sflag:s15] =	ssyncset.done $0x0  }
0x78: {  	[sflag:s15] =	ssyncadd.s32 $0xFFFFE000  }
0x79: {  	[tilespmem:s14], [sflag:$0x5] =	stream.linear.gather [hbm4b:s8+s1], $0x2000, $0x38;
	[tilespmem:$0x1C200] =	vst v63  }
0x7a: {  	_ =	swait.ge [sflag:s15], $0x2000  }
0x7b: {  	[sflag:s15] =	ssyncset.done $0x0  }
0x7c: {  	[sflag:s15] =	ssyncadd.s32 $0xFFFFE000  }
0x7d: {  	[spmem:s9] =	stream.linear.scatter [tilespmem:s14], [sflag:$0x5], $0x2000, $0x38;
	[tilespmem:$0x1C200] =	vst v63  }
0x7e: {  	_ =	swait.ge [sflag:s15], $0x2000  }
0x7f: {  	[sflag:s15] =	ssyncset.done $0x0  }
0x80: {  	[sflag:s15] =	ssyncadd.s32 $0xFFFFE000  }
0x81: {  	[bflag:$0x0] =	sbarrier.arrive $0xFFFF  }
0x82: {  	[tilespmem:s1], [sflag:$0x5] =	stream.linear.gather [hbm4b:s7+s1], $0x100, $0x38;
	[tilespmem:$0x1C200] =	vst v63  }
0x83: {  	_ =	swait.ge [sflag:s15], $0x100  }
0x84: {  	[sflag:s15] =	ssyncset.done $0x0  }
0x85: {  	[sflag:s15] =	ssyncadd.s32 $0xFFFFFF00  }
0x86: {  	[tilespmem:s14], [sflag:$0x1] =	stream.indirect.gather [hbm4b:s17+s19], $0x80, s1, s19, $0xb8;
	[tilespmem:$0x1C200] =	vst v63  }
0x87: {  	_ = 	snop  }
0x88: {  	[tilespmem:s20], [sflag:$0x5] =	stream.linear.gather [hbm4b:s10+s1], $0x100, $0x38;
	[tilespmem:$0x1C200] =	vst v63  }
0x89: {  	_ =	swait.ge [sflag:s15], $0x100  }
0x8a: {  	[sflag:s15] =	ssyncset.done $0x0  }
0x8b: {  	s28 =	simm.s32 $0x1;
	s30 =	simm.s32 $0x4200;
	[sflag:s15] =	ssyncadd.s32 $0xFFFFFF00  }
0x8c: {  	[tilespmem:s30], [sflag:$0x2] =	stream.indirect.gather [hbm4b:s17+s19], $0x80, s20, s19, $0xb8;
	[tilespmem:$0x1C200] =	vst v63  }
0x8d: {  	_ =	swait.ge [sflag:s28], $0x4000  }
0x8e: {  	[sflag:s28] =	ssyncset.done $0x0  }
0x8f: {  	[sflag:s28] =	ssyncadd.s32 $0xFFFFC000  }
0x90: {  	[spmem:s13] =	stream.indirect.scatter.add.f32 [tilespmem:s14], [sflag:$0x3], $0x80, s19, s19, $0xb8;
	[tilespmem:$0x1C200] =	vst v63  }
.LBB2_2:
0x91: {  	s30 =	sand.u32 $0x1, s28  }
0x92: {  	p0 =	seq.s32 s30, $0x1  }
0x93: {  	s30 =	sadd.s32 @p0 $0x1, s28  }
0x94: {  	p1 =	sge.u32 @p0 s30, s16  }
0x95: {  	p1 =	por p1, !p0  }
0x96: {  	s12 =	simm.s32 @!p1 $0x3;
	s3 =	sadd.s32 @!p1 s2, s30  }
0x97: {  	_ =	swait.ge @!p1 [sflag:s12], $0x4000;
	s3 =	sshll.u32 @!p1 s3, $0x5  }
0x98: {  	[sflag:s12] =	ssyncset.done @!p1 $0x0;
	s3 =	sand.u32 @!p1 $0x1FFFFFE0, s3  }
0x99: {  	[sflag:s12] =	ssyncadd.s32 @!p1 $0xFFFFC000;
	s3 =	sadd.s32 @!p1 s11, s3;
	s12 =	simm.s32 @!p1 $0x0  }
0x9a: {  	[tilespmem:s12], [sflag:$0x5] =	stream.linear.gather @!p1 [hbm4b:s3+s12], $0x100, $0x38;
	[tilespmem:$0x1C200] =	vst v63  }
0x9b: {  	s3 =	simm.s32 @!p1 $0x5  }
0x9c: {  	_ =	swait.ge @!p1 [sflag:s3], $0x100  }
0x9d: {  	[sflag:s3] =	ssyncset.done @!p1 $0x0  }
0x9e: {  	s5 =	simm.s32 @!p1 $0x200;
	[sflag:s3] =	ssyncadd.s32 @!p1 $0xFFFFFF00;
	s3 =	simm.s32 @!p1 $0x80  }
0x9f: {  	[tilespmem:s5], [sflag:$0x1] =	stream.indirect.gather @!p1 [hbm4b:s17+s3], $0x80, s12, s3, $0xb8;
	[tilespmem:$0x1C200] =	vst v63  }
0xa0: {  	s3 =	simm.s32 @p0 $0x2  }
0xa1: {  	s28 =	sor.u32 @!p0 $0x1, s28;
	s5 =	simm.s32 @p0 $0x180;
	_ =	swait.ge @p0 [sflag:s3], $0x4000  }
0xa2: {  	s12 =	simm.s32 @p0 $0x4200;
	p1 =	sge.u32 @!p0 s28, s16;
	[sflag:s3] =	ssyncset.done @p0 $0x0  }
0xa3: {  	p1 =	por p1, p0;
	[sflag:s3] =	ssyncadd.s32 @p0 $0xFFFFC000;
	s3 =	simm.s32 @p0 $0x80  }
0xa4: {  	[spmem:s13] =	stream.indirect.scatter.add.f32 @p0 [tilespmem:s12], [sflag:$0x4], $0x80, s5, s3, $0xb8;
	[tilespmem:$0x1C200] =	vst v63  }
0xa5: {  	s3 =	simm.s32 @!p1 $0x4  }
0xa6: {  	s5 =	sadd.s32 @!p1 s2, s28;
	_ =	swait.ge @!p1 [sflag:s3], $0x4000  }
0xa7: {  	s5 =	sshll.u32 @!p1 s5, $0x5;
	[sflag:s3] =	ssyncset.done @!p1 $0x0  }
0xa8: {  	[sflag:s3] =	ssyncadd.s32 @!p1 $0xFFFFC000;
	s3 =	sand.u32 @!p1 $0x1FFFFFE0, s5  }
0xa9: {  	s12 =	simm.s32 @!p1 $0x100;
	s5 =	simm.s32 @!p1 $0x0;
	s3 =	sadd.s32 @!p1 s11, s3  }
0xaa: {  	[tilespmem:s12], [sflag:$0x5] =	stream.linear.gather @!p1 [hbm4b:s3+s5], $0x100, $0x38;
	[tilespmem:$0x1C200] =	vst v63  }
0xab: {  	s3 =	simm.s32 @!p1 $0x5  }
0xac: {  	_ =	swait.ge @!p1 [sflag:s3], $0x100  }
0xad: {  	[sflag:s3] =	ssyncset.done @!p1 $0x0  }
0xae: {  	s5 =	simm.s32 @!p1 $0x4200;
	[sflag:s3] =	ssyncadd.s32 @!p1 $0xFFFFFF00;
	s3 =	simm.s32 @!p1 $0x80  }
0xaf: {  	[tilespmem:s5], [sflag:$0x2] =	stream.indirect.gather @!p1 [hbm4b:s17+s3], $0x80, s12, s3, $0xb8;
	[tilespmem:$0x1C200] =	vst v63  }
0xb0: {  	s3 =	simm.s32 @!p0 $0x1  }
0xb1: {  	_ =	swait.ge @!p0 [sflag:s3], $0x4000  }
0xb2: {  	s28 =	smov.u32 @p0 s30;
	[sflag:s3] =	ssyncset.done @!p0 $0x0  }
0xb3: {  	s5 =	simm.s32 @!p0 $0x200;
	[sflag:s3] =	ssyncadd.s32 @!p0 $0xFFFFC000;
	s3 =	simm.s32 @!p0 $0x80  }
0xb4: {  	[spmem:s13] =	stream.indirect.scatter.add.f32 @!p0 [tilespmem:s5], [sflag:$0x3], $0x80, s3, s3, $0xb8;
	[tilespmem:$0x1C200] =	vst v63  }
0xb5: {  	p0 =	sne.s32 s28, s16  }
.Ltmp0:
0xb6: {  	_ = 	snop;
	(pc) =	sbr.rel @p0 .LBB2_2-.Ltmp0, $1  }
0xb7: {  	_ =	sdelay $0x3  }
0xb8: {  	_ =	swait.ge [sflag:s21], $0x4000  }
0xb9: {  	[sflag:s21] =	ssyncset.done $0x0  }
0xba: {  	[sflag:s21] =	ssyncadd.s32 $0xFFFFC000  }
0xbb: {  	_ =	swait.ge [sflag:s23], $0x4000  }
0xbc: {  	[sflag:s23] =	ssyncset.done $0x0  }
0xbd: {  	[sflag:s23] =	ssyncadd.s32 $0xFFFFC000  }
0xbe: {  	[bflag:$0x0] =	sbarrier.arrive $0xFFFF  }
0xbf: {  	[tilespmem:s14], [sflag:$0x5] =	stream.linear.gather [spmem:s18], $0x2000, $0x38;
	[tilespmem:$0x1C200] =	vst v63  }
0xc0: {  	_ =	swait.ge [sflag:s15], $0x2000  }
0xc1: {  	[sflag:s15] =	ssyncset.done $0x0  }
0xc2: {  	s3 =	rddreg [dreg:$0x4];
	[sflag:s15] =	ssyncadd.s32 $0xFFFFE000  }
0xc3: {  	[hbm4b:s3+s1] =	stream.linear.scatter [tilespmem:s14], [sflag:$0x5], $0x2000, $0x38;
	[tilespmem:$0x1C200] =	vst v63  }
0xc4: {  	_ =	swait.ge [sflag:s15], $0x2000  }
0xc5: {  	[sflag:s15] =	ssyncset.done $0x0  }
0xc6: {  	[sflag:s15] =	ssyncadd.s32 $0xFFFFE000  }
0xc7: {  	[tilespmem:s14], [sflag:$0x5] =	stream.linear.gather [spmem:s22], $0x2000, $0x38;
	[tilespmem:$0x1C200] =	vst v63  }
0xc8: {  	_ =	swait.ge [sflag:s15], $0x2000  }
0xc9: {  	[sflag:s15] =	ssyncset.done $0x0  }
0xca: {  	s28 =	rddreg [dreg:$0x5];
	[sflag:s15] =	ssyncadd.s32 $0xFFFFE000  }
0xcb: {  	[hbm4b:s28+s1] =	stream.linear.scatter [tilespmem:s14], [sflag:$0x5], $0x2000, $0x38;
	[tilespmem:$0x1C200] =	vst v63  }
0xcc: {  	_ =	swait.ge [sflag:s15], $0x2000  }
0xcd: {  	[sflag:s15] =	ssyncset.done $0x0  }
0xce: {  	[sflag:s15] =	ssyncadd.s32 $0xFFFFE000  }
0xcf: {  	[tilespmem:s14], [sflag:$0x5] =	stream.linear.gather [spmem:s24], $0x2000, $0x38;
	[tilespmem:$0x1C200] =	vst v63  }
0xd0: {  	_ =	swait.ge [sflag:s15], $0x2000  }
0xd1: {  	[sflag:s15] =	ssyncset.done $0x0  }
0xd2: {  	s30 =	rddreg [dreg:$0x6];
	[sflag:s15] =	ssyncadd.s32 $0xFFFFE000  }
0xd3: {  	[hbm4b:s30+s1] =	stream.linear.scatter [tilespmem:s14], [sflag:$0x5], $0x2000, $0x38;
	[tilespmem:$0x1C200] =	vst v63  }
0xd4: {  	_ =	swait.ge [sflag:s15], $0x2000  }
0xd5: {  	[sflag:s15] =	ssyncset.done $0x0  }
0xd6: {  	[sflag:s15] =	ssyncadd.s32 $0xFFFFE000  }
0xd7: {  	[tilespmem:s14], [sflag:$0x5] =	stream.linear.gather [spmem:s26], $0x2000, $0x38;
	[tilespmem:$0x1C200] =	vst v63  }
0xd8: {  	_ =	swait.ge [sflag:s15], $0x2000  }
0xd9: {  	[sflag:s15] =	ssyncset.done $0x0  }
0xda: {  	s5 =	rddreg [dreg:$0x7];
	[sflag:s15] =	ssyncadd.s32 $0xFFFFE000  }
0xdb: {  	[hbm4b:s5+s1] =	stream.linear.scatter [tilespmem:s14], [sflag:$0x5], $0x2000, $0x38;
	[tilespmem:$0x1C200] =	vst v63  }
0xdc: {  	_ =	swait.ge [sflag:s15], $0x2000  }
0xdd: {  	[sflag:s15] =	ssyncset.done $0x0  }
0xde: {  	[sflag:s15] =	ssyncadd.s32 $0xFFFFE000  }
0xdf: {  	[tilespmem:s14], [sflag:$0x5] =	stream.linear.gather [spmem:s29], $0x2000, $0x38;
	[tilespmem:$0x1C200] =	vst v63  }
0xe0: {  	_ =	swait.ge [sflag:s15], $0x2000  }
0xe1: {  	[sflag:s15] =	ssyncset.done $0x0  }
0xe2: {  	s12 =	rddreg [dreg:$0x8];
	[sflag:s15] =	ssyncadd.s32 $0xFFFFE000  }
0xe3: {  	[hbm4b:s12+s1] =	stream.linear.scatter [tilespmem:s14], [sflag:$0x5], $0x2000, $0x38;
	[tilespmem:$0x1C200] =	vst v63  }
0xe4: {  	_ =	swait.ge [sflag:s15], $0x2000  }
0xe5: {  	[sflag:s15] =	ssyncset.done $0x0  }
0xe6: {  	[sflag:s15] =	ssyncadd.s32 $0xFFFFE000  }
0xe7: {  	[tilespmem:s14], [sflag:$0x5] =	stream.linear.gather [spmem:s31], $0x2000, $0x38;
	[tilespmem:$0x1C200] =	vst v63  }
0xe8: {  	_ =	swait.ge [sflag:s15], $0x2000  }
0xe9: {  	[sflag:s15] =	ssyncset.done $0x0  }
0xea: {  	s28 =	rddreg [dreg:$0x9];
	[sflag:s15] =	ssyncadd.s32 $0xFFFFE000  }
0xeb: {  	[hbm4b:s28+s1] =	stream.linear.scatter [tilespmem:s14], [sflag:$0x5], $0x2000, $0x38;
	[tilespmem:$0x1C200] =	vst v63  }
0xec: {  	_ =	swait.ge [sflag:s15], $0x2000  }
0xed: {  	[sflag:s15] =	ssyncset.done $0x0  }
0xee: {  	[sflag:s15] =	ssyncadd.s32 $0xFFFFE000  }
0xef: {  	[tilespmem:s14], [sflag:$0x5] =	stream.linear.gather [spmem:s0], $0x2000, $0x38;
	[tilespmem:$0x1C200] =	vst v63  }
0xf0: {  	_ =	swait.ge [sflag:s15], $0x2000  }
0xf1: {  	[sflag:s15] =	ssyncset.done $0x0  }
0xf2: {  	s30 =	rddreg [dreg:$0xa];
	[sflag:s15] =	ssyncadd.s32 $0xFFFFE000  }
0xf3: {  	[hbm4b:s30+s1] =	stream.linear.scatter [tilespmem:s14], [sflag:$0x5], $0x2000, $0x38;
	[tilespmem:$0x1C200] =	vst v63  }
0xf4: {  	_ =	swait.ge [sflag:s15], $0x2000  }
0xf5: {  	[sflag:s15] =	ssyncset.done $0x0  }
0xf6: {  	[sflag:s15] =	ssyncadd.s32 $0xFFFFE000  }
0xf7: {  	[tilespmem:s14], [sflag:$0x5] =	stream.linear.gather [spmem:s4], $0x2000, $0x38;
	[tilespmem:$0x1C200] =	vst v63  }
0xf8: {  	_ =	swait.ge [sflag:s15], $0x2000  }
0xf9: {  	[sflag:s15] =	ssyncset.done $0x0  }
0xfa: {  	s5 =	rddreg [dreg:$0xb];
	[sflag:s15] =	ssyncadd.s32 $0xFFFFE000  }
0xfb: {  	[hbm4b:s5+s1] =	stream.linear.scatter [tilespmem:s14], [sflag:$0x5], $0x2000, $0x38;
	[tilespmem:$0x1C200] =	vst v63  }
0xfc: {  	_ =	swait.ge [sflag:s15], $0x2000  }
0xfd: {  	[sflag:s15] =	ssyncset.done $0x0  }
0xfe: {  	[sflag:s15] =	ssyncadd.s32 $0xFFFFE000  }
0xff: {  	[tilespmem:s14], [sflag:$0x5] =	stream.linear.gather [spmem:s6], $0x2000, $0x38;
	[tilespmem:$0x1C200] =	vst v63  }
0x100: {  	_ =	swait.ge [sflag:s15], $0x2000  }
0x101: {  	[sflag:s15] =	ssyncset.done $0x0  }
0x102: {  	s12 =	rddreg [dreg:$0xc];
	[sflag:s15] =	ssyncadd.s32 $0xFFFFE000  }
0x103: {  	[hbm4b:s12+s1] =	stream.linear.scatter [tilespmem:s14], [sflag:$0x5], $0x2000, $0x38;
	[tilespmem:$0x1C200] =	vst v63  }
0x104: {  	_ =	swait.ge [sflag:s15], $0x2000  }
0x105: {  	[sflag:s15] =	ssyncset.done $0x0  }
0x106: {  	[sflag:s15] =	ssyncadd.s32 $0xFFFFE000  }
0x107: {  	[tilespmem:s14], [sflag:$0x5] =	stream.linear.gather [spmem:s9], $0x2000, $0x38;
	[tilespmem:$0x1C200] =	vst v63  }
0x108: {  	_ =	swait.ge [sflag:s15], $0x2000  }
0x109: {  	[sflag:s15] =	ssyncset.done $0x0  }
0x10a: {  	s28 =	rddreg [dreg:$0xd];
	[sflag:s15] =	ssyncadd.s32 $0xFFFFE000  }
0x10b: {  	[hbm4b:s28+s1] =	stream.linear.scatter [tilespmem:s14], [sflag:$0x5], $0x2000, $0x38;
	[tilespmem:$0x1C200] =	vst v63  }
0x10c: {  	_ =	swait.ge [sflag:s15], $0x2000  }
0x10d: {  	s25 =	sadd.s32 $0x1, s25;
	s30 =	rddreg [dreg:$0xe]  }
0x10e: {  	p0 =	sne.s32 s25, s30  }
.Ltmp1:
0x10f: {  	_ = 	snop;
	(pc) =	sbr.rel @p0 .LBB2_1-.Ltmp1, $3  }
0x110: {  	_ =	sdelay $0x1  }
0x111: {  	[sflag:s15] =	ssyncset.done $0x0  }
0x112: {  	[sflag:s15] =	ssyncadd.s32 $0xFFFFE000  }
0x113: {  	_ =	sfence.sel $0x180000  }
0x114: {  	[bflag:$0x0] =	sbarrier.arrive $0xFFFF  }
0x115: {  	_ =	strace $0x9000004A  }
0x116: {  	s0 =	stileid.u32;
	[bflag:$0x2] =	sbarrier.arrive $0xFFFF  }
0x117: {  	p0 =	sne.s32 s0, $0x0;
	s0 =	rddreg [dreg:$0x3]  }
0x118: {  	s0 =	sadd.s32 @!p0 $0x100000, s0  }
0x119: {  	[sflag:s0] =	ssyncadd.tile.s32 @!p0 $0x1;
	_ =	shalt  }
.Lfunc_end2:
_tile_overlayer_lowered:
.L_overlay_start_2:
0x11a: {  	(tag) =	ssettag $0x2  }
0x11b: {  	s0 =	rddreg [dreg:$0x0];
	s2 =	stileid.u32  }
0x11c: {  	s1 =	rddreg [dreg:$0x1];
	p0 =	sne.s32 s2, $0x0  }
0x11d: {  	s3 =	rddreg [dreg:$0x2];
	[bflag:$0x3] =	sbarrier.arrive $0xFFFF;
	s2 =	simm.s32 @!p0 $0x1C05  }
0x11e: {  	[timem:s3], [sflag:s2] =	dma.local @!p0 [hbm:s0], s1  }
0x11f: {  	s0 =	simm.s32 @!p0 $0x5  }
0x120: {  	_ =	swait.ge @!p0 [sflag:s0], s1  }
0x121: {  	s1 =	ssub.s32 @!p0 $0x0, s1;
	[sflag:s0] =	ssyncset.done @!p0 $0x0  }
0x122: {  	[sflag:s0] =	ssyncadd.s32 @!p0 s1  }
0x123: {  	[bflag:$0x3] =	sbarrier.arrive $0xFFFF  }
0x124: {  	_ =	shalt  }

// kernel: kernel.14.cloned.1.call-start
scs
__scs_entry_jumppad:
0x0: {  	(pc) =	sbr.rel $0x88, $3  }
0x1: {  	(tag) =	ssettag $0x0;
	lr =	simm.s32 $0x1  }
0x2: {  	[smem:$0x3F9B] =	sst lr;
	_ =	strace $0xD0000000  }
0x3: {  	_ = 	snop  }
0x4: {  	_ = 	snop  }
0x5: {  	_ = 	snop  }
0x6: {  	_ = 	snop  }
0x7: {  	_ = 	snop  }
__scs_overlays_trampoline_lowered:
0x8: {  	[smem:$0x3FAA] =	sst s0  }
0x9: {  	[smem:$0x3FAB] =	sst s1  }
0xa: {  	[smem:$0x3FAC] =	sst s2  }
0xb: {  	[smem:$0x3FAD] =	sst s3  }
0xc: {  	[smem:$0x3FAE] =	sst s4  }
0xd: {  	[smem:$0x3FAF] =	sst s5  }
0xe: {  	[smem:$0x3FB0] =	sst s6  }
0xf: {  	[smem:$0x3FB1] =	sst s7  }
0x10: {  	[smem:$0x3FB2] =	sst s8  }
0x11: {  	[smem:$0x3FB3] =	sst s9;
	s0 =	simm.s32 @!p0 $0x0  }
0x12: {  	s1 =	sld [smem:$0x3F99];
	s0 =	simm.s32 @p0 $0x1  }
0x13: {  	[smem:$0x3FB4] =	sst s0;
	s0 =	simm.s32 @!p1 $0x0  }
0x14: {  	s2 =	sld [smem:$0x3F98];
	s0 =	simm.s32 @p1 $0x1  }
0x15: {  	[smem:$0x3FB5] =	sst s0;
	s0 =	simm.s32 @!p2 $0x0  }
0x16: {  	s3 =	sld [smem:$0x3FDB];
	s0 =	simm.s32 @p2 $0x1  }
0x17: {  	s4 =	simm.s32 $0x1BF5;
	[smem:$0x3FB7] =	sst s0  }
0x18: {  	s0 =	sld [smem:$0x3F9A];
	_ =	swait.ge [sflag:s4], $0x0  }
0x19: {  	s7 =	sld [smem:$0x3F9B]  }
0x1a: {  	s8 =	sadd.s32 $0xFFFFE003, lr  }
0x1b: {  	s9 =	sadd.s32 $0xFFFFFEF7, lr;
	s5 =	simm.s32 $0xFFFFFFFF;
	p2 =	slt.u32 s8, $0xFFFFF086  }
0x1c: {  	p1 =	slt.u32 s9, $0xF7A;
	s5 =	simm.s32 @!p2 $0x0  }
0x1d: {  	s5 =	simm.s32 @p1 $0x1;
	p0 =	seq.s32 s7, s2  }
0x1e: {  	s7 =	smul.u32 @!p0 $0xF7A, s2;
	p2 =	seq.s32 @!p0 s5, $0x0  }
0x1f: {  	s9 =	smul.u32 $0xF7A, s1;
	s8 =	simm.s32 @!p0 $0x1BF5;
	p2 =	por !p2, p0  }
0x20: {  	[sflag:s8] =	ssyncset.s32 @!p0 $0xFFFFF086;
	s6 =	sadd.s32 @!p0 s3, s7;
	s7 =	simm.s32 @!p0 $0x108  }
0x21: {  	s3 =	sadd.s32 s3, s9;
	s6 =	sadd.s32 @!p0 $0x88, s6;
	s7 =	simm.s32 @p2 $0x1082  }
0x22: {  	[simem:s7], [sflag:s8] =	dma.local @!p0 [hbm:s6], $0xF7A  }
0x23: {  	s9 =	sor.u32 $0xD0000000, s2;
	s6 =	simm.s32 $0x108;
	_ =	swait.ge @!p0 [sflag:s8], $0x0  }
0x24: {  	s3 =	sadd.s32 $0x88, s3;
	s6 =	simm.s32 @!p1 $0x1082;
	[sflag:s4] =	ssyncset.s32 $0xFFFFF086  }
0x25: {  	[simem:s6], [sflag:s4] =	dma.local [hbm:s3], $0xF7A  }
0x26: {  	[smem:$0x3F9B] =	sst s1;
	(tag) =	ssettag s2;
	_ =	strace s9  }
0x27: {  	s1 =	sld [smem:$0x3FAB]  }
0x28: {  	s2 =	sld [smem:$0x3FAC]  }
0x29: {  	s4 =	sld [smem:$0x3FAE]  }
0x2a: {  	p0 =	seq.s32 s5, $0x0;
	s5 =	sld [smem:$0x3FAF]  }
0x2b: {  	s6 =	sld [smem:$0x3FB0]  }
0x2c: {  	s7 =	sld [smem:$0x3FB1]  }
0x2d: {  	s3 =	simm.s32 $0x108;
	s8 =	sld [smem:$0x3FB2]  }
0x2e: {  	s3 =	simm.s32 @!p0 $0x1082;
	s9 =	sld [smem:$0x3FB3]  }
0x2f: {  	lr =	sadd.s32 s0, s3;
	s0 =	sld [smem:$0x3FAA]  }
0x30: {  	s3 =	sld [smem:$0x3FAD]  }
0x31: {  	[smem:$0x3FB6] =	sst s10  }
0x32: {  	s10 =	sld [smem:$0x3FB4];
	_ =	sdelay $0x3  }
0x33: {  	p0 =	seq.s32 s10, $0x1;
	s10 =	sld [smem:$0x3FB6];
	_ =	sdelay $0x3  }
0x34: {  	[smem:$0x3FB6] =	sst s10  }
0x35: {  	s10 =	sld [smem:$0x3FB5];
	_ =	sdelay $0x3  }
0x36: {  	p1 =	seq.s32 s10, $0x1;
	s10 =	sld [smem:$0x3FB6];
	_ =	sdelay $0x3  }
0x37: {  	[smem:$0x3FB6] =	sst s10  }
0x38: {  	s10 =	sld [smem:$0x3FB7]  }
0x39: {  	_ = 	snop;
	(pc) =	sbr.ind lr, $3  }
0x3a: {  	_ = 	snop  }
0x3b: {  	_ = 	snop  }
0x3c: {  	p2 =	seq.s32 s10, $0x1;
	s10 =	sld [smem:$0x3FB6]  }
0x3d: {  	_ =	shalt  }
0x3e: {  	_ =	shalt  }
0x3f: {  	_ =	shalt  }
0x40: {  	_ =	shalt  }
0x41: {  	_ =	shalt  }
0x42: {  	_ =	shalt  }
0x43: {  	_ =	shalt  }
0x44: {  	_ =	shalt  }
0x45: {  	_ =	shalt  }
0x46: {  	_ =	shalt  }
0x47: {  	_ =	shalt  }
0x48: {  	_ =	shalt  }
0x49: {  	_ =	shalt  }
0x4a: {  	_ =	shalt  }
0x4b: {  	_ =	shalt  }
0x4c: {  	_ =	shalt  }
0x4d: {  	_ =	shalt  }
0x4e: {  	_ =	shalt  }
0x4f: {  	_ =	shalt  }
0x50: {  	_ =	shalt  }
0x51: {  	_ =	shalt  }
0x52: {  	_ =	shalt  }
0x53: {  	_ =	shalt  }
0x54: {  	_ =	shalt  }
0x55: {  	_ =	shalt  }
0x56: {  	_ =	shalt  }
0x57: {  	_ =	shalt  }
0x58: {  	_ =	shalt  }
0x59: {  	_ =	shalt  }
0x5a: {  	_ =	shalt  }
0x5b: {  	_ =	shalt  }
0x5c: {  	_ =	shalt  }
0x5d: {  	_ =	shalt  }
0x5e: {  	_ =	shalt  }
0x5f: {  	_ =	shalt  }
0x60: {  	_ =	shalt  }
0x61: {  	_ =	shalt  }
0x62: {  	_ =	shalt  }
0x63: {  	_ =	shalt  }
0x64: {  	_ =	shalt  }
0x65: {  	_ =	shalt  }
0x66: {  	_ =	shalt  }
0x67: {  	_ =	shalt  }
0x68: {  	_ =	shalt  }
0x69: {  	_ =	shalt  }
0x6a: {  	_ =	shalt  }
0x6b: {  	_ =	shalt  }
0x6c: {  	_ =	shalt  }
0x6d: {  	_ =	shalt  }
0x6e: {  	_ =	shalt  }
0x6f: {  	_ =	shalt  }
0x70: {  	_ =	shalt  }
0x71: {  	_ =	shalt  }
0x72: {  	_ =	shalt  }
0x73: {  	_ =	shalt  }
0x74: {  	_ =	shalt  }
0x75: {  	_ =	shalt  }
0x76: {  	_ =	shalt  }
0x77: {  	_ =	shalt  }
0x78: {  	_ =	shalt  }
0x79: {  	_ =	shalt  }
0x7a: {  	_ =	shalt  }
0x7b: {  	_ =	shalt  }
0x7c: {  	_ =	shalt  }
0x7d: {  	_ =	shalt  }
0x7e: {  	_ =	shalt  }
0x7f: {  	_ =	shalt  }
0x80: {  	_ =	shalt  }
0x81: {  	_ =	shalt  }
0x82: {  	_ =	shalt  }
0x83: {  	_ =	shalt  }
0x84: {  	_ =	shalt  }
0x85: {  	_ =	shalt  }
0x86: {  	_ =	shalt  }
0x87: {  	_ =	shalt  }
.Lfunc_end0:
.L_simem_size_0:
called_computation.2_lowered:
.L_overlay_start_0:
0x88: {  	s2 =	sld [smem:$0x3FD9]  }
0x89: {  	s3 =	sld [smem:$0x3FFE];
	_ =	sdelay $0x1  }
0x8a: {  	s1 =	srdreg.scid  }
0x8b: {  	s0 =	sand.u32 $0x1, s1  }
0x8c: {  	s16 =	sshll.u32 s0, $0xA;
	s2 =	sadd.s32 s3, s2  }
0x8d: {  	s2 =	sadd.s32 s2, s16  }
0x8e: {  	[smem:$0x3FC2] =	sst s2  }
0x8f: {  	_ = 	snop  }
0x90: {  	(tm) =	ssettm $0x1  }
0x91: {  	s17 =	sld [smem:$0x3FFB];
	_ =	sdelay $0x3  }
0x92: {  	_ =	strace s17  }
0x93: {  	s2 =	sld [smem:$0x3FFC];
	_ =	sdelay $0x3  }
0x94: {  	_ =	strace s2  }
0x95: {  	s2 =	sld [smem:$0x3FFD];
	_ =	sdelay $0x3  }
0x96: {  	_ =	strace s2  }
0x97: {  	_ =	strace $0x8FFFFFFF  }
0x98: {  	s18 =	sld [smem:$0x3FDB];
	_ =	sdelay $0x1  }
0x99: {  	s19 =	simm.s32 $_scs_section_size  }
0x9a: {  	s4 =	simm.s32 $_size__tile_overlayer_lowered;
	s5 =	simm.s32 $_tile_overlayer_lowered  }
0x9b: {  	s22 =	simm.s32 $0x1BFF;
	s21 =	sshll.u32 s5, $0x1;
	s2 =	sadd.s32 s19, s18  }
0x9c: {  	s6 =	simm.s32 $0x0;
	s20 =	sshll.u32 s4, $0x1;
	s4 =	sadd.s32 s21, s2  }
0x9d: {  	[timem:s6], [sflag:s22] =	dma.local [hbm:s4], s20  }
0x9e: {  	_ =	swait.ge [sflag:s22], s20  }
0x9f: {  	s3 =	ssub.s32 $0x0, s20;
	[sflag:s22] =	ssyncset.done $0x0  }
0xa0: {  	[sflag:s22] =	ssyncadd.s32 s3;
	_ =	sdelay $0x1  }
0xa1: {  	s23 =	simm.s32 $0x1B8B  }
0xa2: {  	_ =	swait.ge [sflag:s23], $0x1  }
0xa3: {  	[sflag:s23] =	ssyncset.done $0x0  }
0xa4: {  	s25 =	simm.s32 $0x1B8E;
	s24 =	sld [smem:$0x3FFE];
	[sflag:s23] =	ssyncadd.s32 $0xFFFFFFFF  }
0xa5: {  	s26 =	simm.s32 $execute0_lowered;
	[smem:$0x3FD2] =	sst s25  }
0xa6: {  	s4 =	sshll.u32 s26, $0x1;
	_ =	strace $0x8000004C;
	[dreg:$0x1] =	wrdreg $0xFFFFFFFF  }
0xa7: {  	s28 =	simm.s32 $_size_execute0_lowered;
	s2 =	sadd.s32 s2, s4;
	[dreg:$0x0] =	wrdreg $0x0  }
0xa8: {  	s4 =	sshll.u32 s28, $0x1;
	[dreg:$0x2] =	wrdreg s2  }
0xa9: {  	[dreg:$0x3] =	wrdreg s4  }
0xaa: {  	[dreg:$0x4] =	wrdreg $0xC0  }
0xab: {  	_ =	task [dreg:s6], $0x5FFFF  }
0xac: {  	[dreg:$0x1] =	wrdreg $0xFFFFFFFF  }
0xad: {  	[dreg:$0x0] =	wrdreg $0x60  }
0xae: {  	[dreg:$0x2] =	wrdreg s24  }
0xaf: {  	[dreg:$0x3] =	wrdreg $0x19000  }
0xb0: {  	[dreg:$0x4] =	wrdreg $0x1E000  }
0xb1: {  	[dreg:$0x5] =	wrdreg $0x9  }
0xb2: {  	_ =	task.clear_ibuf [dreg:s6], $0x6FFFF;
	_ =	strace $0x9000004C  }
0xb3: {  	s29 =	simm.s32 $0x9;
	_ =	strace $0x8000004E  }
0xb4: {  	_ =	swait.ge [sflag:s29], $0x1  }
0xb5: {  	[sflag:s29] =	ssyncadd.s32 $0xFFFFFFFF  }
0xb6: {  	_ =	strace $0x9000004E  }
0xb7: {  	_ =	sfence  }
0xb8: {  	s30 =	sld [smem:$0x0];
	_ =	sdelay $0x2  }
0xb9: {  	s31 =	sshll.u32 s1, $0xD;
	s1 =	sshrl.u32 s1, $0x2  }
0xba: {  	s3 =	sand.u32 $0x4000, s31;
	s1 =	sadd.s32 s1, s30  }
0xbb: {  	s0 =	sor.u32 s3, s0;
	s1 =	sshll.u32 s1, $0x11  }
0xbc: {  	s0 =	sor.u32 s1, s0  }
0xbd: {  	s0 =	sadd.s32 $0x8F2B, s0  }
0xbe: {  	[sflag:s0] =	ssyncadd.remote.s32 $0x1  }
0xbf: {  	_ =	sfence.sel $0xFFFF  }
0xc0: {  	[dreg:$0x0] =	wrdreg $0xFFFFFFFF;
	(pc) =	sbr.abs _section_cstart, $3  }
0xc1: {  	[dreg:$0x1] =	wrdreg $0xFFFFFFFF  }
0xc2: {  	_ =	task.clear_ibuf [dreg:s6], $0x2FFFF;
	_ =	strace $0x9FFFFFFF  }
0xc3: {  	(tm) =	ssettm $0x7FFFFFFF  }
tec
execute0_lowered:
.L_overlay_start_1:
0x0: {  	(tag) =	ssettag $0x1  }
0x1: {  	s0 =	rddreg [dreg:$0x0]  }
0x2: {  	s1 =	srdreg.scid;
	s2 =	rddreg [dreg:$0x1]  }
0x3: {  	s4 =	stileid.u32;
	s3 =	rddreg [dreg:$0x2];
	s10 =	simm.s32 $0x0  }
0x4: {  	s13 =	simm.s32 $0x11;
	s14 =	simm.s32 $0x80;
	s15 =	simm.s32 $0x1380  }
0x5: {  	s24 =	simm.s32 $0x1000;
	s25 =	simm.s32 $0x1080;
	[smem:$0x7FF] =	sst s10  }
0x6: {  	s26 =	simm.s32 $0x1100;
	_ =	strace $0x8000004D;
	[dreg:$0x4] =	wrdreg s24  }
0x7: {  	s28 =	simm.s32 $0x1180;
	s29 =	simm.s32 $0x1200;
	[dreg:$0x5] =	wrdreg s25  }
0x8: {  	s30 =	simm.s32 $0x1280;
	s6 =	smul.u32 $0x5000, s4;
	[dreg:$0x6] =	wrdreg s26  }
0x9: {  	s31 =	simm.s32 $0x1300;
	s16 =	smul.u32 $0x500, s4;
	[dreg:$0x7] =	wrdreg s28  }
0xa: {  	s1 =	sand.u32 $0x1, s1;
	s7 =	smul.u32 $0xA00, s4;
	[dreg:$0x8] =	wrdreg s29  }
0xb: {  	s5 =	smul.u32 $0x50000, s1;
	s8 =	sshll.u32 s1, $0x7;
	[dreg:$0x9] =	wrdreg s30  }
0xc: {  	s1 =	ssub.s32 $0x2, s1;
	[dreg:$0xa] =	wrdreg s31;
	s9 =	sshrl.u32 s16, $0x3  }
0xd: {  	s7 =	sor.u32 s8, s7;
	s18 =	sshrl.u32 s1, $0x1;
	s20 =	sadd.s32 s16, s2  }
0xe: {  	s4 =	sadd.s32 s16, s3;
	s16 =	simm.s32 $0x1;
	s5 =	sadd.s32 s6, s5  }
0xf: {  	s17 =	sadd.s32 s9, s0;
	s7 =	sshrl.u32 s7, $0x3;
	s1 =	ssub.s32 s1, s18  }
0x10: {  	[dreg:$0xc] =	wrdreg s20;
	s18 =	simm.s32 $0x3;
	s20 =	simm.s32 $0x5  }
0x11: {  	[dreg:$0xd] =	wrdreg s4;
	s5 =	sshrl.u32 s5, $0x3;
	s19 =	sadd.s32 $0x1600, s17  }
0x12: {  	s21 =	smax.u32 s1, $0x1;
	s1 =	simm.s32 $0x1400;
	s17 =	simm.s32 $0x2  }
0x13: {  	s5 =	sadd.s32 s5, s0;
	s0 =	sadd.s32 s7, s0;
	[dreg:$0xb] =	wrdreg s19  }
0x14: {  	[dreg:$0xf] =	wrdreg s21;
	s19 =	simm.s32 $0x4;
	s0 =	sadd.s32 $0x2000, s0  }
0x15: {  	s21 =	simm.s32 $0x6;
	s22 =	sadd.s32 $0x79600, s5;
	[dreg:$0xe] =	wrdreg s0  }
0x16: {  	s23 =	sadd.s32 $0x8D600, s5;
	s5 =	simm.s32 $0x0;
	[dreg:$0x10] =	wrdreg s22  }
0x17: {  	[dreg:$0x11] =	wrdreg s23;
	s22 =	simm.s32 $0x7;
	s23 =	simm.s32 $0x8  }
.LBB2_1:
0x18: {  	[dreg:$0x12] =	wrdreg s5  }
0x19: {  	s0 =	rddreg [dreg:$0xb]  }
0x1a: {  	[tilespmem:s1], [sflag:$0x11] =	stream.linear.gather [hbm4b:s0+s10], $0x500, $0x38;
	[tilespmem:$0x2300] =	vst v63  }
0x1b: {  	_ =	swait.ge [sflag:s13], $0x500  }
0x1c: {  	[sflag:s13] =	ssyncset.done $0x0  }
0x1d: {  	s11 =	rddreg [dreg:$0xc];
	[sflag:s13] =	ssyncadd.s32 $0xFFFFFB00  }
0x1e: {  	[spmem:s11] =	stream.linear.scatter [tilespmem:s1], [sflag:$0x11], $0x500, $0x38;
	[tilespmem:$0x2300] =	vst v63  }
0x1f: {  	_ =	swait.ge [sflag:s13], $0x500  }
0x20: {  	[sflag:s13] =	ssyncset.done $0x0  }
0x21: {  	[sflag:s13] =	ssyncadd.s32 $0xFFFFFB00  }
0x22: {  	[spmem:s4] =	stream.linear.scatter [tilespmem:s1], [sflag:$0x11], $0x500, $0x38;
	[tilespmem:$0x2300] =	vst v63  }
0x23: {  	_ =	swait.ge [sflag:s13], $0x500  }
0x24: {  	[sflag:s13] =	ssyncset.done $0x0  }
0x25: {  	[sflag:s13] =	ssyncadd.s32 $0xFFFFFB00  }
0x26: {  	[bflag:$0x0] =	sbarrier.arrive $0xFFFF  }
0x27: {  	s8 =	sand.u32 $0x400, s10;
	s4 =	rddreg [dreg:$0x11]  }
0x28: {  	[tilespmem:s8], [sflag:$0x11] =	stream.linear.gather [hbm4b:s4+s10], $0x400, $0x38;
	[tilespmem:$0x2300] =	vst v63  }
0x29: {  	_ =	swait.ge [sflag:s13], $0x400  }
0x2a: {  	[sflag:s13] =	ssyncset.done $0x0  }
0x2b: {  	s12 =	sor.u32 $0x800, s8;
	s0 =	rddreg [dreg:$0x10];
	[sflag:s13] =	ssyncadd.s32 $0xFFFFFC00  }
0x2c: {  	[tilespmem:s12], [sflag:$0x11] =	stream.linear.gather [hbm4b:s0+s10], $0x400, $0x38;
	[tilespmem:$0x2300] =	vst v63  }
0x2d: {  	_ =	swait.ge [sflag:s13], $0x400  }
0x2e: {  	p0 =	por $0x0, $0x0;
	[sflag:s13] =	ssyncset.done $0x0  }
0x2f: {  	s1 =	simm.s32 @p0 $0x9;
	[sflag:s13] =	ssyncadd.s32 $0xFFFFFC00  }
0x30: {  	_ =	swait.ge @p0 [sflag:s1], $0x80  }
0x31: {  	s7 =	simm.s32 @p0 $0xA;
	[sflag:s1] =	ssyncset.done @p0 $0x0  }
0x32: {  	s28 =	simm.s32 @p0 $0x80;
	[sflag:s1] =	ssyncadd.s32 @p0 $0xFFFFFF80;
	s1 =	simm.s32 @p0 $0x1000  }
0x33: {  	[tilespmem:s1], [sflag:$0x1] =	stream.indirect.gather @p0 [spmem:s2], $0x1, s8, s28, $0xb8;
	[tilespmem:$0x2300] =	vst v63  }
0x34: {  	_ =	swait.ge @p0 [sflag:s7], $0x80  }
0x35: {  	s6 =	sor.u32 @p0 $0x80, s8;
	[sflag:s7] =	ssyncset.done @p0 $0x0  }
0x36: {  	s1 =	simm.s32 @p0 $0x1080;
	[sflag:s7] =	ssyncadd.s32 @p0 $0xFFFFFF80;
	s7 =	simm.s32 @p0 $0xB  }
0x37: {  	[tilespmem:s1], [sflag:$0x2] =	stream.indirect.gather @p0 [spmem:s2], $0x1, s6, s28, $0xb8;
	[tilespmem:$0x2300] =	vst v63  }
0x38: {  	_ =	swait.ge @p0 [sflag:s7], $0x80  }
0x39: {  	s26 =	sor.u32 @p0 $0x100, s8;
	[sflag:s7] =	ssyncset.done @p0 $0x0  }
0x3a: {  	s1 =	simm.s32 @p0 $0x1100;
	[sflag:s7] =	ssyncadd.s32 @p0 $0xFFFFFF80;
	s7 =	simm.s32 @p0 $0xC  }
0x3b: {  	[tilespmem:s1], [sflag:$0x3] =	stream.indirect.gather @p0 [spmem:s2], $0x1, s26, s28, $0xb8;
	[tilespmem:$0x2300] =	vst v63  }
0x3c: {  	_ =	swait.ge @p0 [sflag:s7], $0x80  }
0x3d: {  	s25 =	sor.u32 @p0 $0x180, s8;
	[sflag:s7] =	ssyncset.done @p0 $0x0  }
0x3e: {  	s1 =	simm.s32 @p0 $0x1180;
	[sflag:s7] =	ssyncadd.s32 @p0 $0xFFFFFF80;
	s7 =	simm.s32 @p0 $0xD  }
0x3f: {  	[tilespmem:s1], [sflag:$0x4] =	stream.indirect.gather @p0 [spmem:s2], $0x1, s25, s28, $0xb8;
	[tilespmem:$0x2300] =	vst v63  }
0x40: {  	_ =	swait.ge @p0 [sflag:s7], $0x80  }
0x41: {  	s24 =	sor.u32 @p0 $0x200, s8;
	[sflag:s7] =	ssyncset.done @p0 $0x0  }
0x42: {  	s1 =	simm.s32 @p0 $0x1200;
	[sflag:s7] =	ssyncadd.s32 @p0 $0xFFFFFF80;
	s7 =	simm.s32 @p0 $0xE  }
0x43: {  	[tilespmem:s1], [sflag:$0x5] =	stream.indirect.gather @p0 [spmem:s2], $0x1, s24, s28, $0xb8;
	[tilespmem:$0x2300] =	vst v63  }
0x44: {  	_ =	swait.ge @p0 [sflag:s7], $0x80  }
0x45: {  	s9 =	sor.u32 @p0 $0x280, s8;
	[sflag:s7] =	ssyncset.done @p0 $0x0  }
0x46: {  	s1 =	simm.s32 @p0 $0x1280;
	[sflag:s7] =	ssyncadd.s32 @p0 $0xFFFFFF80;
	s7 =	simm.s32 @p0 $0xF  }
0x47: {  	[tilespmem:s1], [sflag:$0x6] =	stream.indirect.gather @p0 [spmem:s2], $0x1, s9, s28, $0xb8;
	[tilespmem:$0x2300] =	vst v63  }
0x48: {  	_ =	swait.ge @p0 [sflag:s7], $0x80  }
0x49: {  	s29 =	simm.s32 @p0 $0x10;
	[sflag:s7] =	ssyncset.done @p0 $0x0  }
0x4a: {  	s1 =	sor.u32 @p0 $0x300, s8;
	[sflag:s7] =	ssyncadd.s32 @p0 $0xFFFFFF80;
	s7 =	simm.s32 @p0 $0x1300  }
0x4b: {  	[tilespmem:s7], [sflag:$0x7] =	stream.indirect.gather @p0 [spmem:s2], $0x1, s1, s28, $0xb8;
	[tilespmem:$0x2300] =	vst v63  }
0x4c: {  	_ =	swait.ge @p0 [sflag:s29], $0x80  }
0x4d: {  	[sflag:s29] =	ssyncset.done @p0 $0x0  }
0x4e: {  	s7 =	simm.s32 @!p0 $0x80;
	s28 =	simm.s32 @!p0 $0x1000;
	[sflag:s29] =	ssyncadd.s32 @p0 $0xFFFFFF80  }
0x4f: {  	[tilespmem:s28], [sflag:$0x1] =	stream.indirect.gather @!p0 [spmem:s2], $0x1, s8, s7, $0xb8;
	[tilespmem:$0x2300] =	vst v63  }
0x50: {  	s28 =	simm.s32 @!p0 $0x1080  }
0x51: {  	[tilespmem:s28], [sflag:$0x2] =	stream.indirect.gather @!p0 [spmem:s2], $0x1, s7, s7, $0xb8;
	[tilespmem:$0x2300] =	vst v63  }
0x52: {  	s29 =	simm.s32 @!p0 $0x1100;
	s28 =	simm.s32 @!p0 $0x100  }
0x53: {  	[tilespmem:s29], [sflag:$0x3] =	stream.indirect.gather @!p0 [spmem:s2], $0x1, s28, s7, $0xb8;
	[tilespmem:$0x2300] =	vst v63  }
0x54: {  	s28 =	simm.s32 @!p0 $0x180;
	s29 =	simm.s32 @!p0 $0x1180  }
0x55: {  	[tilespmem:s29], [sflag:$0x4] =	stream.indirect.gather @!p0 [spmem:s2], $0x1, s28, s7, $0xb8;
	[tilespmem:$0x2300] =	vst v63  }
0x56: {  	s28 =	simm.s32 @!p0 $0x200;
	s29 =	simm.s32 @!p0 $0x1200  }
0x57: {  	[tilespmem:s29], [sflag:$0x5] =	stream.indirect.gather @!p0 [spmem:s2], $0x1, s28, s7, $0xb8;
	[tilespmem:$0x2300] =	vst v63  }
0x58: {  	s28 =	simm.s32 @!p0 $0x280;
	s29 =	simm.s32 @!p0 $0x1280  }
0x59: {  	[tilespmem:s29], [sflag:$0x6] =	stream.indirect.gather @!p0 [spmem:s2], $0x1, s28, s7, $0xb8;
	[tilespmem:$0x2300] =	vst v63  }
0x5a: {  	s28 =	simm.s32 @!p0 $0x300;
	s29 =	simm.s32 @!p0 $0x1300  }
0x5b: {  	[tilespmem:s29], [sflag:$0x7] =	stream.indirect.gather @!p0 [spmem:s2], $0x1, s28, s7, $0xb8;
	[tilespmem:$0x2300] =	vst v63  }
0x5c: {  	s30 =	sor.u32 $0x380, s8  }
0x5d: {  	[tilespmem:s15], [sflag:$0x8] =	stream.indirect.gather [spmem:s2], $0x1, s30, s14, $0xb8;
	[tilespmem:$0x2300] =	vst v63  }
0x5e: {  	_ =	swait.ge [sflag:s16], $0x80  }
0x5f: {  	[sflag:s16] =	ssyncset.done $0x0  }
0x60: {  	s31 =	rddreg [dreg:$0x4];
	[sflag:s16] =	ssyncadd.s32 $0xFFFFFF80  }
0x61: {  	[spmem:s3] =	stream.indirect.scatter.add.f32 [tilespmem:s31], [sflag:$0x9], $0x1, s12, s14, $0xb8;
	[tilespmem:$0x2300] =	vst v63  }
0x62: {  	_ =	swait.ge [sflag:s17], $0x80  }
0x63: {  	s6 =	simm.s32 @!p0 $0x80;
	[sflag:s17] =	ssyncset.done $0x0  }
0x64: {  	s6 =	sor.u32 $0x800, s6;
	s11 =	rddreg [dreg:$0x5];
	[sflag:s17] =	ssyncadd.s32 $0xFFFFFF80  }
0x65: {  	[spmem:s3] =	stream.indirect.scatter.add.f32 [tilespmem:s11], [sflag:$0xA], $0x1, s6, s14, $0xb8;
	[tilespmem:$0x2300] =	vst v63  }
0x66: {  	_ =	swait.ge [sflag:s18], $0x80  }
0x67: {  	s26 =	simm.s32 @!p0 $0x100;
	[sflag:s18] =	ssyncset.done $0x0  }
0x68: {  	s15 =	sor.u32 $0x800, s26;
	s12 =	rddreg [dreg:$0x6];
	[sflag:s18] =	ssyncadd.s32 $0xFFFFFF80  }
0x69: {  	[spmem:s3] =	stream.indirect.scatter.add.f32 [tilespmem:s12], [sflag:$0xB], $0x1, s15, s14, $0xb8;
	[tilespmem:$0x2300] =	vst v63  }
0x6a: {  	_ =	swait.ge [sflag:s19], $0x80  }
0x6b: {  	s25 =	simm.s32 @!p0 $0x180;
	[sflag:s19] =	ssyncset.done $0x0  }
0x6c: {  	s25 =	sor.u32 $0x800, s25;
	s16 =	rddreg [dreg:$0x7];
	[sflag:s19] =	ssyncadd.s32 $0xFFFFFF80  }
0x6d: {  	[spmem:s3] =	stream.indirect.scatter.add.f32 [tilespmem:s16], [sflag:$0xC], $0x1, s25, s14, $0xb8;
	[tilespmem:$0x2300] =	vst v63  }
0x6e: {  	_ =	swait.ge [sflag:s20], $0x80  }
0x6f: {  	s24 =	simm.s32 @!p0 $0x200;
	[sflag:s20] =	ssyncset.done $0x0  }
0x70: {  	s28 =	sor.u32 $0x800, s24;
	s26 =	rddreg [dreg:$0x8];
	[sflag:s20] =	ssyncadd.s32 $0xFFFFFF80  }
0x71: {  	[spmem:s3] =	stream.indirect.scatter.add.f32 [tilespmem:s26], [sflag:$0xD], $0x1, s28, s14, $0xb8;
	[tilespmem:$0x2300] =	vst v63  }
0x72: {  	_ =	swait.ge [sflag:s21], $0x80  }
0x73: {  	s9 =	simm.s32 @!p0 $0x280;
	[sflag:s21] =	ssyncset.done $0x0  }
0x74: {  	s30 =	sor.u32 $0x800, s9;
	s29 =	rddreg [dreg:$0x9];
	[sflag:s21] =	ssyncadd.s32 $0xFFFFFF80  }
0x75: {  	[spmem:s3] =	stream.indirect.scatter.add.f32 [tilespmem:s29], [sflag:$0xE], $0x1, s30, s14, $0xb8;
	[tilespmem:$0x2300] =	vst v63  }
0x76: {  	_ =	swait.ge [sflag:s22], $0x80  }
0x77: {  	s1 =	simm.s32 @!p0 $0x300;
	[sflag:s22] =	ssyncset.done $0x0  }
0x78: {  	s1 =	sor.u32 $0x800, s1;
	s31 =	rddreg [dreg:$0xa];
	[sflag:s22] =	ssyncadd.s32 $0xFFFFFF80  }
0x79: {  	[spmem:s3] =	stream.indirect.scatter.add.f32 [tilespmem:s31], [sflag:$0xF], $0x1, s1, s14, $0xb8;
	[tilespmem:$0x2300] =	vst v63  }
0x7a: {  	_ =	swait.ge [sflag:s23], $0x80  }
0x7b: {  	s5 =	simm.s32 $0x400;
	s6 =	sadd.s32 $0x80, s4;
	[sflag:s23] =	ssyncset.done $0x0  }
0x7c: {  	s1 =	sor.u32 $0xB80, s8;
	s8 =	sadd.s32 $0x80, s0;
	[sflag:s23] =	ssyncadd.s32 $0xFFFFFF80  }
.LBB2_2:
0x7d: {  	s16 =	simm.s32 $0x1380  }
0x7e: {  	[spmem:s3] =	stream.indirect.scatter.add.f32 [tilespmem:s16], [sflag:$0x10], $0x1, s1, s14, $0xb8;
	[tilespmem:$0x2300] =	vst v63  }
0x7f: {  	s9 =	sand.u32 $0x400, s5  }
0x80: {  	[tilespmem:s9], [sflag:$0x11] =	stream.linear.gather [hbm4b:s6+s10], $0x400, $0x38;
	[tilespmem:$0x2300] =	vst v63  }
0x81: {  	_ =	swait.ge [sflag:s13], $0x400  }
0x82: {  	[sflag:s13] =	ssyncset.done $0x0  }
0x83: {  	s26 =	sor.u32 $0x800, s9;
	[sflag:s13] =	ssyncadd.s32 $0xFFFFFC00  }
0x84: {  	[tilespmem:s26], [sflag:$0x11] =	stream.linear.gather [hbm4b:s8+s10], $0x400, $0x38;
	[tilespmem:$0x2300] =	vst v63  }
0x85: {  	s15 =	smov.u32 s5;
	_ =	swait.ge [sflag:s13], $0x400  }
0x86: {  	p1 =	sne.s32 s15, $0x0;
	[sflag:s13] =	ssyncset.done $0x0  }
0x87: {  	s1 =	simm.s32 @p1 $0x9;
	[sflag:s13] =	ssyncadd.s32 $0xFFFFFC00  }
0x88: {  	_ =	swait.ge @p1 [sflag:s1], $0x80  }
0x89: {  	s11 =	simm.s32 @p1 $0xA;
	[sflag:s1] =	ssyncset.done @p1 $0x0  }
0x8a: {  	s10 =	simm.s32 @p1 $0x1000;
	[sflag:s1] =	ssyncadd.s32 @p1 $0xFFFFFF80;
	s1 =	simm.s32 @p1 $0x80  }
0x8b: {  	[tilespmem:s10], [sflag:$0x1] =	stream.indirect.gather @p1 [spmem:s2], $0x1, s9, s1, $0xb8;
	[tilespmem:$0x2300] =	vst v63  }
0x8c: {  	_ =	swait.ge @p1 [sflag:s11], $0x80  }
0x8d: {  	s7 =	sor.u32 @p1 $0x80, s9;
	[sflag:s11] =	ssyncset.done @p1 $0x0  }
0x8e: {  	s0 =	simm.s32 @p1 $0x1080;
	s4 =	simm.s32 @p1 $0xB;
	[sflag:s11] =	ssyncadd.s32 @p1 $0xFFFFFF80  }
0x8f: {  	[tilespmem:s0], [sflag:$0x2] =	stream.indirect.gather @p1 [spmem:s2], $0x1, s7, s1, $0xb8;
	[tilespmem:$0x2300] =	vst v63  }
0x90: {  	_ =	swait.ge @p1 [sflag:s4], $0x80  }
0x91: {  	s29 =	sor.u32 @p1 $0x100, s9;
	[sflag:s4] =	ssyncset.done @p1 $0x0  }
0x92: {  	s15 =	simm.s32 @p1 $0xC;
	[sflag:s4] =	ssyncadd.s32 @p1 $0xFFFFFF80;
	s4 =	simm.s32 @p1 $0x1100  }
0x93: {  	[tilespmem:s4], [sflag:$0x3] =	stream.indirect.gather @p1 [spmem:s2], $0x1, s29, s1, $0xb8;
	[tilespmem:$0x2300] =	vst v63  }
0x94: {  	_ =	swait.ge @p1 [sflag:s15], $0x80  }
0x95: {  	s30 =	sor.u32 @p1 $0x180, s9;
	[sflag:s15] =	ssyncset.done @p1 $0x0  }
0x96: {  	s4 =	simm.s32 @p1 $0x1180;
	[sflag:s15] =	ssyncadd.s32 @p1 $0xFFFFFF80;
	s15 =	simm.s32 @p1 $0xD  }
0x97: {  	[tilespmem:s4], [sflag:$0x4] =	stream.indirect.gather @p1 [spmem:s2], $0x1, s30, s1, $0xb8;
	[tilespmem:$0x2300] =	vst v63  }
0x98: {  	_ =	swait.ge @p1 [sflag:s15], $0x80  }
0x99: {  	s28 =	sor.u32 @p1 $0x200, s9;
	[sflag:s15] =	ssyncset.done @p1 $0x0  }
0x9a: {  	s4 =	simm.s32 @p1 $0x1200;
	[sflag:s15] =	ssyncadd.s32 @p1 $0xFFFFFF80;
	s15 =	simm.s32 @p1 $0xE  }
0x9b: {  	[tilespmem:s4], [sflag:$0x5] =	stream.indirect.gather @p1 [spmem:s2], $0x1, s28, s1, $0xb8;
	[tilespmem:$0x2300] =	vst v63  }
0x9c: {  	_ =	swait.ge @p1 [sflag:s15], $0x80  }
0x9d: {  	s25 =	sor.u32 @p1 $0x280, s9;
	[sflag:s15] =	ssyncset.done @p1 $0x0  }
0x9e: {  	s4 =	simm.s32 @p1 $0x1280;
	[sflag:s15] =	ssyncadd.s32 @p1 $0xFFFFFF80;
	s15 =	simm.s32 @p1 $0xF  }
0x9f: {  	[tilespmem:s4], [sflag:$0x6] =	stream.indirect.gather @p1 [spmem:s2], $0x1, s25, s1, $0xb8;
	[tilespmem:$0x2300] =	vst v63  }
0xa0: {  	_ =	swait.ge @p1 [sflag:s15], $0x80  }
0xa1: {  	s24 =	sor.u32 @p1 $0x300, s9;
	[sflag:s15] =	ssyncset.done @p1 $0x0  }
0xa2: {  	s4 =	simm.s32 @p1 $0x1300;
	[sflag:s15] =	ssyncadd.s32 @p1 $0xFFFFFF80;
	s15 =	simm.s32 @p1 $0x10  }
0xa3: {  	[tilespmem:s4], [sflag:$0x7] =	stream.indirect.gather @p1 [spmem:s2], $0x1, s24, s1, $0xb8;
	[tilespmem:$0x2300] =	vst v63  }
0xa4: {  	_ =	swait.ge @p1 [sflag:s15], $0x80  }
0xa5: {  	[sflag:s15] =	ssyncset.done @p1 $0x0  }
0xa6: {  	s1 =	simm.s32 @!p1 $0x80;
	s4 =	simm.s32 @!p1 $0x1000;
	[sflag:s15] =	ssyncadd.s32 @p1 $0xFFFFFF80  }
0xa7: {  	[tilespmem:s4], [sflag:$0x1] =	stream.indirect.gather @!p1 [spmem:s2], $0x1, s9, s1, $0xb8;
	[tilespmem:$0x2300] =	vst v63  }
0xa8: {  	s4 =	simm.s32 @!p1 $0x1080  }
0xa9: {  	[tilespmem:s4], [sflag:$0x2] =	stream.indirect.gather @!p1 [spmem:s2], $0x1, s1, s1, $0xb8;
	[tilespmem:$0x2300] =	vst v63  }
0xaa: {  	s15 =	simm.s32 @!p1 $0x1100;
	s4 =	simm.s32 @!p1 $0x100  }
0xab: {  	[tilespmem:s15], [sflag:$0x3] =	stream.indirect.gather @!p1 [spmem:s2], $0x1, s4, s1, $0xb8;
	[tilespmem:$0x2300] =	vst v63  }
0xac: {  	s4 =	simm.s32 @!p1 $0x180;
	s15 =	simm.s32 @!p1 $0x1180  }
0xad: {  	[tilespmem:s15], [sflag:$0x4] =	stream.indirect.gather @!p1 [spmem:s2], $0x1, s4, s1, $0xb8;
	[tilespmem:$0x2300] =	vst v63  }
0xae: {  	s4 =	simm.s32 @!p1 $0x200;
	s15 =	simm.s32 @!p1 $0x1200  }
0xaf: {  	[tilespmem:s15], [sflag:$0x5] =	stream.indirect.gather @!p1 [spmem:s2], $0x1, s4, s1, $0xb8;
	[tilespmem:$0x2300] =	vst v63  }
0xb0: {  	s4 =	simm.s32 @!p1 $0x280;
	s15 =	simm.s32 @!p1 $0x1280  }
0xb1: {  	[tilespmem:s15], [sflag:$0x6] =	stream.indirect.gather @!p1 [spmem:s2], $0x1, s4, s1, $0xb8;
	[tilespmem:$0x2300] =	vst v63  }
0xb2: {  	s4 =	simm.s32 @!p1 $0x300;
	s15 =	simm.s32 @!p1 $0x1300  }
0xb3: {  	[tilespmem:s15], [sflag:$0x7] =	stream.indirect.gather @!p1 [spmem:s2], $0x1, s4, s1, $0xb8;
	[tilespmem:$0x2300] =	vst v63  }
0xb4: {  	s31 =	smov.u32 s7;
	s7 =	smov.u32 s24;
	s24 =	sor.u32 $0x380, s9  }
0xb5: {  	[tilespmem:s16], [sflag:$0x8] =	stream.indirect.gather [spmem:s2], $0x1, s24, s14, $0xb8;
	[tilespmem:$0x2300] =	vst v63  }
0xb6: {  	s16 =	simm.s32 $0x1  }
0xb7: {  	_ =	swait.ge [sflag:s16], $0x80  }
0xb8: {  	[sflag:s16] =	ssyncset.done $0x0  }
0xb9: {  	s0 =	smov.u32 s25;
	s25 =	rddreg [dreg:$0x4];
	[sflag:s16] =	ssyncadd.s32 $0xFFFFFF80  }
0xba: {  	[spmem:s3] =	stream.indirect.scatter.add.f32 [tilespmem:s25], [sflag:$0x9], $0x1, s26, s14, $0xb8;
	[tilespmem:$0x2300] =	vst v63  }
0xbb: {  	s12 =	smov.u32 s28;
	_ =	swait.ge [sflag:s17], $0x80  }
0xbc: {  	s31 =	simm.s32 @!p1 $0x80;
	s10 =	smov.u32 s29;
	[sflag:s17] =	ssyncset.done $0x0  }
0xbd: {  	s29 =	sor.u32 $0x800, s31;
	s28 =	rddreg [dreg:$0x5];
	[sflag:s17] =	ssyncadd.s32 $0xFFFFFF80  }
0xbe: {  	[spmem:s3] =	stream.indirect.scatter.add.f32 [tilespmem:s28], [sflag:$0xA], $0x1, s29, s14, $0xb8;
	[tilespmem:$0x2300] =	vst v63  }
0xbf: {  	_ =	swait.ge [sflag:s18], $0x80  }
0xc0: {  	s10 =	simm.s32 @!p1 $0x100;
	s11 =	smov.u32 s30;
	[sflag:s18] =	ssyncset.done $0x0  }
0xc1: {  	s31 =	sor.u32 $0x800, s10;
	s30 =	rddreg [dreg:$0x6];
	[sflag:s18] =	ssyncadd.s32 $0xFFFFFF80  }
0xc2: {  	[spmem:s3] =	stream.indirect.scatter.add.f32 [tilespmem:s30], [sflag:$0xB], $0x1, s31, s14, $0xb8;
	[tilespmem:$0x2300] =	vst v63  }
0xc3: {  	_ =	swait.ge [sflag:s19], $0x80  }
0xc4: {  	s11 =	simm.s32 @!p1 $0x180;
	[sflag:s19] =	ssyncset.done $0x0  }
0xc5: {  	s25 =	sor.u32 $0x800, s11;
	s24 =	rddreg [dreg:$0x7];
	[sflag:s19] =	ssyncadd.s32 $0xFFFFFF80  }
0xc6: {  	[spmem:s3] =	stream.indirect.scatter.add.f32 [tilespmem:s24], [sflag:$0xC], $0x1, s25, s14, $0xb8;
	[tilespmem:$0x2300] =	vst v63  }
0xc7: {  	_ =	swait.ge [sflag:s20], $0x80  }
0xc8: {  	s12 =	simm.s32 @!p1 $0x200;
	[sflag:s20] =	ssyncset.done $0x0  }
0xc9: {  	s28 =	sor.u32 $0x800, s12;
	s26 =	rddreg [dreg:$0x8];
	[sflag:s20] =	ssyncadd.s32 $0xFFFFFF80  }
0xca: {  	[spmem:s3] =	stream.indirect.scatter.add.f32 [tilespmem:s26], [sflag:$0xD], $0x1, s28, s14, $0xb8;
	[tilespmem:$0x2300] =	vst v63  }
0xcb: {  	_ =	swait.ge [sflag:s21], $0x80  }
0xcc: {  	s0 =	simm.s32 @!p1 $0x280;
	[sflag:s21] =	ssyncset.done $0x0  }
0xcd: {  	s0 =	sor.u32 $0x800, s0;
	s29 =	rddreg [dreg:$0x9];
	[sflag:s21] =	ssyncadd.s32 $0xFFFFFF80  }
0xce: {  	[spmem:s3] =	stream.indirect.scatter.add.f32 [tilespmem:s29], [sflag:$0xE], $0x1, s0, s14, $0xb8;
	[tilespmem:$0x2300] =	vst v63  }
0xcf: {  	s5 =	sadd.s32 $0x400, s5;
	s7 =	simm.s32 @!p1 $0x300;
	_ =	swait.ge [sflag:s22], $0x80  }
0xd0: {  	p0 =	sne.s32 s5, $0x5000;
	s31 =	sor.u32 $0x800, s7;
	[sflag:s22] =	ssyncset.done $0x0  }
.Ltmp0:
0xd1: {  	s30 =	rddreg [dreg:$0xa];
	[sflag:s22] =	ssyncadd.s32 $0xFFFFFF80;
	(pc) =	sbr.rel @p0 .LBB2_2-.Ltmp0, $4  }
0xd2: {  	[spmem:s3] =	stream.indirect.scatter.add.f32 [tilespmem:s30], [sflag:$0xF], $0x1, s31, s14, $0xb8;
	[tilespmem:$0x2300] =	vst v63  }
0xd3: {  	s6 =	sadd.s32 $0x80, s6;
	_ =	swait.ge [sflag:s23], $0x80  }
0xd4: {  	s8 =	sadd.s32 $0x80, s8;
	s10 =	simm.s32 $0x0;
	[sflag:s23] =	ssyncset.done $0x0  }
0xd5: {  	s15 =	simm.s32 $0x1380;
	s1 =	sor.u32 $0xB80, s9;
	[sflag:s23] =	ssyncadd.s32 $0xFFFFFF80  }
0xd6: {  	[spmem:s3] =	stream.indirect.scatter.add.f32 [tilespmem:s15], [sflag:$0x10], $0x1, s1, s14, $0xb8;
	[tilespmem:$0x2300] =	vst v63  }
0xd7: {  	s0 =	simm.s32 $0x9  }
0xd8: {  	_ =	swait.ge [sflag:s0], $0x80  }
0xd9: {  	[sflag:s0] =	ssyncset.done $0x0  }
0xda: {  	s9 =	simm.s32 $0xA;
	[sflag:s0] =	ssyncadd.s32 $0xFFFFFF80  }
0xdb: {  	_ =	swait.ge [sflag:s9], $0x80  }
0xdc: {  	[sflag:s9] =	ssyncset.done $0x0  }
0xdd: {  	s11 =	simm.s32 $0xB;
	[sflag:s9] =	ssyncadd.s32 $0xFFFFFF80  }
0xde: {  	_ =	swait.ge [sflag:s11], $0x80  }
0xdf: {  	[sflag:s11] =	ssyncset.done $0x0  }
0xe0: {  	s12 =	simm.s32 $0xC;
	[sflag:s11] =	ssyncadd.s32 $0xFFFFFF80  }
0xe1: {  	_ =	swait.ge [sflag:s12], $0x80  }
0xe2: {  	[sflag:s12] =	ssyncset.done $0x0  }
0xe3: {  	s24 =	simm.s32 $0xD;
	[sflag:s12] =	ssyncadd.s32 $0xFFFFFF80  }
0xe4: {  	_ =	swait.ge [sflag:s24], $0x80  }
0xe5: {  	[sflag:s24] =	ssyncset.done $0x0  }
0xe6: {  	s25 =	simm.s32 $0xE;
	[sflag:s24] =	ssyncadd.s32 $0xFFFFFF80  }
0xe7: {  	_ =	swait.ge [sflag:s25], $0x80  }
0xe8: {  	[sflag:s25] =	ssyncset.done $0x0  }
0xe9: {  	s26 =	simm.s32 $0xF;
	[sflag:s25] =	ssyncadd.s32 $0xFFFFFF80  }
0xea: {  	_ =	swait.ge [sflag:s26], $0x80  }
0xeb: {  	[sflag:s26] =	ssyncset.done $0x0  }
0xec: {  	s28 =	simm.s32 $0x10;
	[sflag:s26] =	ssyncadd.s32 $0xFFFFFF80  }
0xed: {  	_ =	swait.ge [sflag:s28], $0x80  }
0xee: {  	[sflag:s28] =	ssyncset.done $0x0  }
0xef: {  	[sflag:s28] =	ssyncadd.s32 $0xFFFFFF80  }
0xf0: {  	[bflag:$0x0] =	sbarrier.arrive $0xFFFF  }
0xf1: {  	s1 =	simm.s32 $0x1400;
	s4 =	rddreg [dreg:$0xd]  }
0xf2: {  	[tilespmem:s1], [sflag:$0x11] =	stream.linear.gather [spmem:s4], $0x500, $0x38;
	[tilespmem:$0x2300] =	vst v63  }
0xf3: {  	_ =	swait.ge [sflag:s13], $0x500  }
0xf4: {  	[sflag:s13] =	ssyncset.done $0x0  }
0xf5: {  	s5 =	simm.s32 $0x100;
	s29 =	rddreg [dreg:$0xe];
	[sflag:s13] =	ssyncadd.s32 $0xFFFFFB00  }
0xf6: {  	[hbm4b:s29+s14] =	stream.strided.scatter [tilespmem:s1], [sflag:$0x11], $0x500, s5, s14, $0x38;
	[tilespmem:$0x2300] =	vst v63  }
0xf7: {  	_ =	swait.ge [sflag:s13], $0x500  }
0xf8: {  	s30 =	rddreg [dreg:$0x12]  }
0xf9: {  	s31 =	rddreg [dreg:$0xf];
	s5 =	sadd.s32 $0x1, s30  }
0xfa: {  	p0 =	sne.s32 s5, s31  }
.Ltmp1:
0xfb: {  	_ = 	snop;
	(pc) =	sbr.rel @p0 .LBB2_1-.Ltmp1, $3  }
0xfc: {  	_ =	sdelay $0x1  }
0xfd: {  	[sflag:s13] =	ssyncset.done $0x0  }
0xfe: {  	[sflag:s13] =	ssyncadd.s32 $0xFFFFFB00  }
0xff: {  	_ =	sfence.sel $0x180000  }
0x100: {  	[bflag:$0x0] =	sbarrier.arrive $0xFFFF  }
0x101: {  	_ =	strace $0x9000004D  }
0x102: {  	s0 =	stileid.u32;
	[bflag:$0x2] =	sbarrier.arrive $0xFFFF  }
0x103: {  	p0 =	sne.s32 s0, $0x0;
	s0 =	rddreg [dreg:$0x3]  }
0x104: {  	s0 =	sadd.s32 @!p0 $0x100000, s0  }
0x105: {  	[sflag:s0] =	ssyncadd.tile.s32 @!p0 $0x1;
	_ =	shalt  }
.Lfunc_end2:
_tile_overlayer_lowered:
.L_overlay_start_2:
0x106: {  	(tag) =	ssettag $0x2  }
0x107: {  	s0 =	rddreg [dreg:$0x0];
	s2 =	stileid.u32  }
0x108: {  	s1 =	rddreg [dreg:$0x1];
	p0 =	sne.s32 s2, $0x0  }
0x109: {  	s3 =	rddreg [dreg:$0x2];
	[bflag:$0x3] =	sbarrier.arrive $0xFFFF;
	s2 =	simm.s32 @!p0 $0x1C11  }
0x10a: {  	[timem:s3], [sflag:s2] =	dma.local @!p0 [hbm:s0], s1  }
0x10b: {  	s0 =	simm.s32 @!p0 $0x11  }
0x10c: {  	_ =	swait.ge @!p0 [sflag:s0], s1  }
0x10d: {  	s1 =	ssub.s32 @!p0 $0x0, s1;
	[sflag:s0] =	ssyncset.done @!p0 $0x0  }
0x10e: {  	[sflag:s0] =	ssyncadd.s32 @!p0 s1  }
0x10f: {  	[bflag:$0x3] =	sbarrier.arrive $0xFFFF  }
0x110: {  	_ =	shalt  }

// kernel: kernel.8.cloned.1.call-start
scs
__scs_entry_jumppad:
0x0: {  	(pc) =	sbr.rel $0x88, $3  }
0x1: {  	(tag) =	ssettag $0x0;
	lr =	simm.s32 $0x1  }
0x2: {  	[smem:$0x3F9B] =	sst lr;
	_ =	strace $0xD0000000  }
0x3: {  	_ = 	snop  }
0x4: {  	_ = 	snop  }
0x5: {  	_ = 	snop  }
0x6: {  	_ = 	snop  }
0x7: {  	_ = 	snop  }
__scs_overlays_trampoline_lowered:
0x8: {  	[smem:$0x3FAA] =	sst s0  }
0x9: {  	[smem:$0x3FAB] =	sst s1  }
0xa: {  	[smem:$0x3FAC] =	sst s2  }
0xb: {  	[smem:$0x3FAD] =	sst s3  }
0xc: {  	[smem:$0x3FAE] =	sst s4  }
0xd: {  	[smem:$0x3FAF] =	sst s5  }
0xe: {  	[smem:$0x3FB0] =	sst s6  }
0xf: {  	[smem:$0x3FB1] =	sst s7  }
0x10: {  	[smem:$0x3FB2] =	sst s8  }
0x11: {  	[smem:$0x3FB3] =	sst s9;
	s0 =	simm.s32 @!p0 $0x0  }
0x12: {  	s1 =	sld [smem:$0x3F99];
	s0 =	simm.s32 @p0 $0x1  }
0x13: {  	[smem:$0x3FB4] =	sst s0;
	s0 =	simm.s32 @!p1 $0x0  }
0x14: {  	s2 =	sld [smem:$0x3F98];
	s0 =	simm.s32 @p1 $0x1  }
0x15: {  	[smem:$0x3FB5] =	sst s0;
	s0 =	simm.s32 @!p2 $0x0  }
0x16: {  	s3 =	sld [smem:$0x3FDB];
	s0 =	simm.s32 @p2 $0x1  }
0x17: {  	s4 =	simm.s32 $0x1BF5;
	[smem:$0x3FB7] =	sst s0  }
0x18: {  	s0 =	sld [smem:$0x3F9A];
	_ =	swait.ge [sflag:s4], $0x0  }
0x19: {  	s7 =	sld [smem:$0x3F9B]  }
0x1a: {  	s8 =	sadd.s32 $0xFFFFE003, lr  }
0x1b: {  	s9 =	sadd.s32 $0xFFFFFEF7, lr;
	s5 =	simm.s32 $0xFFFFFFFF;
	p2 =	slt.u32 s8, $0xFFFFF086  }
0x1c: {  	p1 =	slt.u32 s9, $0xF7A;
	s5 =	simm.s32 @!p2 $0x0  }
0x1d: {  	s5 =	simm.s32 @p1 $0x1;
	p0 =	seq.s32 s7, s2  }
0x1e: {  	s7 =	smul.u32 @!p0 $0xF7A, s2;
	p2 =	seq.s32 @!p0 s5, $0x0  }
0x1f: {  	s9 =	smul.u32 $0xF7A, s1;
	s8 =	simm.s32 @!p0 $0x1BF5;
	p2 =	por !p2, p0  }
0x20: {  	[sflag:s8] =	ssyncset.s32 @!p0 $0xFFFFF086;
	s6 =	sadd.s32 @!p0 s3, s7;
	s7 =	simm.s32 @!p0 $0x108  }
0x21: {  	s3 =	sadd.s32 s3, s9;
	s6 =	sadd.s32 @!p0 $0x88, s6;
	s7 =	simm.s32 @p2 $0x1082  }
0x22: {  	[simem:s7], [sflag:s8] =	dma.local @!p0 [hbm:s6], $0xF7A  }
0x23: {  	s9 =	sor.u32 $0xD0000000, s2;
	s6 =	simm.s32 $0x108;
	_ =	swait.ge @!p0 [sflag:s8], $0x0  }
0x24: {  	s3 =	sadd.s32 $0x88, s3;
	s6 =	simm.s32 @!p1 $0x1082;
	[sflag:s4] =	ssyncset.s32 $0xFFFFF086  }
0x25: {  	[simem:s6], [sflag:s4] =	dma.local [hbm:s3], $0xF7A  }
0x26: {  	[smem:$0x3F9B] =	sst s1;
	(tag) =	ssettag s2;
	_ =	strace s9  }
0x27: {  	s1 =	sld [smem:$0x3FAB]  }
0x28: {  	s2 =	sld [smem:$0x3FAC]  }
0x29: {  	s4 =	sld [smem:$0x3FAE]  }
0x2a: {  	p0 =	seq.s32 s5, $0x0;
	s5 =	sld [smem:$0x3FAF]  }
0x2b: {  	s6 =	sld [smem:$0x3FB0]  }
0x2c: {  	s7 =	sld [smem:$0x3FB1]  }
0x2d: {  	s3 =	simm.s32 $0x108;
	s8 =	sld [smem:$0x3FB2]  }
0x2e: {  	s3 =	simm.s32 @!p0 $0x1082;
	s9 =	sld [smem:$0x3FB3]  }
0x2f: {  	lr =	sadd.s32 s0, s3;
	s0 =	sld [smem:$0x3FAA]  }
0x30: {  	s3 =	sld [smem:$0x3FAD]  }
0x31: {  	[smem:$0x3FB6] =	sst s10  }
0x32: {  	s10 =	sld [smem:$0x3FB4];
	_ =	sdelay $0x3  }
0x33: {  	p0 =	seq.s32 s10, $0x1;
	s10 =	sld [smem:$0x3FB6];
	_ =	sdelay $0x3  }
0x34: {  	[smem:$0x3FB6] =	sst s10  }
0x35: {  	s10 =	sld [smem:$0x3FB5];
	_ =	sdelay $0x3  }
0x36: {  	p1 =	seq.s32 s10, $0x1;
	s10 =	sld [smem:$0x3FB6];
	_ =	sdelay $0x3  }
0x37: {  	[smem:$0x3FB6] =	sst s10  }
0x38: {  	s10 =	sld [smem:$0x3FB7]  }
0x39: {  	_ = 	snop;
	(pc) =	sbr.ind lr, $3  }
0x3a: {  	_ = 	snop  }
0x3b: {  	_ = 	snop  }
0x3c: {  	p2 =	seq.s32 s10, $0x1;
	s10 =	sld [smem:$0x3FB6]  }
0x3d: {  	_ =	shalt  }
0x3e: {  	_ =	shalt  }
0x3f: {  	_ =	shalt  }
0x40: {  	_ =	shalt  }
0x41: {  	_ =	shalt  }
0x42: {  	_ =	shalt  }
0x43: {  	_ =	shalt  }
0x44: {  	_ =	shalt  }
0x45: {  	_ =	shalt  }
0x46: {  	_ =	shalt  }
0x47: {  	_ =	shalt  }
0x48: {  	_ =	shalt  }
0x49: {  	_ =	shalt  }
0x4a: {  	_ =	shalt  }
0x4b: {  	_ =	shalt  }
0x4c: {  	_ =	shalt  }
0x4d: {  	_ =	shalt  }
0x4e: {  	_ =	shalt  }
0x4f: {  	_ =	shalt  }
0x50: {  	_ =	shalt  }
0x51: {  	_ =	shalt  }
0x52: {  	_ =	shalt  }
0x53: {  	_ =	shalt  }
0x54: {  	_ =	shalt  }
0x55: {  	_ =	shalt  }
0x56: {  	_ =	shalt  }
0x57: {  	_ =	shalt  }
0x58: {  	_ =	shalt  }
0x59: {  	_ =	shalt  }
0x5a: {  	_ =	shalt  }
0x5b: {  	_ =	shalt  }
0x5c: {  	_ =	shalt  }
0x5d: {  	_ =	shalt  }
0x5e: {  	_ =	shalt  }
0x5f: {  	_ =	shalt  }
0x60: {  	_ =	shalt  }
0x61: {  	_ =	shalt  }
0x62: {  	_ =	shalt  }
0x63: {  	_ =	shalt  }
0x64: {  	_ =	shalt  }
0x65: {  	_ =	shalt  }
0x66: {  	_ =	shalt  }
0x67: {  	_ =	shalt  }
0x68: {  	_ =	shalt  }
0x69: {  	_ =	shalt  }
0x6a: {  	_ =	shalt  }
0x6b: {  	_ =	shalt  }
0x6c: {  	_ =	shalt  }
0x6d: {  	_ =	shalt  }
0x6e: {  	_ =	shalt  }
0x6f: {  	_ =	shalt  }
0x70: {  	_ =	shalt  }
0x71: {  	_ =	shalt  }
0x72: {  	_ =	shalt  }
0x73: {  	_ =	shalt  }
0x74: {  	_ =	shalt  }
0x75: {  	_ =	shalt  }
0x76: {  	_ =	shalt  }
0x77: {  	_ =	shalt  }
0x78: {  	_ =	shalt  }
0x79: {  	_ =	shalt  }
0x7a: {  	_ =	shalt  }
0x7b: {  	_ =	shalt  }
0x7c: {  	_ =	shalt  }
0x7d: {  	_ =	shalt  }
0x7e: {  	_ =	shalt  }
0x7f: {  	_ =	shalt  }
0x80: {  	_ =	shalt  }
0x81: {  	_ =	shalt  }
0x82: {  	_ =	shalt  }
0x83: {  	_ =	shalt  }
0x84: {  	_ =	shalt  }
0x85: {  	_ =	shalt  }
0x86: {  	_ =	shalt  }
0x87: {  	_ =	shalt  }
.Lfunc_end0:
.L_simem_size_0:
called_computation_lowered:
.L_overlay_start_0:
0x88: {  	s2 =	sld [smem:$0x3FD9]  }
0x89: {  	s3 =	sld [smem:$0x3FFE];
	_ =	sdelay $0x1  }
0x8a: {  	s1 =	srdreg.scid  }
0x8b: {  	s0 =	sand.u32 $0x1, s1  }
0x8c: {  	s17 =	sshll.u32 s0, $0xA;
	s2 =	sadd.s32 s3, s2  }
0x8d: {  	s2 =	sadd.s32 s2, s17  }
0x8e: {  	[smem:$0x3FC2] =	sst s2  }
0x8f: {  	_ = 	snop  }
0x90: {  	s2 =	sld [smem:$0x3FC8]  }
0x91: {  	s18 =	sld [smem:$0x3FD0];
	(tm) =	ssettm $0x1  }
0x92: {  	s4 =	sld [smem:$0x3FFB];
	_ =	sdelay $0x3  }
0x93: {  	_ =	strace s4  }
0x94: {  	s4 =	sld [smem:$0x3FFC];
	_ =	sdelay $0x3  }
0x95: {  	_ =	strace s4  }
0x96: {  	s4 =	sld [smem:$0x3FFD];
	_ =	sdelay $0x3  }
0x97: {  	_ =	strace s4  }
0x98: {  	_ =	strace $0x8FFFFFFF  }
0x99: {  	s19 =	sld [smem:$0x3FDB];
	_ =	sdelay $0x1  }
0x9a: {  	s5 =	simm.s32 $_scs_section_size  }
0x9b: {  	s6 =	simm.s32 $_size__tile_overlayer_lowered;
	s7 =	simm.s32 $_tile_overlayer_lowered  }
0x9c: {  	s22 =	simm.s32 $0x1BFF;
	s21 =	sshll.u32 s7, $0x1;
	s4 =	sadd.s32 s5, s19  }
0x9d: {  	s8 =	simm.s32 $0x0;
	s20 =	sshll.u32 s6, $0x1;
	s6 =	sadd.s32 s21, s4  }
0x9e: {  	[timem:s8], [sflag:s22] =	dma.local [hbm:s6], s20  }
0x9f: {  	_ =	swait.ge [sflag:s22], s20  }
0xa0: {  	s5 =	ssub.s32 $0x0, s20;
	[sflag:s22] =	ssyncset.done $0x0  }
0xa1: {  	[sflag:s22] =	ssyncadd.s32 s5;
	_ =	sdelay $0x1  }
0xa2: {  	s23 =	simm.s32 $0x1B8B  }
0xa3: {  	_ =	swait.ge [sflag:s23], $0x1  }
0xa4: {  	[sflag:s23] =	ssyncset.done $0x0  }
0xa5: {  	s25 =	simm.s32 $0x1B8E;
	s24 =	sld [smem:$0x3FFE];
	[sflag:s23] =	ssyncadd.s32 $0xFFFFFFFF  }
0xa6: {  	s26 =	simm.s32 $execute0_lowered;
	[smem:$0x3FD2] =	sst s25  }
0xa7: {  	s6 =	sshll.u32 s26, $0x1;
	_ =	strace $0x80000046;
	[dreg:$0x1] =	wrdreg $0xFFFFFFFF  }
0xa8: {  	s28 =	simm.s32 $_size_execute0_lowered;
	s4 =	sadd.s32 s4, s6;
	[dreg:$0x0] =	wrdreg $0x0  }
0xa9: {  	s6 =	sshll.u32 s28, $0x1;
	[dreg:$0x2] =	wrdreg s4  }
0xaa: {  	[dreg:$0x3] =	wrdreg s6  }
0xab: {  	[dreg:$0x4] =	wrdreg $0xC0  }
0xac: {  	_ =	task [dreg:s8], $0x5FFFF  }
0xad: {  	[dreg:$0x1] =	wrdreg $0xFFFFFFFF  }
0xae: {  	[dreg:$0x0] =	wrdreg $0x60  }
0xaf: {  	[dreg:$0x2] =	wrdreg s2  }
0xb0: {  	[dreg:$0x3] =	wrdreg s18  }
0xb1: {  	[dreg:$0x4] =	wrdreg s24  }
0xb2: {  	[dreg:$0x5] =	wrdreg $0x4000  }
0xb3: {  	[dreg:$0x6] =	wrdreg $0x9  }
0xb4: {  	_ =	task.clear_ibuf [dreg:s8], $0x7FFFF;
	_ =	strace $0x90000046  }
0xb5: {  	s29 =	simm.s32 $0x9;
	_ =	strace $0x80000048  }
0xb6: {  	_ =	swait.ge [sflag:s29], $0x1  }
0xb7: {  	[sflag:s29] =	ssyncadd.s32 $0xFFFFFFFF  }
0xb8: {  	_ =	strace $0x90000048  }
0xb9: {  	_ =	sfence  }
0xba: {  	s30 =	sld [smem:$0x0];
	_ =	sdelay $0x2  }
0xbb: {  	s31 =	sshll.u32 s1, $0xD;
	s1 =	sshrl.u32 s1, $0x2  }
0xbc: {  	s3 =	sand.u32 $0x4000, s31;
	s1 =	sadd.s32 s1, s30  }
0xbd: {  	s0 =	sor.u32 s3, s0;
	s1 =	sshll.u32 s1, $0x11  }
0xbe: {  	s0 =	sor.u32 s1, s0  }
0xbf: {  	s0 =	sadd.s32 $0x8F2B, s0  }
0xc0: {  	[sflag:s0] =	ssyncadd.remote.s32 $0x1  }
0xc1: {  	_ =	sfence.sel $0xFFFF  }
0xc2: {  	[dreg:$0x0] =	wrdreg $0xFFFFFFFF;
	(pc) =	sbr.abs _section_cstart, $3  }
0xc3: {  	[dreg:$0x1] =	wrdreg $0xFFFFFFFF  }
0xc4: {  	_ =	task.clear_ibuf [dreg:s8], $0x2FFFF;
	_ =	strace $0x9FFFFFFF  }
0xc5: {  	(tm) =	ssettm $0x7FFFFFFF  }
tec
execute0_lowered:
.L_overlay_start_1:
0x0: {  	(tag) =	ssettag $0x1  }
0x1: {  	s8 =	rddreg [dreg:$0x0]  }
0x2: {  	s1 =	rddreg [dreg:$0x1]  }
0x3: {  	s5 =	rddreg [dreg:$0x2]  }
0x4: {  	s3 =	rddreg [dreg:$0x3]  }
0x5: {  	s0 =	rddreg [dreg:$0x4]  }
0x6: {  	s4 =	simm.s32 $0x0;
	s6 =	srdreg.scid;
	s2 =	stileid.u32  }
0x7: {  	s16 =	simm.s32 $0x80;
	s17 =	simm.s32 $0x1;
	s7 =	smul.u32 $0x500, s2  }
0x8: {  	s18 =	simm.s32 $0x2;
	s19 =	simm.s32 $0x0;
	s24 =	smul.u32 $0x280, s2  }
0x9: {  	[smem:$0x7FF] =	sst s4;
	s6 =	sand.u32 $0x1, s6;
	s14 =	smul.u32 $0x4E, s2  }
0xa: {  	s15 =	sadd.s32 $0x10, s8;
	_ =	strace $0x80000047;
	s9 =	sshll.u32 s6, $0x7  }
0xb: {  	s10 =	sshll.u32 s6, $0x4;
	s23 =	ssub.s32 $0x2, s6;
	s26 =	smul.u32 $0x4E0, s6  }
0xc: {  	s7 =	sor.u32 s9, s7;
	s10 =	sor.u32 s2, s10;
	s11 =	sshrl.u32 s23, $0x1  }
0xd: {  	s28 =	sshrl.u32 s24, $0x3;
	s7 =	sshrl.u32 s7, $0x3;
	s12 =	smul.u32 $0x4E, s10  }
0xe: {  	s9 =	ssub.s32 s23, s11;
	s25 =	smin.u32 s10, $0x4;
	p0 =	slt.u32 s10, $0x4  }
0xf: {  	s6 =	sadd.s32 s1, s28;
	s10 =	sadd.s32 s14, s26;
	s14 =	simm.s32 $0x3  }
0x10: {  	s13 =	sadd.s32 s7, s5;
	s5 =	simm.s32 $0x4F;
	s7 =	sadd.s32 s24, s3  }
0x11: {  	s10 =	sadd.s32 s25, s10;
	s9 =	smax.u32 s9, $0x1;
	s12 =	sadd.s32 s25, s12  }
0x12: {  	s5 =	simm.s32 @!p0 $0x4E;
	s8 =	sadd.s32 $0x1600, s13;
	s12 =	sshll.u32 s12, $0x5  }
0x13: {  	s30 =	sshll.u32 s10, $0x5;
	s13 =	simm.s32 $0x100;
	s29 =	sadd.s32 $0x20, s12  }
0x14: {  	s31 =	sadd.s32 s15, s30;
	s10 =	sadd.s32 s12, s15;
	s11 =	sand.u32 $0x1FFFFFE0, s29  }
0x15: {  	s12 =	sadd.s32 $0x40, s31;
	s11 =	sadd.s32 s11, s15;
	s15 =	simm.s32 $0x180  }
.LBB2_1:
0x16: {  	[tilespmem:s13], [sflag:$0x3] =	stream.linear.gather [hbm4b:s1+s4], $0x80, $0x38;
	[tilespmem:$0x680] =	vst v63  }
0x17: {  	_ =	swait.ge [sflag:s14], $0x80  }
0x18: {  	[sflag:s14] =	ssyncset.done $0x0  }
0x19: {  	[sflag:s14] =	ssyncadd.s32 $0xFFFFFF80  }
0x1a: {  	[tilespmem:s15], [sflag:$0x3] =	stream.linear.gather [hbm4b:s6+s4], $0x280, $0x38;
	[tilespmem:$0x680] =	vst v63  }
0x1b: {  	_ =	swait.ge [sflag:s14], $0x280  }
0x1c: {  	[sflag:s14] =	ssyncset.done $0x0  }
0x1d: {  	[sflag:s14] =	ssyncadd.s32 $0xFFFFFD80  }
0x1e: {  	[spmem:s7] =	stream.linear.scatter [tilespmem:s15], [sflag:$0x3], $0x280, $0x38;
	[tilespmem:$0x680] =	vst v63  }
0x1f: {  	_ =	swait.ge [sflag:s14], $0x280  }
0x20: {  	[sflag:s14] =	ssyncset.done $0x0  }
0x21: {  	[sflag:s14] =	ssyncadd.s32 $0xFFFFFD80  }
0x22: {  	[bflag:$0x0] =	sbarrier.arrive $0xFFFF  }
0x23: {  	[tilespmem:s4], [sflag:$0x3] =	stream.linear.gather [hbm4b:s10+s4], $0x80, $0x38;
	[tilespmem:$0x680] =	vst v63  }
0x24: {  	_ =	swait.ge [sflag:s14], $0x80  }
0x25: {  	[sflag:s14] =	ssyncset.done $0x0  }
0x26: {  	[sflag:s14] =	ssyncadd.s32 $0xFFFFFF80  }
0x27: {  	[spmem:s3] =	stream.indirect.scatter.add.f32 [tilespmem:s13], [sflag:$0x1], $0x1, s4, s16, $0xb8;
	[tilespmem:$0x680] =	vst v63  }
0x28: {  	p0 =	sne.s32 s5, $0x3  }
0x29: {  	[tilespmem:s16], [sflag:$0x3] =	stream.linear.gather [hbm4b:s11+s4], $0x80, $0x38;
	[tilespmem:$0x680] =	vst v63  }
.Ltmp0:
0x2a: {  	_ = 	snop;
	(pc) =	sbr.rel @!p0 .LBB2_2-.Ltmp0, $4  }
0x2b: {  	_ =	swait.ge [sflag:s14], $0x80  }
0x2c: {  	s20 =	sand.u32 $0x1, s18;
	s24 =	simm.s32 $0x3;
	[sflag:s14] =	ssyncset.done $0x0  }
0x2d: {  	p1 =	por $0x0, $0x0;
	p2 =	seq.s32 s20, $0x1;
	[sflag:s14] =	ssyncadd.s32 $0xFFFFFF80  }
0x2e: {  	[spmem:s3] =	stream.indirect.scatter.add.f32 [tilespmem:s13], [sflag:$0x2], $0x1, s16, s16, $0xb8;
	[tilespmem:$0x680] =	vst v63  }
0x2f: {  	s20 =	simm.s32 @p2 $0x2  }
0x30: {  	p0 =	por p2, p2;
	_ =	swait.ge @p2 [sflag:s20], $0x80  }
0x31: {  	s21 =	simm.s32 @p0 $0x3;
	[sflag:s20] =	ssyncset.done @p0 $0x0  }
0x32: {  	s22 =	simm.s32 @p0 $0x80;
	[sflag:s20] =	ssyncadd.s32 @p0 $0xFFFFFF80;
	s20 =	simm.s32 @p0 $0x0  }
0x33: {  	[tilespmem:s22], [sflag:$0x3] =	stream.linear.gather @p0 [hbm4b:s12+s20], $0x80, $0x38;
	[tilespmem:$0x680] =	vst v63  }
0x34: {  	_ =	swait.ge @p0 [sflag:s21], $0x80  }
0x35: {  	p3 =	sne.s32 s5, $0x4;
	[sflag:s21] =	ssyncset.done @p0 $0x0  }
0x36: {  	s23 =	simm.s32 @!p0 $0x1;
	s20 =	simm.s32 @p0 $0x100;
	[sflag:s21] =	ssyncadd.s32 @p0 $0xFFFFFF80  }
0x37: {  	[spmem:s3] =	stream.indirect.scatter.add.f32 @p0 [tilespmem:s20], [sflag:$0x2], $0x1, s22, s22, $0xb8;
	[tilespmem:$0x680] =	vst v63  }
0x38: {  	s25 =	sand.u32 $0x1, s24;
	p1 =	por $0x1, $0x1;
	_ =	swait.ge @!p0 [sflag:s23], $0x80  }
.Ltmp1:
0x39: {  	s24 =	simm.s32 @!p0 $0x100;
	[sflag:s23] =	ssyncset.done @!p0 $0x0;
	(pc) =	sbr.rel @!p3 .LBB2_5-.Ltmp1, $4  }
0x3a: {  	s22 =	simm.s32 @!p0 $0x0;
	[sflag:s23] =	ssyncadd.s32 @!p0 $0xFFFFFF80;
	s23 =	simm.s32 @!p0 $0x3  }
0x3b: {  	[tilespmem:s22], [sflag:$0x3] =	stream.linear.gather @!p0 [hbm4b:s12+s22], $0x80, $0x38;
	[tilespmem:$0x680] =	vst v63  }
0x3c: {  	p2 =	seq.s32 s25, $0x1;
	s25 =	simm.s32 @!p0 $0x80;
	_ =	swait.ge @!p0 [sflag:s23], $0x80  }
0x3d: {  	s21 =	simm.s32 $0x4;
	s20 =	sadd.s32 $0x20, s12;
	[sflag:s23] =	ssyncset.done @!p0 $0x0  }
.LBB2_4:
0x3e: {  	s26 =	simm.s32 @p2 $0x2;
	[sflag:s23] =	ssyncadd.s32 @!p0 $0xFFFFFF80  }
0x3f: {  	s28 =	smov.u32 s21;
	s21 =	sadd.s32 $0x1, s21;
	s29 =	smov.u32 s20  }
0x40: {  	[spmem:s3] =	stream.indirect.scatter.add.f32 @!p0 [tilespmem:s24], [sflag:$0x1], $0x1, s22, s25, $0xb8;
	[tilespmem:$0x680] =	vst v63  }
0x41: {  	p3 =	sne.s32 s5, s21;
	p0 =	por p2, p2;
	_ =	swait.ge @p2 [sflag:s26], $0x80  }
0x42: {  	s22 =	simm.s32 @p0 $0x3;
	[sflag:s26] =	ssyncset.done @p0 $0x0  }
0x43: {  	s23 =	simm.s32 @p0 $0x0;
	s24 =	simm.s32 @p0 $0x80;
	[sflag:s26] =	ssyncadd.s32 @p0 $0xFFFFFF80  }
0x44: {  	[tilespmem:s24], [sflag:$0x3] =	stream.linear.gather @p0 [hbm4b:s20+s23], $0x80, $0x38;
	[tilespmem:$0x680] =	vst v63  }
0x45: {  	_ =	swait.ge @p0 [sflag:s22], $0x80  }
0x46: {  	[sflag:s22] =	ssyncset.done @p0 $0x0  }
0x47: {  	s23 =	simm.s32 @!p0 $0x1;
	[sflag:s22] =	ssyncadd.s32 @p0 $0xFFFFFF80;
	s22 =	simm.s32 @p0 $0x100  }
0x48: {  	[spmem:s3] =	stream.indirect.scatter.add.f32 @p0 [tilespmem:s22], [sflag:$0x2], $0x1, s24, s24, $0xb8;
	[tilespmem:$0x680] =	vst v63  }
0x49: {  	_ =	swait.ge @!p0 [sflag:s23], $0x80  }
.Ltmp2:
0x4a: {  	s20 =	sadd.s32 $0x20, s20;
	[sflag:s23] =	ssyncset.done @!p0 $0x0;
	(pc) =	sbr.rel @p3 .LBB2_4-.Ltmp2, $4  }
0x4b: {  	s22 =	simm.s32 @!p0 $0x0;
	[sflag:s23] =	ssyncadd.s32 @!p0 $0xFFFFFF80;
	s23 =	simm.s32 @!p0 $0x3  }
0x4c: {  	[tilespmem:s22], [sflag:$0x3] =	stream.linear.gather @!p0 [hbm4b:s29+s22], $0x80, $0x38;
	[tilespmem:$0x680] =	vst v63  }
0x4d: {  	s25 =	sand.u32 $0x1, s28;
	s24 =	simm.s32 @!p0 $0x100;
	_ =	swait.ge @!p0 [sflag:s23], $0x80  }
0x4e: {  	p2 =	seq.s32 s25, $0x1;
	s25 =	simm.s32 @!p0 $0x80;
	[sflag:s23] =	ssyncset.done @!p0 $0x0  }
.LBB2_5:
0x4f: {  	p0 =	por p0, !p1  }
0x50: {  	s21 =	simm.s32 @p2 $0x2;
	[sflag:s23] =	ssyncadd.s32 @!p0 $0xFFFFFF80  }
0x51: {  	[spmem:s3] =	stream.indirect.scatter.add.f32 @!p0 [tilespmem:s24], [sflag:$0x1], $0x1, s22, s25, $0xb8;
	[tilespmem:$0x680] =	vst v63  }
0x52: {  	p0 =	por p2, p2;
	_ =	swait.ge @p2 [sflag:s21], $0x80  }
0x53: {  	s22 =	simm.s32 @p0 $0x3;
	[sflag:s21] =	ssyncset.done @p0 $0x0  }
0x54: {  	s23 =	simm.s32 @p0 $0x80;
	[sflag:s21] =	ssyncadd.s32 @p0 $0xFFFFFF80;
	s21 =	simm.s32 @p0 $0x0  }
0x55: {  	[tilespmem:s23], [sflag:$0x3] =	stream.linear.gather @p0 [hbm4b:s20+s21], $0x80, $0x38;
	[tilespmem:$0x680] =	vst v63  }
0x56: {  	_ =	swait.ge @p0 [sflag:s22], $0x80  }
0x57: {  	[sflag:s22] =	ssyncset.done @p0 $0x0  }
0x58: {  	s21 =	simm.s32 @p0 $0x100;
	[sflag:s22] =	ssyncadd.s32 @p0 $0xFFFFFF80;
	s22 =	simm.s32 @!p0 $0x1  }
0x59: {  	[spmem:s3] =	stream.indirect.scatter.add.f32 @p0 [tilespmem:s21], [sflag:$0x2], $0x1, s23, s23, $0xb8;
	[tilespmem:$0x680] =	vst v63  }
0x5a: {  	_ =	swait.ge @!p0 [sflag:s22], $0x80  }
0x5b: {  	[sflag:s22] =	ssyncset.done @!p0 $0x0  }
0x5c: {  	s21 =	simm.s32 @!p0 $0x0;
	[sflag:s22] =	ssyncadd.s32 @!p0 $0xFFFFFF80;
	s22 =	simm.s32 @!p0 $0x3  }
0x5d: {  	[tilespmem:s21], [sflag:$0x3] =	stream.linear.gather @!p0 [hbm4b:s20+s21], $0x80, $0x38;
	[tilespmem:$0x680] =	vst v63  }
0x5e: {  	_ =	swait.ge @!p0 [sflag:s22], $0x80  }
0x5f: {  	[sflag:s22] =	ssyncset.done @!p0 $0x0  }
0x60: {  	s23 =	simm.s32 @!p0 $0x80;
	s20 =	simm.s32 @!p0 $0x100;
	[sflag:s22] =	ssyncadd.s32 @!p0 $0xFFFFFF80  }
0x61: {  	[spmem:s3] =	stream.indirect.scatter.add.f32 @!p0 [tilespmem:s20], [sflag:$0x1], $0x1, s21, s23, $0xb8;
	[tilespmem:$0x680] =	vst v63  }
0x62: {  	_ =	swait.ge [sflag:s17], $0x80  }
0x63: {  	[sflag:s17] =	ssyncset.done $0x0  }
0x64: {  	[sflag:s17] =	ssyncadd.s32 $0xFFFFFF80  }
0x65: {  	_ =	swait.ge [sflag:s18], $0x80  }
0x66: {  	[sflag:s18] =	ssyncset.done $0x0  }
0x67: {  	[sflag:s18] =	ssyncadd.s32 $0xFFFFFF80  }
0x68: {  	[bflag:$0x0] =	sbarrier.arrive $0xFFFF  }
0x69: {  	[tilespmem:s15], [sflag:$0x3] =	stream.linear.gather [spmem:s7], $0x280, $0x38;
	[tilespmem:$0x680] =	vst v63  }
0x6a: {  	_ =	swait.ge [sflag:s14], $0x280  }
0x6b: {  	s19 =	sadd.s32 $0x1, s19;
	[sflag:s14] =	ssyncset.done $0x0  }
0x6c: {  	p0 =	sne.s32 s19, s9;
	[sflag:s14] =	ssyncadd.s32 $0xFFFFFD80  }
0x6d: {  	[hbm4b:s8+s16] =	stream.strided.scatter [tilespmem:s15], [sflag:$0x3], $0x280, s13, s16, $0x38;
	[tilespmem:$0x680] =	vst v63  }
.Ltmp3:
0x6e: {  	_ = 	snop;
	(pc) =	sbr.rel @p0 .LBB2_1-.Ltmp3, $4  }
.Ltmp4:
0x6f: {  	_ = 	snop;
	(pc) =	sbr.rel @!p0 .LBB2_6-.Ltmp4, $4  }
0x70: {  	_ =	swait.ge [sflag:s14], $0x280  }
0x71: {  	[sflag:s14] =	ssyncset.done $0x0  }
0x72: {  	[sflag:s14] =	ssyncadd.s32 $0xFFFFFD80  }
0x73: {  	_ = 	snop  }
.LBB2_2:
.Ltmp5:
0x74: {  	(pc) =	sbr.rel .LBB2_5-.Ltmp5, $2  }
0x75: {  	_ =	sdelay $0x2  }
0x76: {  	s20 =	smov.u32 s12  }
.LBB2_6:
0x77: {  	_ =	sfence.sel $0x180000  }
0x78: {  	[bflag:$0x0] =	sbarrier.arrive $0xFFFF  }
0x79: {  	p0 =	sne.s32 s2, $0x0;
	_ =	strace $0x90000047  }
0x7a: {  	s0 =	sadd.s32 @!p0 $0x100000, s0;
	[bflag:$0x2] =	sbarrier.arrive $0xFFFF  }
0x7b: {  	[sflag:s0] =	ssyncadd.tile.s32 @!p0 $0x1;
	_ =	shalt  }
.Lfunc_end2:
_tile_overlayer_lowered:
.L_overlay_start_2:
0x7c: {  	(tag) =	ssettag $0x2  }
0x7d: {  	s0 =	rddreg [dreg:$0x0];
	s2 =	stileid.u32  }
0x7e: {  	s1 =	rddreg [dreg:$0x1];
	p0 =	sne.s32 s2, $0x0  }
0x7f: {  	s3 =	rddreg [dreg:$0x2];
	[bflag:$0x3] =	sbarrier.arrive $0xFFFF;
	s2 =	simm.s32 @!p0 $0x1C03  }
0x80: {  	[timem:s3], [sflag:s2] =	dma.local @!p0 [hbm:s0], s1  }
0x81: {  	s0 =	simm.s32 @!p0 $0x3  }
0x82: {  	_ =	swait.ge @!p0 [sflag:s0], s1  }
0x83: {  	s1 =	ssub.s32 @!p0 $0x0, s1;
	[sflag:s0] =	ssyncset.done @!p0 $0x0  }
0x84: {  	[sflag:s0] =	ssyncadd.s32 @!p0 s1  }
0x85: {  	[bflag:$0x3] =	sbarrier.arrive $0xFFFF  }
0x86: {  	_ =	shalt  }

</sc_bundles>
